<compile_context>
chip_gen: v7x
topology: tpu7x:2x2x1
jax: 0.10.2.dev20260603
libtpu: 0.0.44.dev20260713+nightly
codegen_flags: <defaults>
</compile_context>

<pallas_src>
import jax
import jax.numpy as jnp
from jax import lax
from jax.experimental import pallas as pl
from jax.experimental.pallas import tpu as pltpu
from jax.experimental.pallas import tpu_sc as plsc

N = 10000
D = 256
DW = D // 2
E = 160000
NUM_PIDS = 1000
SQRT_EPS = 1e-12
USER_MARGIN = 1.0
INFLUENCER_MARGIN = 1.0
UI_WEIGHT = 1.0
II_WEIGHT = 1.0
NEG_RATIO = 1.0

CH = 128
NCHUNK = 1280
EPAD = NCHUNK * CH
NW = 32
CPW = NCHUNK // NW
NPAD = N + 16


def _sc_body(src1, dst1, ui_s, ui_d, ii_s, ii_d, u_hbm, i_hbm,
             part_sum, part_cnt, dsq_ui_out, dsq_ii_out,
             idx_a0, idx_b0, idx_a1, idx_b1,
             rows_a0, rows_b0, rows_a1, rows_b1,
             dsq_v, acc_sum, acc_cnt,
             sem_a0, sem_b0, sem_a1, sem_b1):
    wid = lax.axis_index("s") * 2 + lax.axis_index("c")
    zeros16 = jnp.zeros((16,), jnp.float32)
    ones16 = jnp.ones((16,), jnp.float32)
    lane_iota = lax.iota(jnp.int32, 16)

    def zero_body(i, carry):
        acc_sum[pl.ds(i * 16, 16)] = zeros16
        acc_cnt[pl.ds(i * 16, 16)] = zeros16
        return carry

    lax.fori_loop(0, NPAD // 16, zero_body, 0)

    def compute_dsq(rows_a, rows_b):

        def group_body(v, carry):
            def edge_body(j, vec):
                e = v * 16 + j
                acc = zeros16
                for k in range(DW // 16):
                    wa = rows_a[e, pl.ds(k * 16, 16)]
                    wb = rows_b[e, pl.ds(k * 16, 16)]
                    a_bf = plsc.bitcast(wa, jnp.bfloat16)
                    b_bf = plsc.bitcast(wb, jnp.bfloat16)
                    du = a_bf - b_bf
                    lo, hi = plsc.unpack(
                        du, format=plsc.PackFormat.INTERLEAVED)
                    acc = acc + lo * lo + hi * hi
                return jnp.where(lane_iota == j, jnp.sum(acc), vec)

            vec = lax.fori_loop(0, 16, edge_body, zeros16)
            dsq_v[pl.ds(v * 16, 16)] = vec
            return carry

        lax.fori_loop(0, CH // 16, group_body, 0)

    def scatter_consume(idx_b):
        def scat_body(v, inner):
            idxv = idx_b[pl.ds(v * 16, 16)]
            vals = dsq_v[pl.ds(v * 16, 16)]
            plsc.addupdate_scatter(acc_sum, [idxv], vals)
            plsc.addupdate_scatter(acc_cnt, [idxv], ones16)
            return inner

        lax.fori_loop(0, CH // 16, scat_body, 0)

    def pair_loop(src_ref, dst_ref, tab_a, tab_b, out_ref):

        def pair_body(t, carry):
            c0 = wid * CPW + 2 * t
            c1 = c0 + 1
            pltpu.sync_copy(src_ref.at[c0], idx_a0)
            pltpu.sync_copy(dst_ref.at[c0], idx_b0)
            pltpu.sync_copy(src_ref.at[c1], idx_a1)
            pltpu.sync_copy(dst_ref.at[c1], idx_b1)
            cp_a0 = pltpu.async_copy(tab_a.at[idx_a0], rows_a0, sem_a0)
            cp_b0 = pltpu.async_copy(tab_b.at[idx_b0], rows_b0, sem_b0)
            cp_a1 = pltpu.async_copy(tab_a.at[idx_a1], rows_a1, sem_a1)
            cp_b1 = pltpu.async_copy(tab_b.at[idx_b1], rows_b1, sem_b1)
            cp_a0.wait()
            cp_b0.wait()
            compute_dsq(rows_a0, rows_b0)
            if out_ref is None:
                scatter_consume(idx_b0)
            else:
                pltpu.sync_copy(dsq_v, out_ref.at[c0])
            cp_a1.wait()
            cp_b1.wait()
            compute_dsq(rows_a1, rows_b1)
            if out_ref is None:
                scatter_consume(idx_b1)
            else:
                pltpu.sync_copy(dsq_v, out_ref.at[c1])
            return carry

        lax.fori_loop(0, CPW // 2, pair_body, 0)

    pair_loop(src1, dst1, u_hbm, i_hbm, None)
    pair_loop(ui_s, ui_d, u_hbm, i_hbm, dsq_ui_out)
    pair_loop(ii_s, ii_d, i_hbm, i_hbm, dsq_ii_out)

    pltpu.sync_copy(acc_sum, part_sum.at[wid])
    pltpu.sync_copy(acc_cnt, part_cnt.at[wid])


_sc_fn = pl.kernel(
    _sc_body,
    mesh=plsc.VectorSubcoreMesh(core_axis_name="c", subcore_axis_name="s"),
    compiler_params=pltpu.CompilerParams(needs_layout_passes=False),
    out_type=[
        jax.ShapeDtypeStruct((NW, NPAD), jnp.float32),
        jax.ShapeDtypeStruct((NW, NPAD), jnp.float32),
        jax.ShapeDtypeStruct((NCHUNK, CH), jnp.float32),
        jax.ShapeDtypeStruct((NCHUNK, CH), jnp.float32),
    ],
    scratch_types=[
        pltpu.VMEM((CH,), jnp.int32),
        pltpu.VMEM((CH,), jnp.int32),
        pltpu.VMEM((CH,), jnp.int32),
        pltpu.VMEM((CH,), jnp.int32),
        pltpu.VMEM((CH, DW), jnp.float32),
        pltpu.VMEM((CH, DW), jnp.float32),
        pltpu.VMEM((CH, DW), jnp.float32),
        pltpu.VMEM((CH, DW), jnp.float32),
        pltpu.VMEM((CH,), jnp.float32),
        pltpu.VMEM((NPAD,), jnp.float32),
        pltpu.VMEM((NPAD,), jnp.float32),
        pltpu.SemaphoreType.DMA,
        pltpu.SemaphoreType.DMA,
        pltpu.SemaphoreType.DMA,
        pltpu.SemaphoreType.DMA,
    ],
)


def _tc_body(part_sum_ref, part_cnt_ref, pid_ref, dsq_ui_ref, truth_ref,
             dsq_ii_ref, out_ref):
    dist_sum = jnp.sum(part_sum_ref[...], axis=0, keepdims=True)
    cnt = jnp.sum(part_cnt_ref[...], axis=0, keepdims=True)
    follower = jnp.log(dist_sum / jnp.maximum(cnt, 1.0)
                       * (1.0 / (USER_MARGIN * USER_MARGIN)))
    pid = pid_ref[...]

    pos_num = jnp.float32(0.0)
    grp_cnt = jnp.float32(0.0)
    GC = 128
    for g0 in range(0, 1024, GC):
        gi = lax.broadcasted_iota(jnp.int32, (GC, NPAD), 0) + g0
        eq = pid == gi
        gsum = jnp.sum(jnp.where(eq, follower, 0.0), axis=1)
        gcount = jnp.sum(eq.astype(jnp.float32), axis=1)
        present = gcount > 0.0
        gmean = jnp.where(present,
                          jnp.exp(gsum / jnp.maximum(gcount, 1.0)), 0.0)
        pos_num = pos_num + jnp.sum(gmean)
        grp_cnt = grp_cnt + jnp.sum(present.astype(jnp.float32))
    positive = pos_num / grp_cnt

    r_iota = lax.broadcasted_iota(jnp.int32, (NCHUNK, CH), 0)
    c_iota = lax.broadcasted_iota(jnp.int32, (NCHUNK, CH), 1)
    valid = (r_iota * CH + c_iota) < E

    d_ui = jnp.sqrt(dsq_ui_ref[...] + SQRT_EPS)
    neg = (truth_ref[...] == 0) & valid
    terms = jnp.square(jnp.maximum(USER_MARGIN - d_ui, 0.0))
    neg_sum = jnp.sum(jnp.where(neg, terms, 0.0))
    neg_cnt = jnp.sum(neg.astype(jnp.float32))
    negative = neg_sum / jnp.maximum(neg_cnt, 1.0)

    d_ii = jnp.sqrt(dsq_ii_ref[...] + SQRT_EPS)
    ii_terms = jnp.where(
        valid, jnp.square(jnp.maximum(INFLUENCER_MARGIN - d_ii, 0.0)), 0.0)
    ii_mean = jnp.sum(ii_terms) / E

    ui_loss = UI_WEIGHT * (NEG_RATIO * negative + positive)
    total = UI_WEIGHT * ui_loss + II_WEIGHT * (II_WEIGHT * ii_mean)
    out_ref[...] = jnp.broadcast_to(total, (1, 1))


def _pad_edges(edges, pad_dst):
    src = jnp.concatenate(
        [edges[0].astype(jnp.int32), jnp.zeros((EPAD - E,), jnp.int32)])
    dst = jnp.concatenate(
        [edges[1].astype(jnp.int32),
         jnp.full((EPAD - E,), pad_dst, jnp.int32)])
    return src.reshape(NCHUNK, CH), dst.reshape(NCHUNK, CH)


def _pack_bf16(table):
    bf = table.astype(jnp.bfloat16).reshape(N, DW, 2)
    return lax.bitcast_convert_type(bf, jnp.float32)


def kernel(user_embed, influencer_embed, pid, edge_index,
           user_influencer_edges, user_influencer_truth,
           influencer_influencer_edges, influencer_influencer_truth):
    src1, dst1 = _pad_edges(edge_index, N)
    ui_s, ui_d = _pad_edges(user_influencer_edges, 0)
    ii_s, ii_d = _pad_edges(influencer_influencer_edges, 0)
    truth = jnp.concatenate(
        [user_influencer_truth.astype(jnp.int32),
         jnp.ones((EPAD - E,), jnp.int32)]).reshape(NCHUNK, CH)
    pid_p = jnp.concatenate(
        [pid.astype(jnp.int32),
         jnp.full((NPAD - N,), 1 << 20, jnp.int32)]).reshape(1, NPAD)

    part_sum, part_cnt, dsq_ui, dsq_ii = _sc_fn(
        src1, dst1, ui_s, ui_d, ii_s, ii_d,
        _pack_bf16(user_embed), _pack_bf16(influencer_embed))

    out = pl.pallas_call(
        _tc_body,
        out_shape=jax.ShapeDtypeStruct((1, 1), jnp.float32),
    )(part_sum, part_cnt, pid_p, dsq_ui, truth, dsq_ii)
    return out.reshape(())

# --- scband reference (transcript-rebuilt; emitter-appended) ---
"""Pipeline reference for scband-influencer-loss-11845519802383 (READ-ONLY COPY).

The authoritative reference and input builder live on the scoring server;
editing this copy changes nothing except your own understanding.
"""

import jax, jax.numpy as jnp
import numpy as np

SQRT_EPS = 1e-12
N = 10000
D = 256
E = 160000
NUM_PIDS = 1000
USER_MARGIN = 1.0
INFLUENCER_MARGIN = 1.0
UI_WEIGHT = 1.0
II_WEIGHT = 1.0
NEG_RATIO = 1.0


def segment_mean(data, ids, num_segments):
    s = jax.ops.segment_sum(data, ids, num_segments=num_segments)
    c = jax.ops.segment_sum(jnp.ones_like(data), ids, num_segments=num_segments)
    return s / jnp.maximum(c, 1.0)


def setup_inputs(seed: int = 0):
    key = jax.random.key(seed)
    ks = jax.random.split(key, 10)
    user_embed = jax.random.normal(ks[0], (N, D), dtype=jnp.float32)
    influencer_embed = jax.random.normal(ks[1], (N, D), dtype=jnp.float32)
    pid = jax.random.randint(ks[2], (N,), 0, NUM_PIDS)
    src = jax.random.randint(ks[3], (E,), 0, N)
    # ensure every dst node has at least one incoming edge so segment-mean + log is finite
    dst = jnp.concatenate([jnp.arange(N), jax.random.randint(ks[4], (E - N,), 0, N)])
    dst = jax.random.permutation(ks[5], dst)
    edge_index = jnp.stack([src, dst])
    user_influencer_edges = jax.random.randint(ks[6], (2, E), 0, N)
    user_influencer_truth = jax.random.randint(ks[7], (E,), 0, 2)
    influencer_influencer_edges = jax.random.randint(ks[8], (2, E), 0, N)
    influencer_influencer_truth = jax.random.randint(ks[9], (E,), 0, 2)
    return {"user_embed": user_embed, "influencer_embed": influencer_embed, "pid": pid, "edge_index": edge_index, "user_influencer_edges": user_influencer_edges, "user_influencer_truth": user_influencer_truth, "influencer_influencer_edges": influencer_influencer_edges, "influencer_influencer_truth": influencer_influencer_truth}


def _forward(user_embed, influencer_embed, pid, edge_index, ui_edges, ui_truth, ii_edges, ii_truth):
    # positive part of user-influencer loss (scatter_loss=True path)
    dist_sq = jnp.sum((user_embed[edge_index[0]] - influencer_embed[edge_index[1]]) ** 2, axis=-1)
    follower_sum = segment_mean(dist_sq, edge_index[1], N) / (USER_MARGIN ** 2)
    follower_sum = jnp.log(follower_sum)
    group_mean = segment_mean(follower_sum, pid, NUM_PIDS)
    present = jax.ops.segment_sum(jnp.ones_like(follower_sum), pid, num_segments=NUM_PIDS) > 0
    num_groups = jnp.sum(present)
    influencer_prod = jnp.where(present, jnp.exp(group_mean), 0.0)
    positive_loss = jnp.sum(influencer_prod) / num_groups
    # negative (hinge) part of user-influencer loss
    hinge = jnp.where(ui_truth == 0, -1.0, ui_truth.astype(jnp.float32))
    d = jnp.sqrt(jnp.sum((user_embed[ui_edges[0]] - influencer_embed[ui_edges[1]]) ** 2, axis=-1) + SQRT_EPS)
    neg_mask = hinge == -1
    neg_terms = jnp.maximum(USER_MARGIN - d, 0.0) ** 2
    negative_loss = jnp.sum(jnp.where(neg_mask, neg_terms, 0.0)) / jnp.maximum(jnp.sum(neg_mask), 1)
    ui_loss = UI_WEIGHT * (NEG_RATIO * negative_loss + positive_loss)
    # influencer-influencer hinge loss (truth unused for loss_type='hinge', as in torch)
    d_ii = jnp.sqrt(jnp.sum((influencer_embed[ii_edges[0]] - influencer_embed[ii_edges[1]]) ** 2, axis=-1) + SQRT_EPS)
    ii_loss = II_WEIGHT * jnp.mean(jnp.maximum(INFLUENCER_MARGIN - d_ii, 0.0) ** 2)
    # forward applies the weights a second time (faithful to the torch module)
    return UI_WEIGHT * ui_loss + II_WEIGHT * ii_loss


def reference(user_embed, influencer_embed, pid, edge_index, user_influencer_edges, user_influencer_truth, influencer_influencer_edges, influencer_influencer_truth):
    return _forward(user_embed, influencer_embed, pid, edge_index, user_influencer_edges, user_influencer_truth, influencer_influencer_edges, influencer_influencer_truth)

if __name__ == "__main__":
    import jax
    _d = setup_inputs()
    print(jax.jit(kernel)(*tuple(_d.values())))

</pallas_src>

<mosaic_0001>
#map = affine_map<(d0, d1) -> (0, 0)>
module attributes {stable_mosaic.version = 14 : i64} {
  func.func @_sc_body(%arg0: i32, %arg1: i32, %arg2: memref<1280x128xi32, #tpu.memory_space<hbm>>, %arg3: memref<1280x128xi32, #tpu.memory_space<hbm>>, %arg4: memref<1280x128xi32, #tpu.memory_space<hbm>>, %arg5: memref<1280x128xi32, #tpu.memory_space<hbm>>, %arg6: memref<1280x128xi32, #tpu.memory_space<hbm>>, %arg7: memref<1280x128xi32, #tpu.memory_space<hbm>>, %arg8: memref<10000x128xf32, #tpu.memory_space<hbm>>, %arg9: memref<10000x128xf32, #tpu.memory_space<hbm>>, %arg10: memref<32x10016xf32, #tpu.memory_space<hbm>>, %arg11: memref<32x10016xf32, #tpu.memory_space<hbm>>, %arg12: memref<1280x128xf32, #tpu.memory_space<hbm>>, %arg13: memref<1280x128xf32, #tpu.memory_space<hbm>>, %arg14: memref<128xi32, #tpu.memory_space<vmem>>, %arg15: memref<128xi32, #tpu.memory_space<vmem>>, %arg16: memref<128xi32, #tpu.memory_space<vmem>>, %arg17: memref<128xi32, #tpu.memory_space<vmem>>, %arg18: memref<128x128xf32, #tpu.memory_space<vmem>>, %arg19: memref<128x128xf32, #tpu.memory_space<vmem>>, %arg20: memref<128x128xf32, #tpu.memory_space<vmem>>, %arg21: memref<128x128xf32, #tpu.memory_space<vmem>>, %arg22: memref<128xf32, #tpu.memory_space<vmem>>, %arg23: memref<10016xf32, #tpu.memory_space<vmem>>, %arg24: memref<10016xf32, #tpu.memory_space<vmem>>, %arg25: memref<!tpu.dma_semaphore, #tpu.memory_space<semaphore_mem>>, %arg26: memref<!tpu.dma_semaphore, #tpu.memory_space<semaphore_mem>>, %arg27: memref<!tpu.dma_semaphore, #tpu.memory_space<semaphore_mem>>, %arg28: memref<!tpu.dma_semaphore, #tpu.memory_space<semaphore_mem>>) attributes {dimension_semantics = [#tpu.dimension_semantics<core_parallel>, #tpu.dimension_semantics<subcore_parallel>], iteration_bounds = array<i64: 2, 16>, scalar_prefetch = 0 : i64, scratch_operands = 15 : i64, tpu.core_type = #tpu.core_type<sc_vector_subcore>, window_params = [{transform_indices = #map}, {transform_indices = #map}, {transform_indices = #map}, {transform_indices = #map}, {transform_indices = #map}, {transform_indices = #map}, {transform_indices = #map}, {transform_indices = #map}, {transform_indices = #map}, {transform_indices = #map}, {transform_indices = #map}, {transform_indices = #map}]} {
    %mul3A = arith.constant 2 : i32
    %mul3A_0 = arith.muli %arg1, %mul3A : i32
    %add3A = arith.addi %mul3A_0, %arg0 : i32
    %broadcast_in_dim3A = arith.constant 0.000000e+00 : f32
    %broadcast_in_dim3A_1 = vector.broadcast %broadcast_in_dim3A : f32 to vector<16xf32>
    %broadcast_in_dim3A_2 = arith.constant 1.000000e+00 : f32
    %broadcast_in_dim3A_3 = vector.broadcast %broadcast_in_dim3A_2 : f32 to vector<16xf32>
    %iota3A = tpu.iota {dimensions = array<i32: 0>} : vector<16xi32>
    %scan3A = arith.constant 0 : i32
    %scan3A_4 = arith.constant 0 : i32
    %scan3A_5 = arith.constant 626 : i32
    %scan3A_6 = arith.addi %scan3A_4, %scan3A_5 : i32
    %scan3A_7 = arith.constant 1 : i32
    scf.for %scan3A_27 = %scan3A_4 to %scan3A_6 step %scan3A_7  : i32 {
      %mul3A_28 = arith.constant 16 : i32
      %mul3A_29 = arith.muli %scan3A_27, %mul3A_28 : i32
      %swap3A = arith.index_cast %mul3A_29 : i32 to index
      %swap3A_30 = tpu.vector_load %arg23[%swap3A] {strides = array<i32>} : memref<10016xf32, #tpu.memory_space<vmem>>, vector<16xf32>,
      tpu.vector_store %arg23[%swap3A], %broadcast_in_dim3A_1 {strides = array<i32>} : memref<10016xf32, #tpu.memory_space<vmem>>, vector<16xf32>,
      %mul3A_31 = arith.constant 16 : i32
      %mul3A_32 = arith.muli %scan3A_27, %mul3A_31 : i32
      %swap3A_33 = arith.index_cast %mul3A_32 : i32 to index
      %swap3A_34 = tpu.vector_load %arg24[%swap3A_33] {strides = array<i32>} : memref<10016xf32, #tpu.memory_space<vmem>>, vector<16xf32>,
      tpu.vector_store %arg24[%swap3A_33], %broadcast_in_dim3A_1 {strides = array<i32>} : memref<10016xf32, #tpu.memory_space<vmem>>, vector<16xf32>,
    }
    %scan3A_8 = arith.constant 626 : i32
    %scan3A_9 = arith.constant 0 : i32
    %scan3A_10 = arith.constant 0 : i32
    %scan3A_11 = arith.constant 20 : i32
    %scan3A_12 = arith.addi %scan3A_10, %scan3A_11 : i32
    %scan3A_13 = arith.constant 1 : i32
    scf.for %scan3A_27 = %scan3A_10 to %scan3A_12 step %scan3A_13  : i32 {
      %mul3A_28 = arith.constant 40 : i32
      %mul3A_29 = arith.muli %add3A, %mul3A_28 : i32
      %mul3A_30 = arith.constant 2 : i32
      %mul3A_31 = arith.muli %mul3A_30, %scan3A_27 : i32
      %add3A_32 = arith.addi %mul3A_29, %mul3A_31 : i32
      %add3A_33 = arith.constant 1 : i32
      %add3A_34 = arith.addi %add3A_32, %add3A_33 : i32
      "tpu.region"() ({
        %run_scoped3A = tpu.sem_alloc : memref<!tpu.dma_semaphore, #tpu.memory_space<semaphore_mem>>
        %dma_start3A_81 = arith.constant 0 : i32
        %dma_start3A_82 = tpu.memref_slice %arg2[%add3A_32, %dma_start3A_81] : memref<1280x128xi32, #tpu.memory_space<hbm>> -> memref<1x128xi32, #tpu.memory_space<hbm>>
        %dma_start3A_83 = tpu.memref_squeeze %dma_start3A_82 : memref<1x128xi32, #tpu.memory_space<hbm>> -> memref<128xi32, #tpu.memory_space<hbm>>
        %dma_start3A_84 = arith.constant 0 : i32
        %dma_start3A_85 = tpu.memref_slice %arg2[%add3A_32, %dma_start3A_84] : memref<1280x128xi32, #tpu.memory_space<hbm>> -> memref<1x128xi32, #tpu.memory_space<hbm>>
        %dma_start3A_86 = tpu.memref_squeeze %dma_start3A_85 : memref<1x128xi32, #tpu.memory_space<hbm>> -> memref<128xi32, #tpu.memory_space<hbm>>
        tpu.enqueue_dma source(%dma_start3A_86 : memref<128xi32, #tpu.memory_space<hbm>>) target(%arg14 : memref<128xi32, #tpu.memory_space<vmem>>) target_semaphore(%run_scoped3A : memref<!tpu.dma_semaphore, #tpu.memory_space<semaphore_mem>>)
        %dma_wait3A_87 = arith.constant 0 : i32
        %dma_wait3A_88 = tpu.memref_slice %arg2[%add3A_32, %dma_wait3A_87] : memref<1280x128xi32, #tpu.memory_space<hbm>> -> memref<1x128xi32, #tpu.memory_space<hbm>>
        %dma_wait3A_89 = tpu.memref_squeeze %dma_wait3A_88 : memref<1x128xi32, #tpu.memory_space<hbm>> -> memref<128xi32, #tpu.memory_space<hbm>>
        %dma_wait3A_90 = arith.constant 0 : i32
        %dma_wait3A_91 = tpu.memref_slice %arg2[%add3A_32, %dma_wait3A_90] : memref<1280x128xi32, #tpu.memory_space<hbm>> -> memref<1x128xi32, #tpu.memory_space<hbm>>
        %dma_wait3A_92 = tpu.memref_squeeze %dma_wait3A_91 : memref<1x128xi32, #tpu.memory_space<hbm>> -> memref<128xi32, #tpu.memory_space<hbm>>
        tpu.wait_dma2 semaphore(%run_scoped3A : memref<!tpu.dma_semaphore, #tpu.memory_space<semaphore_mem>>) src(%dma_wait3A_92 : memref<128xi32, #tpu.memory_space<hbm>>) dst(%arg14 : memref<128xi32, #tpu.memory_space<vmem>>)
        tpu.yield
      }) : () -> ()
      "tpu.region"() ({
        %run_scoped3A = tpu.sem_alloc : memref<!tpu.dma_semaphore, #tpu.memory_space<semaphore_mem>>
        %dma_start3A_81 = arith.constant 0 : i32
        %dma_start3A_82 = tpu.memref_slice %arg3[%add3A_32, %dma_start3A_81] : memref<1280x128xi32, #tpu.memory_space<hbm>> -> memref<1x128xi32, #tpu.memory_space<hbm>>
        %dma_start3A_83 = tpu.memref_squeeze %dma_start3A_82 : memref<1x128xi32, #tpu.memory_space<hbm>> -> memref<128xi32, #tpu.memory_space<hbm>>
        %dma_start3A_84 = arith.constant 0 : i32
        %dma_start3A_85 = tpu.memref_slice %arg3[%add3A_32, %dma_start3A_84] : memref<1280x128xi32, #tpu.memory_space<hbm>> -> memref<1x128xi32, #tpu.memory_space<hbm>>
        %dma_start3A_86 = tpu.memref_squeeze %dma_start3A_85 : memref<1x128xi32, #tpu.memory_space<hbm>> -> memref<128xi32, #tpu.memory_space<hbm>>
        tpu.enqueue_dma source(%dma_start3A_86 : memref<128xi32, #tpu.memory_space<hbm>>) target(%arg15 : memref<128xi32, #tpu.memory_space<vmem>>) target_semaphore(%run_scoped3A : memref<!tpu.dma_semaphore, #tpu.memory_space<semaphore_mem>>)
        %dma_wait3A_87 = arith.constant 0 : i32
        %dma_wait3A_88 = tpu.memref_slice %arg3[%add3A_32, %dma_wait3A_87] : memref<1280x128xi32, #tpu.memory_space<hbm>> -> memref<1x128xi32, #tpu.memory_space<hbm>>
        %dma_wait3A_89 = tpu.memref_squeeze %dma_wait3A_88 : memref<1x128xi32, #tpu.memory_space<hbm>> -> memref<128xi32, #tpu.memory_space<hbm>>
        %dma_wait3A_90 = arith.constant 0 : i32
        %dma_wait3A_91 = tpu.memref_slice %arg3[%add3A_32, %dma_wait3A_90] : memref<1280x128xi32, #tpu.memory_space<hbm>> -> memref<1x128xi32, #tpu.memory_space<hbm>>
        %dma_wait3A_92 = tpu.memref_squeeze %dma_wait3A_91 : memref<1x128xi32, #tpu.memory_space<hbm>> -> memref<128xi32, #tpu.memory_space<hbm>>
        tpu.wait_dma2 semaphore(%run_scoped3A : memref<!tpu.dma_semaphore, #tpu.memory_space<semaphore_mem>>) src(%dma_wait3A_92 : memref<128xi32, #tpu.memory_space<hbm>>) dst(%arg15 : memref<128xi32, #tpu.memory_space<vmem>>)
        tpu.yield
      }) : () -> ()
      "tpu.region"() ({
        %run_scoped3A = tpu.sem_alloc : memref<!tpu.dma_semaphore, #tpu.memory_space<semaphore_mem>>
        %dma_start3A_81 = arith.constant 0 : i32
        %dma_start3A_82 = tpu.memref_slice %arg2[%add3A_34, %dma_start3A_81] : memref<1280x128xi32, #tpu.memory_space<hbm>> -> memref<1x128xi32, #tpu.memory_space<hbm>>
        %dma_start3A_83 = tpu.memref_squeeze %dma_start3A_82 : memref<1x128xi32, #tpu.memory_space<hbm>> -> memref<128xi32, #tpu.memory_space<hbm>>
        %dma_start3A_84 = arith.constant 0 : i32
        %dma_start3A_85 = tpu.memref_slice %arg2[%add3A_34, %dma_start3A_84] : memref<1280x128xi32, #tpu.memory_space<hbm>> -> memref<1x128xi32, #tpu.memory_space<hbm>>
        %dma_start3A_86 = tpu.memref_squeeze %dma_start3A_85 : memref<1x128xi32, #tpu.memory_space<hbm>> -> memref<128xi32, #tpu.memory_space<hbm>>
        tpu.enqueue_dma source(%dma_start3A_86 : memref<128xi32, #tpu.memory_space<hbm>>) target(%arg16 : memref<128xi32, #tpu.memory_space<vmem>>) target_semaphore(%run_scoped3A : memref<!tpu.dma_semaphore, #tpu.memory_space<semaphore_mem>>)
        %dma_wait3A_87 = arith.constant 0 : i32
        %dma_wait3A_88 = tpu.memref_slice %arg2[%add3A_34, %dma_wait3A_87] : memref<1280x128xi32, #tpu.memory_space<hbm>> -> memref<1x128xi32, #tpu.memory_space<hbm>>
        %dma_wait3A_89 = tpu.memref_squeeze %dma_wait3A_88 : memref<1x128xi32, #tpu.memory_space<hbm>> -> memref<128xi32, #tpu.memory_space<hbm>>
        %dma_wait3A_90 = arith.constant 0 : i32
        %dma_wait3A_91 = tpu.memref_slice %arg2[%add3A_34, %dma_wait3A_90] : memref<1280x128xi32, #tpu.memory_space<hbm>> -> memref<1x128xi32, #tpu.memory_space<hbm>>
        %dma_wait3A_92 = tpu.memref_squeeze %dma_wait3A_91 : memref<1x128xi32, #tpu.memory_space<hbm>> -> memref<128xi32, #tpu.memory_space<hbm>>
        tpu.wait_dma2 semaphore(%run_scoped3A : memref<!tpu.dma_semaphore, #tpu.memory_space<semaphore_mem>>) src(%dma_wait3A_92 : memref<128xi32, #tpu.memory_space<hbm>>) dst(%arg16 : memref<128xi32, #tpu.memory_space<vmem>>)
        tpu.yield
      }) : () -> ()
      "tpu.region"() ({
        %run_scoped3A = tpu.sem_alloc : memref<!tpu.dma_semaphore, #tpu.memory_space<semaphore_mem>>
        %dma_start3A_81 = arith.constant 0 : i32
        %dma_start3A_82 = tpu.memref_slice %arg3[%add3A_34, %dma_start3A_81] : memref<1280x128xi32, #tpu.memory_space<hbm>> -> memref<1x128xi32, #tpu.memory_space<hbm>>
        %dma_start3A_83 = tpu.memref_squeeze %dma_start3A_82 : memref<1x128xi32, #tpu.memory_space<hbm>> -> memref<128xi32, #tpu.memory_space<hbm>>
        %dma_start3A_84 = arith.constant 0 : i32
        %dma_start3A_85 = tpu.memref_slice %arg3[%add3A_34, %dma_start3A_84] : memref<1280x128xi32, #tpu.memory_space<hbm>> -> memref<1x128xi32, #tpu.memory_space<hbm>>
        %dma_start3A_86 = tpu.memref_squeeze %dma_start3A_85 : memref<1x128xi32, #tpu.memory_space<hbm>> -> memref<128xi32, #tpu.memory_space<hbm>>
        tpu.enqueue_dma source(%dma_start3A_86 : memref<128xi32, #tpu.memory_space<hbm>>) target(%arg17 : memref<128xi32, #tpu.memory_space<vmem>>) target_semaphore(%run_scoped3A : memref<!tpu.dma_semaphore, #tpu.memory_space<semaphore_mem>>)
        %dma_wait3A_87 = arith.constant 0 : i32
        %dma_wait3A_88 = tpu.memref_slice %arg3[%add3A_34, %dma_wait3A_87] : memref<1280x128xi32, #tpu.memory_space<hbm>> -> memref<1x128xi32, #tpu.memory_space<hbm>>
        %dma_wait3A_89 = tpu.memref_squeeze %dma_wait3A_88 : memref<1x128xi32, #tpu.memory_space<hbm>> -> memref<128xi32, #tpu.memory_space<hbm>>
        %dma_wait3A_90 = arith.constant 0 : i32
        %dma_wait3A_91 = tpu.memref_slice %arg3[%add3A_34, %dma_wait3A_90] : memref<1280x128xi32, #tpu.memory_space<hbm>> -> memref<1x128xi32, #tpu.memory_space<hbm>>
        %dma_wait3A_92 = tpu.memref_squeeze %dma_wait3A_91 : memref<1x128xi32, #tpu.memory_space<hbm>> -> memref<128xi32, #tpu.memory_space<hbm>>
        tpu.wait_dma2 semaphore(%run_scoped3A : memref<!tpu.dma_semaphore, #tpu.memory_space<semaphore_mem>>) src(%dma_wait3A_92 : memref<128xi32, #tpu.memory_space<hbm>>) dst(%arg17 : memref<128xi32, #tpu.memory_space<vmem>>)
        tpu.yield
      }) : () -> ()
      %dma_start3A = arith.constant 0 : i32
      %dma_start3A_35 = arith.constant 0 : i32
      %dma_start3A_36 = tpu.memref_slice %arg8[%dma_start3A, %dma_start3A_35] : memref<10000x128xf32, #tpu.memory_space<hbm>> -> memref<10000x128xf32, #tpu.memory_space<hbm>>
      tpu.enqueue_indirect_dma source(%dma_start3A_36 : memref<10000x128xf32, #tpu.memory_space<hbm>>) target(%arg18 : memref<128x128xf32, #tpu.memory_space<vmem>>) offsets(%arg14 : memref<128xi32, #tpu.memory_space<vmem>>) semaphore(%arg25 : memref<!tpu.dma_semaphore, #tpu.memory_space<semaphore_mem>>)
      %dma_start3A_37 = arith.constant 0 : i32
      %dma_start3A_38 = arith.constant 0 : i32
      %dma_start3A_39 = tpu.memref_slice %arg9[%dma_start3A_37, %dma_start3A_38] : memref<10000x128xf32, #tpu.memory_space<hbm>> -> memref<10000x128xf32, #tpu.memory_space<hbm>>
      tpu.enqueue_indirect_dma source(%dma_start3A_39 : memref<10000x128xf32, #tpu.memory_space<hbm>>) target(%arg19 : memref<128x128xf32, #tpu.memory_space<vmem>>) offsets(%arg15 : memref<128xi32, #tpu.memory_space<vmem>>) semaphore(%arg26 : memref<!tpu.dma_semaphore, #tpu.memory_space<semaphore_mem>>)
      %dma_start3A_40 = arith.constant 0 : i32
      %dma_start3A_41 = arith.constant 0 : i32
      %dma_start3A_42 = tpu.memref_slice %arg8[%dma_start3A_40, %dma_start3A_41] : memref<10000x128xf32, #tpu.memory_space<hbm>> -> memref<10000x128xf32, #tpu.memory_space<hbm>>
      tpu.enqueue_indirect_dma source(%dma_start3A_42 : memref<10000x128xf32, #tpu.memory_space<hbm>>) target(%arg20 : memref<128x128xf32, #tpu.memory_space<vmem>>) offsets(%arg16 : memref<128xi32, #tpu.memory_space<vmem>>) semaphore(%arg27 : memref<!tpu.dma_semaphore, #tpu.memory_space<semaphore_mem>>)
      %dma_start3A_43 = arith.constant 0 : i32
      %dma_start3A_44 = arith.constant 0 : i32
      %dma_start3A_45 = tpu.memref_slice %arg9[%dma_start3A_43, %dma_start3A_44] : memref<10000x128xf32, #tpu.memory_space<hbm>> -> memref<10000x128xf32, #tpu.memory_space<hbm>>
      tpu.enqueue_indirect_dma source(%dma_start3A_45 : memref<10000x128xf32, #tpu.memory_space<hbm>>) target(%arg21 : memref<128x128xf32, #tpu.memory_space<vmem>>) offsets(%arg17 : memref<128xi32, #tpu.memory_space<vmem>>) semaphore(%arg28 : memref<!tpu.dma_semaphore, #tpu.memory_space<semaphore_mem>>)
      %dma_wait3A = arith.constant 0 : i32
      %dma_wait3A_46 = arith.constant 0 : i32
      %dma_wait3A_47 = tpu.memref_slice %arg8[%dma_wait3A, %dma_wait3A_46] : memref<10000x128xf32, #tpu.memory_space<hbm>> -> memref<10000x128xf32, #tpu.memory_space<hbm>>
      tpu.wait_indirect_dma semaphore(%arg25 : memref<!tpu.dma_semaphore, #tpu.memory_space<semaphore_mem>>) src(%dma_wait3A_47 : memref<10000x128xf32, #tpu.memory_space<hbm>>) dst(%arg18 : memref<128x128xf32, #tpu.memory_space<vmem>>)
      %dma_wait3A_48 = arith.constant 0 : i32
      %dma_wait3A_49 = arith.constant 0 : i32
      %dma_wait3A_50 = tpu.memref_slice %arg9[%dma_wait3A_48, %dma_wait3A_49] : memref<10000x128xf32, #tpu.memory_space<hbm>> -> memref<10000x128xf32, #tpu.memory_space<hbm>>
      tpu.wait_indirect_dma semaphore(%arg26 : memref<!tpu.dma_semaphore, #tpu.memory_space<semaphore_mem>>) src(%dma_wait3A_50 : memref<10000x128xf32, #tpu.memory_space<hbm>>) dst(%arg19 : memref<128x128xf32, #tpu.memory_space<vmem>>)
      %scan3A_51 = arith.constant 0 : i32
      %scan3A_52 = arith.constant 0 : i32
      %scan3A_53 = arith.constant 8 : i32
      %scan3A_54 = arith.addi %scan3A_52, %scan3A_53 : i32
      %scan3A_55 = arith.constant 1 : i32
      scf.for %scan3A_81 = %scan3A_52 to %scan3A_54 step %scan3A_55  : i32 {
        %scan3A_82 = arith.constant 0 : i32
        %scan3A_83 = arith.constant 16 : i32
        %scan3A_84 = arith.addi %scan3A_82, %scan3A_83 : i32
        %scan3A_85 = arith.constant 1 : i32
        %scan3A_86 = scf.for %scan3A_91 = %scan3A_82 to %scan3A_84 step %scan3A_85 iter_args(%scan3A_92 = %broadcast_in_dim3A_1) -> (vector<16xf32>)  : i32 {
          %mul3A_93 = arith.constant 16 : i32
          %mul3A_94 = arith.muli %scan3A_81, %mul3A_93 : i32
          %add3A_95 = arith.addi %mul3A_94, %scan3A_91 : i32
          %get3A = arith.index_cast %add3A_95 : i32 to index
          %get3A_96 = arith.constant 0 : index
          %get3A_97 = tpu.vector_load %arg18[%get3A, %get3A_96] {strides = array<i32>} : memref<128x128xf32, #tpu.memory_space<vmem>>, vector<16xf32>,
          %get3A_98 = arith.index_cast %add3A_95 : i32 to index
          %get3A_99 = arith.constant 0 : index
          %get3A_100 = tpu.vector_load %arg19[%get3A_98, %get3A_99] {strides = array<i32>} : memref<128x128xf32, #tpu.memory_space<vmem>>, vector<16xf32>,
          %bitcast3A = vector.bitcast %get3A_97 : vector<16xf32> to vector<32xbf16>
          %bitcast3A_101 = vector.bitcast %get3A_100 : vector<16xf32> to vector<32xbf16>
          %sub3A = arith.subf %bitcast3A, %bitcast3A_101 : vector<32xbf16>
          %unpack3A = tpu.unpack_subelements %sub3A, 0 {pack_format = #tpu.pack_format<interleaved>} : vector<32xbf16> -> vector<16xf32>
          %unpack3A_102 = tpu.unpack_subelements %sub3A, 1 {pack_format = #tpu.pack_format<interleaved>} : vector<32xbf16> -> vector<16xf32>
          %mul3A_103 = arith.mulf %unpack3A, %unpack3A : vector<16xf32>
          %add3A_104 = arith.addf %broadcast_in_dim3A_1, %mul3A_103 : vector<16xf32>
          %mul3A_105 = arith.mulf %unpack3A_102, %unpack3A_102 : vector<16xf32>
          %add3A_106 = arith.addf %add3A_104, %mul3A_105 : vector<16xf32>
          %get3A_107 = arith.index_cast %add3A_95 : i32 to index
          %get3A_108 = arith.constant 16 : index
          %get3A_109 = tpu.vector_load %arg18[%get3A_107, %get3A_108] {strides = array<i32>} : memref<128x128xf32, #tpu.memory_space<vmem>>, vector<16xf32>,
          %get3A_110 = arith.index_cast %add3A_95 : i32 to index
          %get3A_111 = arith.constant 16 : index
          %get3A_112 = tpu.vector_load %arg19[%get3A_110, %get3A_111] {strides = array<i32>} : memref<128x128xf32, #tpu.memory_space<vmem>>, vector<16xf32>,
          %bitcast3A_113 = vector.bitcast %get3A_109 : vector<16xf32> to vector<32xbf16>
          %bitcast3A_114 = vector.bitcast %get3A_112 : vector<16xf32> to vector<32xbf16>
          %sub3A_115 = arith.subf %bitcast3A_113, %bitcast3A_114 : vector<32xbf16>
          %unpack3A_116 = tpu.unpack_subelements %sub3A_115, 0 {pack_format = #tpu.pack_format<interleaved>} : vector<32xbf16> -> vector<16xf32>
          %unpack3A_117 = tpu.unpack_subelements %sub3A_115, 1 {pack_format = #tpu.pack_format<interleaved>} : vector<32xbf16> -> vector<16xf32>
          %mul3A_118 = arith.mulf %unpack3A_116, %unpack3A_116 : vector<16xf32>
          %add3A_119 = arith.addf %add3A_106, %mul3A_118 : vector<16xf32>
          %mul3A_120 = arith.mulf %unpack3A_117, %unpack3A_117 : vector<16xf32>
          %add3A_121 = arith.addf %add3A_119, %mul3A_120 : vector<16xf32>
          %get3A_122 = arith.index_cast %add3A_95 : i32 to index
          %get3A_123 = arith.constant 32 : index
          %get3A_124 = tpu.vector_load %arg18[%get3A_122, %get3A_123] {strides = array<i32>} : memref<128x128xf32, #tpu.memory_space<vmem>>, vector<16xf32>,
          %get3A_125 = arith.index_cast %add3A_95 : i32 to index
          %get3A_126 = arith.constant 32 : index
          %get3A_127 = tpu.vector_load %arg19[%get3A_125, %get3A_126] {strides = array<i32>} : memref<128x128xf32, #tpu.memory_space<vmem>>, vector<16xf32>,
          %bitcast3A_128 = vector.bitcast %get3A_124 : vector<16xf32> to vector<32xbf16>
          %bitcast3A_129 = vector.bitcast %get3A_127 : vector<16xf32> to vector<32xbf16>
          %sub3A_130 = arith.subf %bitcast3A_128, %bitcast3A_129 : vector<32xbf16>
          %unpack3A_131 = tpu.unpack_subelements %sub3A_130, 0 {pack_format = #tpu.pack_format<interleaved>} : vector<32xbf16> -> vector<16xf32>
          %unpack3A_132 = tpu.unpack_subelements %sub3A_130, 1 {pack_format = #tpu.pack_format<interleaved>} : vector<32xbf16> -> vector<16xf32>
          %mul3A_133 = arith.mulf %unpack3A_131, %unpack3A_131 : vector<16xf32>
          %add3A_134 = arith.addf %add3A_121, %mul3A_133 : vector<16xf32>
          %mul3A_135 = arith.mulf %unpack3A_132, %unpack3A_132 : vector<16xf32>
          %add3A_136 = arith.addf %add3A_134, %mul3A_135 : vector<16xf32>
          %get3A_137 = arith.index_cast %add3A_95 : i32 to index
          %get3A_138 = arith.constant 48 : index
          %get3A_139 = tpu.vector_load %arg18[%get3A_137, %get3A_138] {strides = array<i32>} : memref<128x128xf32, #tpu.memory_space<vmem>>, vector<16xf32>,
          %get3A_140 = arith.index_cast %add3A_95 : i32 to index
          %get3A_141 = arith.constant 48 : index
          %get3A_142 = tpu.vector_load %arg19[%get3A_140, %get3A_141] {strides = array<i32>} : memref<128x128xf32, #tpu.memory_space<vmem>>, vector<16xf32>,
          %bitcast3A_143 = vector.bitcast %get3A_139 : vector<16xf32> to vector<32xbf16>
          %bitcast3A_144 = vector.bitcast %get3A_142 : vector<16xf32> to vector<32xbf16>
          %sub3A_145 = arith.subf %bitcast3A_143, %bitcast3A_144 : vector<32xbf16>
          %unpack3A_146 = tpu.unpack_subelements %sub3A_145, 0 {pack_format = #tpu.pack_format<interleaved>} : vector<32xbf16> -> vector<16xf32>
          %unpack3A_147 = tpu.unpack_subelements %sub3A_145, 1 {pack_format = #tpu.pack_format<interleaved>} : vector<32xbf16> -> vector<16xf32>
          %mul3A_148 = arith.mulf %unpack3A_146, %unpack3A_146 : vector<16xf32>
          %add3A_149 = arith.addf %add3A_136, %mul3A_148 : vector<16xf32>
          %mul3A_150 = arith.mulf %unpack3A_147, %unpack3A_147 : vector<16xf32>
          %add3A_151 = arith.addf %add3A_149, %mul3A_150 : vector<16xf32>
          %get3A_152 = arith.index_cast %add3A_95 : i32 to index
          %get3A_153 = arith.constant 64 : index
          %get3A_154 = tpu.vector_load %arg18[%get3A_152, %get3A_153] {strides = array<i32>} : memref<128x128xf32, #tpu.memory_space<vmem>>, vector<16xf32>,
          %get3A_155 = arith.index_cast %add3A_95 : i32 to index
          %get3A_156 = arith.constant 64 : index
          %get3A_157 = tpu.vector_load %arg19[%get3A_155, %get3A_156] {strides = array<i32>} : memref<128x128xf32, #tpu.memory_space<vmem>>, vector<16xf32>,
          %bitcast3A_158 = vector.bitcast %get3A_154 : vector<16xf32> to vector<32xbf16>
          %bitcast3A_159 = vector.bitcast %get3A_157 : vector<16xf32> to vector<32xbf16>
          %sub3A_160 = arith.subf %bitcast3A_158, %bitcast3A_159 : vector<32xbf16>
          %unpack3A_161 = tpu.unpack_subelements %sub3A_160, 0 {pack_format = #tpu.pack_format<interleaved>} : vector<32xbf16> -> vector<16xf32>
          %unpack3A_162 = tpu.unpack_subelements %sub3A_160, 1 {pack_format = #tpu.pack_format<interleaved>} : vector<32xbf16> -> vector<16xf32>
          %mul3A_163 = arith.mulf %unpack3A_161, %unpack3A_161 : vector<16xf32>
          %add3A_164 = arith.addf %add3A_151, %mul3A_163 : vector<16xf32>
          %mul3A_165 = arith.mulf %unpack3A_162, %unpack3A_162 : vector<16xf32>
          %add3A_166 = arith.addf %add3A_164, %mul3A_165 : vector<16xf32>
          %get3A_167 = arith.index_cast %add3A_95 : i32 to index
          %get3A_168 = arith.constant 80 : index
          %get3A_169 = tpu.vector_load %arg18[%get3A_167, %get3A_168] {strides = array<i32>} : memref<128x128xf32, #tpu.memory_space<vmem>>, vector<16xf32>,
          %get3A_170 = arith.index_cast %add3A_95 : i32 to index
          %get3A_171 = arith.constant 80 : index
          %get3A_172 = tpu.vector_load %arg19[%get3A_170, %get3A_171] {strides = array<i32>} : memref<128x128xf32, #tpu.memory_space<vmem>>, vector<16xf32>,
          %bitcast3A_173 = vector.bitcast %get3A_169 : vector<16xf32> to vector<32xbf16>
          %bitcast3A_174 = vector.bitcast %get3A_172 : vector<16xf32> to vector<32xbf16>
          %sub3A_175 = arith.subf %bitcast3A_173, %bitcast3A_174 : vector<32xbf16>
          %unpack3A_176 = tpu.unpack_subelements %sub3A_175, 0 {pack_format = #tpu.pack_format<interleaved>} : vector<32xbf16> -> vector<16xf32>
          %unpack3A_177 = tpu.unpack_subelements %sub3A_175, 1 {pack_format = #tpu.pack_format<interleaved>} : vector<32xbf16> -> vector<16xf32>
          %mul3A_178 = arith.mulf %unpack3A_176, %unpack3A_176 : vector<16xf32>
          %add3A_179 = arith.addf %add3A_166, %mul3A_178 : vector<16xf32>
          %mul3A_180 = arith.mulf %unpack3A_177, %unpack3A_177 : vector<16xf32>
          %add3A_181 = arith.addf %add3A_179, %mul3A_180 : vector<16xf32>
          %get3A_182 = arith.index_cast %add3A_95 : i32 to index
          %get3A_183 = arith.constant 96 : index
          %get3A_184 = tpu.vector_load %arg18[%get3A_182, %get3A_183] {strides = array<i32>} : memref<128x128xf32, #tpu.memory_space<vmem>>, vector<16xf32>,
          %get3A_185 = arith.index_cast %add3A_95 : i32 to index
          %get3A_186 = arith.constant 96 : index
          %get3A_187 = tpu.vector_load %arg19[%get3A_185, %get3A_186] {strides = array<i32>} : memref<128x128xf32, #tpu.memory_space<vmem>>, vector<16xf32>,
          %bitcast3A_188 = vector.bitcast %get3A_184 : vector<16xf32> to vector<32xbf16>
          %bitcast3A_189 = vector.bitcast %get3A_187 : vector<16xf32> to vector<32xbf16>
          %sub3A_190 = arith.subf %bitcast3A_188, %bitcast3A_189 : vector<32xbf16>
          %unpack3A_191 = tpu.unpack_subelements %sub3A_190, 0 {pack_format = #tpu.pack_format<interleaved>} : vector<32xbf16> -> vector<16xf32>
          %unpack3A_192 = tpu.unpack_subelements %sub3A_190, 1 {pack_format = #tpu.pack_format<interleaved>} : vector<32xbf16> -> vector<16xf32>
          %mul3A_193 = arith.mulf %unpack3A_191, %unpack3A_191 : vector<16xf32>
          %add3A_194 = arith.addf %add3A_181, %mul3A_193 : vector<16xf32>
          %mul3A_195 = arith.mulf %unpack3A_192, %unpack3A_192 : vector<16xf32>
          %add3A_196 = arith.addf %add3A_194, %mul3A_195 : vector<16xf32>
          %get3A_197 = arith.index_cast %add3A_95 : i32 to index
          %get3A_198 = arith.constant 112 : index
          %get3A_199 = tpu.vector_load %arg18[%get3A_197, %get3A_198] {strides = array<i32>} : memref<128x128xf32, #tpu.memory_space<vmem>>, vector<16xf32>,
          %get3A_200 = arith.index_cast %add3A_95 : i32 to index
          %get3A_201 = arith.constant 112 : index
          %get3A_202 = tpu.vector_load %arg19[%get3A_200, %get3A_201] {strides = array<i32>} : memref<128x128xf32, #tpu.memory_space<vmem>>, vector<16xf32>,
          %bitcast3A_203 = vector.bitcast %get3A_199 : vector<16xf32> to vector<32xbf16>
          %bitcast3A_204 = vector.bitcast %get3A_202 : vector<16xf32> to vector<32xbf16>
          %sub3A_205 = arith.subf %bitcast3A_203, %bitcast3A_204 : vector<32xbf16>
          %unpack3A_206 = tpu.unpack_subelements %sub3A_205, 0 {pack_format = #tpu.pack_format<interleaved>} : vector<32xbf16> -> vector<16xf32>
          %unpack3A_207 = tpu.unpack_subelements %sub3A_205, 1 {pack_format = #tpu.pack_format<interleaved>} : vector<32xbf16> -> vector<16xf32>
          %mul3A_208 = arith.mulf %unpack3A_206, %unpack3A_206 : vector<16xf32>
          %add3A_209 = arith.addf %add3A_196, %mul3A_208 : vector<16xf32>
          %mul3A_210 = arith.mulf %unpack3A_207, %unpack3A_207 : vector<16xf32>
          %add3A_211 = arith.addf %add3A_209, %mul3A_210 : vector<16xf32>
          %eq3A = vector.broadcast %scan3A_91 : i32 to vector<16xi32>
          %eq3A_212 = arith.cmpi eq, %iota3A, %eq3A : vector<16xi32>
          %reduce_sum3A = arith.constant true
          %reduce_sum3A_213 = vector.broadcast %reduce_sum3A : i1 to vector<16xi1>
          %reduce_sum3A_214 = tpu.scan <sum>, %add3A_211 masked %reduce_sum3A_213 : vector<16xf32>, vector<16xi1> -> vector<16xf32>
          %reduce_sum3A_215 = vector.extract %reduce_sum3A_214[15] : f32 from vector<16xf32>
          %broadcast_in_dim3A_216 = vector.broadcast %reduce_sum3A_215 : f32 to vector<16xf32>
          %select_n3A = arith.select %eq3A_212, %broadcast_in_dim3A_216, %scan3A_92 : vector<16xi1>, vector<16xf32>
          scf.yield %select_n3A : vector<16xf32>
        }
        %scan3A_87 = arith.constant 16 : i32
        %mul3A_88 = arith.constant 16 : i32
        %mul3A_89 = arith.muli %scan3A_81, %mul3A_88 : i32
        %swap3A = arith.index_cast %mul3A_89 : i32 to index
        %swap3A_90 = tpu.vector_load %arg22[%swap3A] {strides = array<i32>} : memref<128xf32, #tpu.memory_space<vmem>>, vector<16xf32>,
        tpu.vector_store %arg22[%swap3A], %scan3A_86 {strides = array<i32>} : memref<128xf32, #tpu.memory_space<vmem>>, vector<16xf32>,
      }
      %scan3A_56 = arith.constant 8 : i32
      %scan3A_57 = arith.constant 0 : i32
      %scan3A_58 = arith.constant 0 : i32
      %scan3A_59 = arith.constant 8 : i32
      %scan3A_60 = arith.addi %scan3A_58, %scan3A_59 : i32
      %scan3A_61 = arith.constant 1 : i32
      scf.for %scan3A_81 = %scan3A_58 to %scan3A_60 step %scan3A_61  : i32 {
        %mul3A_82 = arith.constant 16 : i32
        %mul3A_83 = arith.muli %scan3A_81, %mul3A_82 : i32
        %get3A = arith.index_cast %mul3A_83 : i32 to index
        %get3A_84 = tpu.vector_load %arg15[%get3A] {strides = array<i32>} : memref<128xi32, #tpu.memory_space<vmem>>, vector<16xi32>,
        %mul3A_85 = arith.constant 16 : i32
        %mul3A_86 = arith.muli %scan3A_81, %mul3A_85 : i32
        %get3A_87 = arith.index_cast %mul3A_86 : i32 to index
        %get3A_88 = tpu.vector_load %arg22[%get3A_87] {strides = array<i32>} : memref<128xf32, #tpu.memory_space<vmem>>, vector<16xf32>,
        tpu.vector_store_idx %arg23[%get3A_84], %get3A_88 {add = true} : memref<10016xf32, #tpu.memory_space<vmem>>[vector<16xi32>], vector<16xf32>,
        tpu.vector_store_idx %arg24[%get3A_84], %broadcast_in_dim3A_3 {add = true} : memref<10016xf32, #tpu.memory_space<vmem>>[vector<16xi32>], vector<16xf32>,
      }
      %scan3A_62 = arith.constant 8 : i32
      %dma_wait3A_63 = arith.constant 0 : i32
      %dma_wait3A_64 = arith.constant 0 : i32
      %dma_wait3A_65 = tpu.memref_slice %arg8[%dma_wait3A_63, %dma_wait3A_64] : memref<10000x128xf32, #tpu.memory_space<hbm>> -> memref<10000x128xf32, #tpu.memory_space<hbm>>
      tpu.wait_indirect_dma semaphore(%arg27 : memref<!tpu.dma_semaphore, #tpu.memory_space<semaphore_mem>>) src(%dma_wait3A_65 : memref<10000x128xf32, #tpu.memory_space<hbm>>) dst(%arg20 : memref<128x128xf32, #tpu.memory_space<vmem>>)
      %dma_wait3A_66 = arith.constant 0 : i32
      %dma_wait3A_67 = arith.constant 0 : i32
      %dma_wait3A_68 = tpu.memref_slice %arg9[%dma_wait3A_66, %dma_wait3A_67] : memref<10000x128xf32, #tpu.memory_space<hbm>> -> memref<10000x128xf32, #tpu.memory_space<hbm>>
      tpu.wait_indirect_dma semaphore(%arg28 : memref<!tpu.dma_semaphore, #tpu.memory_space<semaphore_mem>>) src(%dma_wait3A_68 : memref<10000x128xf32, #tpu.memory_space<hbm>>) dst(%arg21 : memref<128x128xf32, #tpu.memory_space<vmem>>)
      %scan3A_69 = arith.constant 0 : i32
      %scan3A_70 = arith.constant 0 : i32
      %scan3A_71 = arith.constant 8 : i32
      %scan3A_72 = arith.addi %scan3A_70, %scan3A_71 : i32
      %scan3A_73 = arith.constant 1 : i32
      scf.for %scan3A_81 = %scan3A_70 to %scan3A_72 step %scan3A_73  : i32 {
        %scan3A_82 = arith.constant 0 : i32
        %scan3A_83 = arith.constant 16 : i32
        %scan3A_84 = arith.addi %scan3A_82, %scan3A_83 : i32
        %scan3A_85 = arith.constant 1 : i32
        %scan3A_86 = scf.for %scan3A_91 = %scan3A_82 to %scan3A_84 step %scan3A_85 iter_args(%scan3A_92 = %broadcast_in_dim3A_1) -> (vector<16xf32>)  : i32 {
          %mul3A_93 = arith.constant 16 : i32
          %mul3A_94 = arith.muli %scan3A_81, %mul3A_93 : i32
          %add3A_95 = arith.addi %mul3A_94, %scan3A_91 : i32
          %get3A = arith.index_cast %add3A_95 : i32 to index
          %get3A_96 = arith.constant 0 : index
          %get3A_97 = tpu.vector_load %arg20[%get3A, %get3A_96] {strides = array<i32>} : memref<128x128xf32, #tpu.memory_space<vmem>>, vector<16xf32>,
          %get3A_98 = arith.index_cast %add3A_95 : i32 to index
          %get3A_99 = arith.constant 0 : index
          %get3A_100 = tpu.vector_load %arg21[%get3A_98, %get3A_99] {strides = array<i32>} : memref<128x128xf32, #tpu.memory_space<vmem>>, vector<16xf32>,
          %bitcast3A = vector.bitcast %get3A_97 : vector<16xf32> to vector<32xbf16>
          %bitcast3A_101 = vector.bitcast %get3A_100 : vector<16xf32> to vector<32xbf16>
          %sub3A = arith.subf %bitcast3A, %bitcast3A_101 : vector<32xbf16>
          %unpack3A = tpu.unpack_subelements %sub3A, 0 {pack_format = #tpu.pack_format<interleaved>} : vector<32xbf16> -> vector<16xf32>
          %unpack3A_102 = tpu.unpack_subelements %sub3A, 1 {pack_format = #tpu.pack_format<interleaved>} : vector<32xbf16> -> vector<16xf32>
          %mul3A_103 = arith.mulf %unpack3A, %unpack3A : vector<16xf32>
          %add3A_104 = arith.addf %broadcast_in_dim3A_1, %mul3A_103 : vector<16xf32>
          %mul3A_105 = arith.mulf %unpack3A_102, %unpack3A_102 : vector<16xf32>
          %add3A_106 = arith.addf %add3A_104, %mul3A_105 : vector<16xf32>
          %get3A_107 = arith.index_cast %add3A_95 : i32 to index
          %get3A_108 = arith.constant 16 : index
          %get3A_109 = tpu.vector_load %arg20[%get3A_107, %get3A_108] {strides = array<i32>} : memref<128x128xf32, #tpu.memory_space<vmem>>, vector<16xf32>,
          %get3A_110 = arith.index_cast %add3A_95 : i32 to index
          %get3A_111 = arith.constant 16 : index
          %get3A_112 = tpu.vector_load %arg21[%get3A_110, %get3A_111] {strides = array<i32>} : memref<128x128xf32, #tpu.memory_space<vmem>>, vector<16xf32>,
          %bitcast3A_113 = vector.bitcast %get3A_109 : vector<16xf32> to vector<32xbf16>
          %bitcast3A_114 = vector.bitcast %get3A_112 : vector<16xf32> to vector<32xbf16>
          %sub3A_115 = arith.subf %bitcast3A_113, %bitcast3A_114 : vector<32xbf16>
          %unpack3A_116 = tpu.unpack_subelements %sub3A_115, 0 {pack_format = #tpu.pack_format<interleaved>} : vector<32xbf16> -> vector<16xf32>
          %unpack3A_117 = tpu.unpack_subelements %sub3A_115, 1 {pack_format = #tpu.pack_format<interleaved>} : vector<32xbf16> -> vector<16xf32>
          %mul3A_118 = arith.mulf %unpack3A_116, %unpack3A_116 : vector<16xf32>
          %add3A_119 = arith.addf %add3A_106, %mul3A_118 : vector<16xf32>
          %mul3A_120 = arith.mulf %unpack3A_117, %unpack3A_117 : vector<16xf32>
          %add3A_121 = arith.addf %add3A_119, %mul3A_120 : vector<16xf32>
          %get3A_122 = arith.index_cast %add3A_95 : i32 to index
          %get3A_123 = arith.constant 32 : index
          %get3A_124 = tpu.vector_load %arg20[%get3A_122, %get3A_123] {strides = array<i32>} : memref<128x128xf32, #tpu.memory_space<vmem>>, vector<16xf32>,
          %get3A_125 = arith.index_cast %add3A_95 : i32 to index
          %get3A_126 = arith.constant 32 : index
          %get3A_127 = tpu.vector_load %arg21[%get3A_125, %get3A_126] {strides = array<i32>} : memref<128x128xf32, #tpu.memory_space<vmem>>, vector<16xf32>,
          %bitcast3A_128 = vector.bitcast %get3A_124 : vector<16xf32> to vector<32xbf16>
          %bitcast3A_129 = vector.bitcast %get3A_127 : vector<16xf32> to vector<32xbf16>
          %sub3A_130 = arith.subf %bitcast3A_128, %bitcast3A_129 : vector<32xbf16>
          %unpack3A_131 = tpu.unpack_subelements %sub3A_130, 0 {pack_format = #tpu.pack_format<interleaved>} : vector<32xbf16> -> vector<16xf32>
          %unpack3A_132 = tpu.unpack_subelements %sub3A_130, 1 {pack_format = #tpu.pack_format<interleaved>} : vector<32xbf16> -> vector<16xf32>
          %mul3A_133 = arith.mulf %unpack3A_131, %unpack3A_131 : vector<16xf32>
          %add3A_134 = arith.addf %add3A_121, %mul3A_133 : vector<16xf32>
          %mul3A_135 = arith.mulf %unpack3A_132, %unpack3A_132 : vector<16xf32>
          %add3A_136 = arith.addf %add3A_134, %mul3A_135 : vector<16xf32>
          %get3A_137 = arith.index_cast %add3A_95 : i32 to index
          %get3A_138 = arith.constant 48 : index
          %get3A_139 = tpu.vector_load %arg20[%get3A_137, %get3A_138] {strides = array<i32>} : memref<128x128xf32, #tpu.memory_space<vmem>>, vector<16xf32>,
          %get3A_140 = arith.index_cast %add3A_95 : i32 to index
          %get3A_141 = arith.constant 48 : index
          %get3A_142 = tpu.vector_load %arg21[%get3A_140, %get3A_141] {strides = array<i32>} : memref<128x128xf32, #tpu.memory_space<vmem>>, vector<16xf32>,
          %bitcast3A_143 = vector.bitcast %get3A_139 : vector<16xf32> to vector<32xbf16>
          %bitcast3A_144 = vector.bitcast %get3A_142 : vector<16xf32> to vector<32xbf16>
          %sub3A_145 = arith.subf %bitcast3A_143, %bitcast3A_144 : vector<32xbf16>
          %unpack3A_146 = tpu.unpack_subelements %sub3A_145, 0 {pack_format = #tpu.pack_format<interleaved>} : vector<32xbf16> -> vector<16xf32>
          %unpack3A_147 = tpu.unpack_subelements %sub3A_145, 1 {pack_format = #tpu.pack_format<interleaved>} : vector<32xbf16> -> vector<16xf32>
          %mul3A_148 = arith.mulf %unpack3A_146, %unpack3A_146 : vector<16xf32>
          %add3A_149 = arith.addf %add3A_136, %mul3A_148 : vector<16xf32>
          %mul3A_150 = arith.mulf %unpack3A_147, %unpack3A_147 : vector<16xf32>
          %add3A_151 = arith.addf %add3A_149, %mul3A_150 : vector<16xf32>
          %get3A_152 = arith.index_cast %add3A_95 : i32 to index
          %get3A_153 = arith.constant 64 : index
          %get3A_154 = tpu.vector_load %arg20[%get3A_152, %get3A_153] {strides = array<i32>} : memref<128x128xf32, #tpu.memory_space<vmem>>, vector<16xf32>,
          %get3A_155 = arith.index_cast %add3A_95 : i32 to index
          %get3A_156 = arith.constant 64 : index
          %get3A_157 = tpu.vector_load %arg21[%get3A_155, %get3A_156] {strides = array<i32>} : memref<128x128xf32, #tpu.memory_space<vmem>>, vector<16xf32>,
          %bitcast3A_158 = vector.bitcast %get3A_154 : vector<16xf32> to vector<32xbf16>
          %bitcast3A_159 = vector.bitcast %get3A_157 : vector<16xf32> to vector<32xbf16>
          %sub3A_160 = arith.subf %bitcast3A_158, %bitcast3A_159 : vector<32xbf16>
          %unpack3A_161 = tpu.unpack_subelements %sub3A_160, 0 {pack_format = #tpu.pack_format<interleaved>} : vector<32xbf16> -> vector<16xf32>
          %unpack3A_162 = tpu.unpack_subelements %sub3A_160, 1 {pack_format = #tpu.pack_format<interleaved>} : vector<32xbf16> -> vector<16xf32>
          %mul3A_163 = arith.mulf %unpack3A_161, %unpack3A_161 : vector<16xf32>
          %add3A_164 = arith.addf %add3A_151, %mul3A_163 : vector<16xf32>
          %mul3A_165 = arith.mulf %unpack3A_162, %unpack3A_162 : vector<16xf32>
          %add3A_166 = arith.addf %add3A_164, %mul3A_165 : vector<16xf32>
          %get3A_167 = arith.index_cast %add3A_95 : i32 to index
          %get3A_168 = arith.constant 80 : index
          %get3A_169 = tpu.vector_load %arg20[%get3A_167, %get3A_168] {strides = array<i32>} : memref<128x128xf32, #tpu.memory_space<vmem>>, vector<16xf32>,
          %get3A_170 = arith.index_cast %add3A_95 : i32 to index
          %get3A_171 = arith.constant 80 : index
          %get3A_172 = tpu.vector_load %arg21[%get3A_170, %get3A_171] {strides = array<i32>} : memref<128x128xf32, #tpu.memory_space<vmem>>, vector<16xf32>,
          %bitcast3A_173 = vector.bitcast %get3A_169 : vector<16xf32> to vector<32xbf16>
          %bitcast3A_174 = vector.bitcast %get3A_172 : vector<16xf32> to vector<32xbf16>
          %sub3A_175 = arith.subf %bitcast3A_173, %bitcast3A_174 : vector<32xbf16>
          %unpack3A_176 = tpu.unpack_subelements %sub3A_175, 0 {pack_format = #tpu.pack_format<interleaved>} : vector<32xbf16> -> vector<16xf32>
          %unpack3A_177 = tpu.unpack_subelements %sub3A_175, 1 {pack_format = #tpu.pack_format<interleaved>} : vector<32xbf16> -> vector<16xf32>
          %mul3A_178 = arith.mulf %unpack3A_176, %unpack3A_176 : vector<16xf32>
          %add3A_179 = arith.addf %add3A_166, %mul3A_178 : vector<16xf32>
          %mul3A_180 = arith.mulf %unpack3A_177, %unpack3A_177 : vector<16xf32>
          %add3A_181 = arith.addf %add3A_179, %mul3A_180 : vector<16xf32>
          %get3A_182 = arith.index_cast %add3A_95 : i32 to index
          %get3A_183 = arith.constant 96 : index
          %get3A_184 = tpu.vector_load %arg20[%get3A_182, %get3A_183] {strides = array<i32>} : memref<128x128xf32, #tpu.memory_space<vmem>>, vector<16xf32>,
          %get3A_185 = arith.index_cast %add3A_95 : i32 to index
          %get3A_186 = arith.constant 96 : index
          %get3A_187 = tpu.vector_load %arg21[%get3A_185, %get3A_186] {strides = array<i32>} : memref<128x128xf32, #tpu.memory_space<vmem>>, vector<16xf32>,
          %bitcast3A_188 = vector.bitcast %get3A_184 : vector<16xf32> to vector<32xbf16>
          %bitcast3A_189 = vector.bitcast %get3A_187 : vector<16xf32> to vector<32xbf16>
          %sub3A_190 = arith.subf %bitcast3A_188, %bitcast3A_189 : vector<32xbf16>
          %unpack3A_191 = tpu.unpack_subelements %sub3A_190, 0 {pack_format = #tpu.pack_format<interleaved>} : vector<32xbf16> -> vector<16xf32>
          %unpack3A_192 = tpu.unpack_subelements %sub3A_190, 1 {pack_format = #tpu.pack_format<interleaved>} : vector<32xbf16> -> vector<16xf32>
          %mul3A_193 = arith.mulf %unpack3A_191, %unpack3A_191 : vector<16xf32>
          %add3A_194 = arith.addf %add3A_181, %mul3A_193 : vector<16xf32>
          %mul3A_195 = arith.mulf %unpack3A_192, %unpack3A_192 : vector<16xf32>
          %add3A_196 = arith.addf %add3A_194, %mul3A_195 : vector<16xf32>
          %get3A_197 = arith.index_cast %add3A_95 : i32 to index
          %get3A_198 = arith.constant 112 : index
          %get3A_199 = tpu.vector_load %arg20[%get3A_197, %get3A_198] {strides = array<i32>} : memref<128x128xf32, #tpu.memory_space<vmem>>, vector<16xf32>,
          %get3A_200 = arith.index_cast %add3A_95 : i32 to index
          %get3A_201 = arith.constant 112 : index
          %get3A_202 = tpu.vector_load %arg21[%get3A_200, %get3A_201] {strides = array<i32>} : memref<128x128xf32, #tpu.memory_space<vmem>>, vector<16xf32>,
          %bitcast3A_203 = vector.bitcast %get3A_199 : vector<16xf32> to vector<32xbf16>
          %bitcast3A_204 = vector.bitcast %get3A_202 : vector<16xf32> to vector<32xbf16>
          %sub3A_205 = arith.subf %bitcast3A_203, %bitcast3A_204 : vector<32xbf16>
          %unpack3A_206 = tpu.unpack_subelements %sub3A_205, 0 {pack_format = #tpu.pack_format<interleaved>} : vector<32xbf16> -> vector<16xf32>
          %unpack3A_207 = tpu.unpack_subelements %sub3A_205, 1 {pack_format = #tpu.pack_format<interleaved>} : vector<32xbf16> -> vector<16xf32>
          %mul3A_208 = arith.mulf %unpack3A_206, %unpack3A_206 : vector<16xf32>
          %add3A_209 = arith.addf %add3A_196, %mul3A_208 : vector<16xf32>
          %mul3A_210 = arith.mulf %unpack3A_207, %unpack3A_207 : vector<16xf32>
          %add3A_211 = arith.addf %add3A_209, %mul3A_210 : vector<16xf32>
          %eq3A = vector.broadcast %scan3A_91 : i32 to vector<16xi32>
          %eq3A_212 = arith.cmpi eq, %iota3A, %eq3A : vector<16xi32>
          %reduce_sum3A = arith.constant true
          %reduce_sum3A_213 = vector.broadcast %reduce_sum3A : i1 to vector<16xi1>
          %reduce_sum3A_214 = tpu.scan <sum>, %add3A_211 masked %reduce_sum3A_213 : vector<16xf32>, vector<16xi1> -> vector<16xf32>
          %reduce_sum3A_215 = vector.extract %reduce_sum3A_214[15] : f32 from vector<16xf32>
          %broadcast_in_dim3A_216 = vector.broadcast %reduce_sum3A_215 : f32 to vector<16xf32>
          %select_n3A = arith.select %eq3A_212, %broadcast_in_dim3A_216, %scan3A_92 : vector<16xi1>, vector<16xf32>
          scf.yield %select_n3A : vector<16xf32>
        }
        %scan3A_87 = arith.constant 16 : i32
        %mul3A_88 = arith.constant 16 : i32
        %mul3A_89 = arith.muli %scan3A_81, %mul3A_88 : i32
        %swap3A = arith.index_cast %mul3A_89 : i32 to index
        %swap3A_90 = tpu.vector_load %arg22[%swap3A] {strides = array<i32>} : memref<128xf32, #tpu.memory_space<vmem>>, vector<16xf32>,
        tpu.vector_store %arg22[%swap3A], %scan3A_86 {strides = array<i32>} : memref<128xf32, #tpu.memory_space<vmem>>, vector<16xf32>,
      }
      %scan3A_74 = arith.constant 8 : i32
      %scan3A_75 = arith.constant 0 : i32
      %scan3A_76 = arith.constant 0 : i32
      %scan3A_77 = arith.constant 8 : i32
      %scan3A_78 = arith.addi %scan3A_76, %scan3A_77 : i32
      %scan3A_79 = arith.constant 1 : i32
      scf.for %scan3A_81 = %scan3A_76 to %scan3A_78 step %scan3A_79  : i32 {
        %mul3A_82 = arith.constant 16 : i32
        %mul3A_83 = arith.muli %scan3A_81, %mul3A_82 : i32
        %get3A = arith.index_cast %mul3A_83 : i32 to index
        %get3A_84 = tpu.vector_load %arg17[%get3A] {strides = array<i32>} : memref<128xi32, #tpu.memory_space<vmem>>, vector<16xi32>,
        %mul3A_85 = arith.constant 16 : i32
        %mul3A_86 = arith.muli %scan3A_81, %mul3A_85 : i32
        %get3A_87 = arith.index_cast %mul3A_86 : i32 to index
        %get3A_88 = tpu.vector_load %arg22[%get3A_87] {strides = array<i32>} : memref<128xf32, #tpu.memory_space<vmem>>, vector<16xf32>,
        tpu.vector_store_idx %arg23[%get3A_84], %get3A_88 {add = true} : memref<10016xf32, #tpu.memory_space<vmem>>[vector<16xi32>], vector<16xf32>,
        tpu.vector_store_idx %arg24[%get3A_84], %broadcast_in_dim3A_3 {add = true} : memref<10016xf32, #tpu.memory_space<vmem>>[vector<16xi32>], vector<16xf32>,
      }
      %scan3A_80 = arith.constant 8 : i32
    }
    %scan3A_14 = arith.constant 20 : i32
    %scan3A_15 = arith.constant 0 : i32
    %scan3A_16 = arith.constant 0 : i32
    %scan3A_17 = arith.constant 20 : i32
    %scan3A_18 = arith.addi %scan3A_16, %scan3A_17 : i32
    %scan3A_19 = arith.constant 1 : i32
    scf.for %scan3A_27 = %scan3A_16 to %scan3A_18 step %scan3A_19  : i32 {
      %mul3A_28 = arith.constant 40 : i32
      %mul3A_29 = arith.muli %add3A, %mul3A_28 : i32
      %mul3A_30 = arith.constant 2 : i32
      %mul3A_31 = arith.muli %mul3A_30, %scan3A_27 : i32
      %add3A_32 = arith.addi %mul3A_29, %mul3A_31 : i32
      %add3A_33 = arith.constant 1 : i32
      %add3A_34 = arith.addi %add3A_32, %add3A_33 : i32
      "tpu.region"() ({
        %run_scoped3A = tpu.sem_alloc : memref<!tpu.dma_semaphore, #tpu.memory_space<semaphore_mem>>
        %dma_start3A_69 = arith.constant 0 : i32
        %dma_start3A_70 = tpu.memref_slice %arg4[%add3A_32, %dma_start3A_69] : memref<1280x128xi32, #tpu.memory_space<hbm>> -> memref<1x128xi32, #tpu.memory_space<hbm>>
        %dma_start3A_71 = tpu.memref_squeeze %dma_start3A_70 : memref<1x128xi32, #tpu.memory_space<hbm>> -> memref<128xi32, #tpu.memory_space<hbm>>
        %dma_start3A_72 = arith.constant 0 : i32
        %dma_start3A_73 = tpu.memref_slice %arg4[%add3A_32, %dma_start3A_72] : memref<1280x128xi32, #tpu.memory_space<hbm>> -> memref<1x128xi32, #tpu.memory_space<hbm>>
        %dma_start3A_74 = tpu.memref_squeeze %dma_start3A_73 : memref<1x128xi32, #tpu.memory_space<hbm>> -> memref<128xi32, #tpu.memory_space<hbm>>
        tpu.enqueue_dma source(%dma_start3A_74 : memref<128xi32, #tpu.memory_space<hbm>>) target(%arg14 : memref<128xi32, #tpu.memory_space<vmem>>) target_semaphore(%run_scoped3A : memref<!tpu.dma_semaphore, #tpu.memory_space<semaphore_mem>>)
        %dma_wait3A_75 = arith.constant 0 : i32
        %dma_wait3A_76 = tpu.memref_slice %arg4[%add3A_32, %dma_wait3A_75] : memref<1280x128xi32, #tpu.memory_space<hbm>> -> memref<1x128xi32, #tpu.memory_space<hbm>>
        %dma_wait3A_77 = tpu.memref_squeeze %dma_wait3A_76 : memref<1x128xi32, #tpu.memory_space<hbm>> -> memref<128xi32, #tpu.memory_space<hbm>>
        %dma_wait3A_78 = arith.constant 0 : i32
        %dma_wait3A_79 = tpu.memref_slice %arg4[%add3A_32, %dma_wait3A_78] : memref<1280x128xi32, #tpu.memory_space<hbm>> -> memref<1x128xi32, #tpu.memory_space<hbm>>
        %dma_wait3A_80 = tpu.memref_squeeze %dma_wait3A_79 : memref<1x128xi32, #tpu.memory_space<hbm>> -> memref<128xi32, #tpu.memory_space<hbm>>
        tpu.wait_dma2 semaphore(%run_scoped3A : memref<!tpu.dma_semaphore, #tpu.memory_space<semaphore_mem>>) src(%dma_wait3A_80 : memref<128xi32, #tpu.memory_space<hbm>>) dst(%arg14 : memref<128xi32, #tpu.memory_space<vmem>>)
        tpu.yield
      }) : () -> ()
      "tpu.region"() ({
        %run_scoped3A = tpu.sem_alloc : memref<!tpu.dma_semaphore, #tpu.memory_space<semaphore_mem>>
        %dma_start3A_69 = arith.constant 0 : i32
        %dma_start3A_70 = tpu.memref_slice %arg5[%add3A_32, %dma_start3A_69] : memref<1280x128xi32, #tpu.memory_space<hbm>> -> memref<1x128xi32, #tpu.memory_space<hbm>>
        %dma_start3A_71 = tpu.memref_squeeze %dma_start3A_70 : memref<1x128xi32, #tpu.memory_space<hbm>> -> memref<128xi32, #tpu.memory_space<hbm>>
        %dma_start3A_72 = arith.constant 0 : i32
        %dma_start3A_73 = tpu.memref_slice %arg5[%add3A_32, %dma_start3A_72] : memref<1280x128xi32, #tpu.memory_space<hbm>> -> memref<1x128xi32, #tpu.memory_space<hbm>>
        %dma_start3A_74 = tpu.memref_squeeze %dma_start3A_73 : memref<1x128xi32, #tpu.memory_space<hbm>> -> memref<128xi32, #tpu.memory_space<hbm>>
        tpu.enqueue_dma source(%dma_start3A_74 : memref<128xi32, #tpu.memory_space<hbm>>) target(%arg15 : memref<128xi32, #tpu.memory_space<vmem>>) target_semaphore(%run_scoped3A : memref<!tpu.dma_semaphore, #tpu.memory_space<semaphore_mem>>)
        %dma_wait3A_75 = arith.constant 0 : i32
        %dma_wait3A_76 = tpu.memref_slice %arg5[%add3A_32, %dma_wait3A_75] : memref<1280x128xi32, #tpu.memory_space<hbm>> -> memref<1x128xi32, #tpu.memory_space<hbm>>
        %dma_wait3A_77 = tpu.memref_squeeze %dma_wait3A_76 : memref<1x128xi32, #tpu.memory_space<hbm>> -> memref<128xi32, #tpu.memory_space<hbm>>
        %dma_wait3A_78 = arith.constant 0 : i32
        %dma_wait3A_79 = tpu.memref_slice %arg5[%add3A_32, %dma_wait3A_78] : memref<1280x128xi32, #tpu.memory_space<hbm>> -> memref<1x128xi32, #tpu.memory_space<hbm>>
        %dma_wait3A_80 = tpu.memref_squeeze %dma_wait3A_79 : memref<1x128xi32, #tpu.memory_space<hbm>> -> memref<128xi32, #tpu.memory_space<hbm>>
        tpu.wait_dma2 semaphore(%run_scoped3A : memref<!tpu.dma_semaphore, #tpu.memory_space<semaphore_mem>>) src(%dma_wait3A_80 : memref<128xi32, #tpu.memory_space<hbm>>) dst(%arg15 : memref<128xi32, #tpu.memory_space<vmem>>)
        tpu.yield
      }) : () -> ()
      "tpu.region"() ({
        %run_scoped3A = tpu.sem_alloc : memref<!tpu.dma_semaphore, #tpu.memory_space<semaphore_mem>>
        %dma_start3A_69 = arith.constant 0 : i32
        %dma_start3A_70 = tpu.memref_slice %arg4[%add3A_34, %dma_start3A_69] : memref<1280x128xi32, #tpu.memory_space<hbm>> -> memref<1x128xi32, #tpu.memory_space<hbm>>
        %dma_start3A_71 = tpu.memref_squeeze %dma_start3A_70 : memref<1x128xi32, #tpu.memory_space<hbm>> -> memref<128xi32, #tpu.memory_space<hbm>>
        %dma_start3A_72 = arith.constant 0 : i32
        %dma_start3A_73 = tpu.memref_slice %arg4[%add3A_34, %dma_start3A_72] : memref<1280x128xi32, #tpu.memory_space<hbm>> -> memref<1x128xi32, #tpu.memory_space<hbm>>
        %dma_start3A_74 = tpu.memref_squeeze %dma_start3A_73 : memref<1x128xi32, #tpu.memory_space<hbm>> -> memref<128xi32, #tpu.memory_space<hbm>>
        tpu.enqueue_dma source(%dma_start3A_74 : memref<128xi32, #tpu.memory_space<hbm>>) target(%arg16 : memref<128xi32, #tpu.memory_space<vmem>>) target_semaphore(%run_scoped3A : memref<!tpu.dma_semaphore, #tpu.memory_space<semaphore_mem>>)
        %dma_wait3A_75 = arith.constant 0 : i32
        %dma_wait3A_76 = tpu.memref_slice %arg4[%add3A_34, %dma_wait3A_75] : memref<1280x128xi32, #tpu.memory_space<hbm>> -> memref<1x128xi32, #tpu.memory_space<hbm>>
        %dma_wait3A_77 = tpu.memref_squeeze %dma_wait3A_76 : memref<1x128xi32, #tpu.memory_space<hbm>> -> memref<128xi32, #tpu.memory_space<hbm>>
        %dma_wait3A_78 = arith.constant 0 : i32
        %dma_wait3A_79 = tpu.memref_slice %arg4[%add3A_34, %dma_wait3A_78] : memref<1280x128xi32, #tpu.memory_space<hbm>> -> memref<1x128xi32, #tpu.memory_space<hbm>>
        %dma_wait3A_80 = tpu.memref_squeeze %dma_wait3A_79 : memref<1x128xi32, #tpu.memory_space<hbm>> -> memref<128xi32, #tpu.memory_space<hbm>>
        tpu.wait_dma2 semaphore(%run_scoped3A : memref<!tpu.dma_semaphore, #tpu.memory_space<semaphore_mem>>) src(%dma_wait3A_80 : memref<128xi32, #tpu.memory_space<hbm>>) dst(%arg16 : memref<128xi32, #tpu.memory_space<vmem>>)
        tpu.yield
      }) : () -> ()
      "tpu.region"() ({
        %run_scoped3A = tpu.sem_alloc : memref<!tpu.dma_semaphore, #tpu.memory_space<semaphore_mem>>
        %dma_start3A_69 = arith.constant 0 : i32
        %dma_start3A_70 = tpu.memref_slice %arg5[%add3A_34, %dma_start3A_69] : memref<1280x128xi32, #tpu.memory_space<hbm>> -> memref<1x128xi32, #tpu.memory_space<hbm>>
        %dma_start3A_71 = tpu.memref_squeeze %dma_start3A_70 : memref<1x128xi32, #tpu.memory_space<hbm>> -> memref<128xi32, #tpu.memory_space<hbm>>
        %dma_start3A_72 = arith.constant 0 : i32
        %dma_start3A_73 = tpu.memref_slice %arg5[%add3A_34, %dma_start3A_72] : memref<1280x128xi32, #tpu.memory_space<hbm>> -> memref<1x128xi32, #tpu.memory_space<hbm>>
        %dma_start3A_74 = tpu.memref_squeeze %dma_start3A_73 : memref<1x128xi32, #tpu.memory_space<hbm>> -> memref<128xi32, #tpu.memory_space<hbm>>
        tpu.enqueue_dma source(%dma_start3A_74 : memref<128xi32, #tpu.memory_space<hbm>>) target(%arg17 : memref<128xi32, #tpu.memory_space<vmem>>) target_semaphore(%run_scoped3A : memref<!tpu.dma_semaphore, #tpu.memory_space<semaphore_mem>>)
        %dma_wait3A_75 = arith.constant 0 : i32
        %dma_wait3A_76 = tpu.memref_slice %arg5[%add3A_34, %dma_wait3A_75] : memref<1280x128xi32, #tpu.memory_space<hbm>> -> memref<1x128xi32, #tpu.memory_space<hbm>>
        %dma_wait3A_77 = tpu.memref_squeeze %dma_wait3A_76 : memref<1x128xi32, #tpu.memory_space<hbm>> -> memref<128xi32, #tpu.memory_space<hbm>>
        %dma_wait3A_78 = arith.constant 0 : i32
        %dma_wait3A_79 = tpu.memref_slice %arg5[%add3A_34, %dma_wait3A_78] : memref<1280x128xi32, #tpu.memory_space<hbm>> -> memref<1x128xi32, #tpu.memory_space<hbm>>
        %dma_wait3A_80 = tpu.memref_squeeze %dma_wait3A_79 : memref<1x128xi32, #tpu.memory_space<hbm>> -> memref<128xi32, #tpu.memory_space<hbm>>
        tpu.wait_dma2 semaphore(%run_scoped3A : memref<!tpu.dma_semaphore, #tpu.memory_space<semaphore_mem>>) src(%dma_wait3A_80 : memref<128xi32, #tpu.memory_space<hbm>>) dst(%arg17 : memref<128xi32, #tpu.memory_space<vmem>>)
        tpu.yield
      }) : () -> ()
      %dma_start3A = arith.constant 0 : i32
      %dma_start3A_35 = arith.constant 0 : i32
      %dma_start3A_36 = tpu.memref_slice %arg8[%dma_start3A, %dma_start3A_35] : memref<10000x128xf32, #tpu.memory_space<hbm>> -> memref<10000x128xf32, #tpu.memory_space<hbm>>
      tpu.enqueue_indirect_dma source(%dma_start3A_36 : memref<10000x128xf32, #tpu.memory_space<hbm>>) target(%arg18 : memref<128x128xf32, #tpu.memory_space<vmem>>) offsets(%arg14 : memref<128xi32, #tpu.memory_space<vmem>>) semaphore(%arg25 : memref<!tpu.dma_semaphore, #tpu.memory_space<semaphore_mem>>)
      %dma_start3A_37 = arith.constant 0 : i32
      %dma_start3A_38 = arith.constant 0 : i32
      %dma_start3A_39 = tpu.memref_slice %arg9[%dma_start3A_37, %dma_start3A_38] : memref<10000x128xf32, #tpu.memory_space<hbm>> -> memref<10000x128xf32, #tpu.memory_space<hbm>>
      tpu.enqueue_indirect_dma source(%dma_start3A_39 : memref<10000x128xf32, #tpu.memory_space<hbm>>) target(%arg19 : memref<128x128xf32, #tpu.memory_space<vmem>>) offsets(%arg15 : memref<128xi32, #tpu.memory_space<vmem>>) semaphore(%arg26 : memref<!tpu.dma_semaphore, #tpu.memory_space<semaphore_mem>>)
      %dma_start3A_40 = arith.constant 0 : i32
      %dma_start3A_41 = arith.constant 0 : i32
      %dma_start3A_42 = tpu.memref_slice %arg8[%dma_start3A_40, %dma_start3A_41] : memref<10000x128xf32, #tpu.memory_space<hbm>> -> memref<10000x128xf32, #tpu.memory_space<hbm>>
      tpu.enqueue_indirect_dma source(%dma_start3A_42 : memref<10000x128xf32, #tpu.memory_space<hbm>>) target(%arg20 : memref<128x128xf32, #tpu.memory_space<vmem>>) offsets(%arg16 : memref<128xi32, #tpu.memory_space<vmem>>) semaphore(%arg27 : memref<!tpu.dma_semaphore, #tpu.memory_space<semaphore_mem>>)
      %dma_start3A_43 = arith.constant 0 : i32
      %dma_start3A_44 = arith.constant 0 : i32
      %dma_start3A_45 = tpu.memref_slice %arg9[%dma_start3A_43, %dma_start3A_44] : memref<10000x128xf32, #tpu.memory_space<hbm>> -> memref<10000x128xf32, #tpu.memory_space<hbm>>
      tpu.enqueue_indirect_dma source(%dma_start3A_45 : memref<10000x128xf32, #tpu.memory_space<hbm>>) target(%arg21 : memref<128x128xf32, #tpu.memory_space<vmem>>) offsets(%arg17 : memref<128xi32, #tpu.memory_space<vmem>>) semaphore(%arg28 : memref<!tpu.dma_semaphore, #tpu.memory_space<semaphore_mem>>)
      %dma_wait3A = arith.constant 0 : i32
      %dma_wait3A_46 = arith.constant 0 : i32
      %dma_wait3A_47 = tpu.memref_slice %arg8[%dma_wait3A, %dma_wait3A_46] : memref<10000x128xf32, #tpu.memory_space<hbm>> -> memref<10000x128xf32, #tpu.memory_space<hbm>>
      tpu.wait_indirect_dma semaphore(%arg25 : memref<!tpu.dma_semaphore, #tpu.memory_space<semaphore_mem>>) src(%dma_wait3A_47 : memref<10000x128xf32, #tpu.memory_space<hbm>>) dst(%arg18 : memref<128x128xf32, #tpu.memory_space<vmem>>)
      %dma_wait3A_48 = arith.constant 0 : i32
      %dma_wait3A_49 = arith.constant 0 : i32
      %dma_wait3A_50 = tpu.memref_slice %arg9[%dma_wait3A_48, %dma_wait3A_49] : memref<10000x128xf32, #tpu.memory_space<hbm>> -> memref<10000x128xf32, #tpu.memory_space<hbm>>
      tpu.wait_indirect_dma semaphore(%arg26 : memref<!tpu.dma_semaphore, #tpu.memory_space<semaphore_mem>>) src(%dma_wait3A_50 : memref<10000x128xf32, #tpu.memory_space<hbm>>) dst(%arg19 : memref<128x128xf32, #tpu.memory_space<vmem>>)
      %scan3A_51 = arith.constant 0 : i32
      %scan3A_52 = arith.constant 0 : i32
      %scan3A_53 = arith.constant 8 : i32
      %scan3A_54 = arith.addi %scan3A_52, %scan3A_53 : i32
      %scan3A_55 = arith.constant 1 : i32
      scf.for %scan3A_69 = %scan3A_52 to %scan3A_54 step %scan3A_55  : i32 {
        %scan3A_70 = arith.constant 0 : i32
        %scan3A_71 = arith.constant 16 : i32
        %scan3A_72 = arith.addi %scan3A_70, %scan3A_71 : i32
        %scan3A_73 = arith.constant 1 : i32
        %scan3A_74 = scf.for %scan3A_79 = %scan3A_70 to %scan3A_72 step %scan3A_73 iter_args(%scan3A_80 = %broadcast_in_dim3A_1) -> (vector<16xf32>)  : i32 {
          %mul3A_81 = arith.constant 16 : i32
          %mul3A_82 = arith.muli %scan3A_69, %mul3A_81 : i32
          %add3A_83 = arith.addi %mul3A_82, %scan3A_79 : i32
          %get3A = arith.index_cast %add3A_83 : i32 to index
          %get3A_84 = arith.constant 0 : index
          %get3A_85 = tpu.vector_load %arg18[%get3A, %get3A_84] {strides = array<i32>} : memref<128x128xf32, #tpu.memory_space<vmem>>, vector<16xf32>,
          %get3A_86 = arith.index_cast %add3A_83 : i32 to index
          %get3A_87 = arith.constant 0 : index
          %get3A_88 = tpu.vector_load %arg19[%get3A_86, %get3A_87] {strides = array<i32>} : memref<128x128xf32, #tpu.memory_space<vmem>>, vector<16xf32>,
          %bitcast3A = vector.bitcast %get3A_85 : vector<16xf32> to vector<32xbf16>
          %bitcast3A_89 = vector.bitcast %get3A_88 : vector<16xf32> to vector<32xbf16>
          %sub3A = arith.subf %bitcast3A, %bitcast3A_89 : vector<32xbf16>
          %unpack3A = tpu.unpack_subelements %sub3A, 0 {pack_format = #tpu.pack_format<interleaved>} : vector<32xbf16> -> vector<16xf32>
          %unpack3A_90 = tpu.unpack_subelements %sub3A, 1 {pack_format = #tpu.pack_format<interleaved>} : vector<32xbf16> -> vector<16xf32>
          %mul3A_91 = arith.mulf %unpack3A, %unpack3A : vector<16xf32>
          %add3A_92 = arith.addf %broadcast_in_dim3A_1, %mul3A_91 : vector<16xf32>
          %mul3A_93 = arith.mulf %unpack3A_90, %unpack3A_90 : vector<16xf32>
          %add3A_94 = arith.addf %add3A_92, %mul3A_93 : vector<16xf32>
          %get3A_95 = arith.index_cast %add3A_83 : i32 to index
          %get3A_96 = arith.constant 16 : index
          %get3A_97 = tpu.vector_load %arg18[%get3A_95, %get3A_96] {strides = array<i32>} : memref<128x128xf32, #tpu.memory_space<vmem>>, vector<16xf32>,
          %get3A_98 = arith.index_cast %add3A_83 : i32 to index
          %get3A_99 = arith.constant 16 : index
          %get3A_100 = tpu.vector_load %arg19[%get3A_98, %get3A_99] {strides = array<i32>} : memref<128x128xf32, #tpu.memory_space<vmem>>, vector<16xf32>,
          %bitcast3A_101 = vector.bitcast %get3A_97 : vector<16xf32> to vector<32xbf16>
          %bitcast3A_102 = vector.bitcast %get3A_100 : vector<16xf32> to vector<32xbf16>
          %sub3A_103 = arith.subf %bitcast3A_101, %bitcast3A_102 : vector<32xbf16>
          %unpack3A_104 = tpu.unpack_subelements %sub3A_103, 0 {pack_format = #tpu.pack_format<interleaved>} : vector<32xbf16> -> vector<16xf32>
          %unpack3A_105 = tpu.unpack_subelements %sub3A_103, 1 {pack_format = #tpu.pack_format<interleaved>} : vector<32xbf16> -> vector<16xf32>
          %mul3A_106 = arith.mulf %unpack3A_104, %unpack3A_104 : vector<16xf32>
          %add3A_107 = arith.addf %add3A_94, %mul3A_106 : vector<16xf32>
          %mul3A_108 = arith.mulf %unpack3A_105, %unpack3A_105 : vector<16xf32>
          %add3A_109 = arith.addf %add3A_107, %mul3A_108 : vector<16xf32>
          %get3A_110 = arith.index_cast %add3A_83 : i32 to index
          %get3A_111 = arith.constant 32 : index
          %get3A_112 = tpu.vector_load %arg18[%get3A_110, %get3A_111] {strides = array<i32>} : memref<128x128xf32, #tpu.memory_space<vmem>>, vector<16xf32>,
          %get3A_113 = arith.index_cast %add3A_83 : i32 to index
          %get3A_114 = arith.constant 32 : index
          %get3A_115 = tpu.vector_load %arg19[%get3A_113, %get3A_114] {strides = array<i32>} : memref<128x128xf32, #tpu.memory_space<vmem>>, vector<16xf32>,
          %bitcast3A_116 = vector.bitcast %get3A_112 : vector<16xf32> to vector<32xbf16>
          %bitcast3A_117 = vector.bitcast %get3A_115 : vector<16xf32> to vector<32xbf16>
          %sub3A_118 = arith.subf %bitcast3A_116, %bitcast3A_117 : vector<32xbf16>
          %unpack3A_119 = tpu.unpack_subelements %sub3A_118, 0 {pack_format = #tpu.pack_format<interleaved>} : vector<32xbf16> -> vector<16xf32>
          %unpack3A_120 = tpu.unpack_subelements %sub3A_118, 1 {pack_format = #tpu.pack_format<interleaved>} : vector<32xbf16> -> vector<16xf32>
          %mul3A_121 = arith.mulf %unpack3A_119, %unpack3A_119 : vector<16xf32>
          %add3A_122 = arith.addf %add3A_109, %mul3A_121 : vector<16xf32>
          %mul3A_123 = arith.mulf %unpack3A_120, %unpack3A_120 : vector<16xf32>
          %add3A_124 = arith.addf %add3A_122, %mul3A_123 : vector<16xf32>
          %get3A_125 = arith.index_cast %add3A_83 : i32 to index
          %get3A_126 = arith.constant 48 : index
          %get3A_127 = tpu.vector_load %arg18[%get3A_125, %get3A_126] {strides = array<i32>} : memref<128x128xf32, #tpu.memory_space<vmem>>, vector<16xf32>,
          %get3A_128 = arith.index_cast %add3A_83 : i32 to index
          %get3A_129 = arith.constant 48 : index
          %get3A_130 = tpu.vector_load %arg19[%get3A_128, %get3A_129] {strides = array<i32>} : memref<128x128xf32, #tpu.memory_space<vmem>>, vector<16xf32>,
          %bitcast3A_131 = vector.bitcast %get3A_127 : vector<16xf32> to vector<32xbf16>
          %bitcast3A_132 = vector.bitcast %get3A_130 : vector<16xf32> to vector<32xbf16>
          %sub3A_133 = arith.subf %bitcast3A_131, %bitcast3A_132 : vector<32xbf16>
          %unpack3A_134 = tpu.unpack_subelements %sub3A_133, 0 {pack_format = #tpu.pack_format<interleaved>} : vector<32xbf16> -> vector<16xf32>
          %unpack3A_135 = tpu.unpack_subelements %sub3A_133, 1 {pack_format = #tpu.pack_format<interleaved>} : vector<32xbf16> -> vector<16xf32>
          %mul3A_136 = arith.mulf %unpack3A_134, %unpack3A_134 : vector<16xf32>
          %add3A_137 = arith.addf %add3A_124, %mul3A_136 : vector<16xf32>
          %mul3A_138 = arith.mulf %unpack3A_135, %unpack3A_135 : vector<16xf32>
          %add3A_139 = arith.addf %add3A_137, %mul3A_138 : vector<16xf32>
          %get3A_140 = arith.index_cast %add3A_83 : i32 to index
          %get3A_141 = arith.constant 64 : index
          %get3A_142 = tpu.vector_load %arg18[%get3A_140, %get3A_141] {strides = array<i32>} : memref<128x128xf32, #tpu.memory_space<vmem>>, vector<16xf32>,
          %get3A_143 = arith.index_cast %add3A_83 : i32 to index
          %get3A_144 = arith.constant 64 : index
          %get3A_145 = tpu.vector_load %arg19[%get3A_143, %get3A_144] {strides = array<i32>} : memref<128x128xf32, #tpu.memory_space<vmem>>, vector<16xf32>,
          %bitcast3A_146 = vector.bitcast %get3A_142 : vector<16xf32> to vector<32xbf16>
          %bitcast3A_147 = vector.bitcast %get3A_145 : vector<16xf32> to vector<32xbf16>
          %sub3A_148 = arith.subf %bitcast3A_146, %bitcast3A_147 : vector<32xbf16>
          %unpack3A_149 = tpu.unpack_subelements %sub3A_148, 0 {pack_format = #tpu.pack_format<interleaved>} : vector<32xbf16> -> vector<16xf32>
          %unpack3A_150 = tpu.unpack_subelements %sub3A_148, 1 {pack_format = #tpu.pack_format<interleaved>} : vector<32xbf16> -> vector<16xf32>
          %mul3A_151 = arith.mulf %unpack3A_149, %unpack3A_149 : vector<16xf32>
          %add3A_152 = arith.addf %add3A_139, %mul3A_151 : vector<16xf32>
          %mul3A_153 = arith.mulf %unpack3A_150, %unpack3A_150 : vector<16xf32>
          %add3A_154 = arith.addf %add3A_152, %mul3A_153 : vector<16xf32>
          %get3A_155 = arith.index_cast %add3A_83 : i32 to index
          %get3A_156 = arith.constant 80 : index
          %get3A_157 = tpu.vector_load %arg18[%get3A_155, %get3A_156] {strides = array<i32>} : memref<128x128xf32, #tpu.memory_space<vmem>>, vector<16xf32>,
          %get3A_158 = arith.index_cast %add3A_83 : i32 to index
          %get3A_159 = arith.constant 80 : index
          %get3A_160 = tpu.vector_load %arg19[%get3A_158, %get3A_159] {strides = array<i32>} : memref<128x128xf32, #tpu.memory_space<vmem>>, vector<16xf32>,
          %bitcast3A_161 = vector.bitcast %get3A_157 : vector<16xf32> to vector<32xbf16>
          %bitcast3A_162 = vector.bitcast %get3A_160 : vector<16xf32> to vector<32xbf16>
          %sub3A_163 = arith.subf %bitcast3A_161, %bitcast3A_162 : vector<32xbf16>
          %unpack3A_164 = tpu.unpack_subelements %sub3A_163, 0 {pack_format = #tpu.pack_format<interleaved>} : vector<32xbf16> -> vector<16xf32>
          %unpack3A_165 = tpu.unpack_subelements %sub3A_163, 1 {pack_format = #tpu.pack_format<interleaved>} : vector<32xbf16> -> vector<16xf32>
          %mul3A_166 = arith.mulf %unpack3A_164, %unpack3A_164 : vector<16xf32>
          %add3A_167 = arith.addf %add3A_154, %mul3A_166 : vector<16xf32>
          %mul3A_168 = arith.mulf %unpack3A_165, %unpack3A_165 : vector<16xf32>
          %add3A_169 = arith.addf %add3A_167, %mul3A_168 : vector<16xf32>
          %get3A_170 = arith.index_cast %add3A_83 : i32 to index
          %get3A_171 = arith.constant 96 : index
          %get3A_172 = tpu.vector_load %arg18[%get3A_170, %get3A_171] {strides = array<i32>} : memref<128x128xf32, #tpu.memory_space<vmem>>, vector<16xf32>,
          %get3A_173 = arith.index_cast %add3A_83 : i32 to index
          %get3A_174 = arith.constant 96 : index
          %get3A_175 = tpu.vector_load %arg19[%get3A_173, %get3A_174] {strides = array<i32>} : memref<128x128xf32, #tpu.memory_space<vmem>>, vector<16xf32>,
          %bitcast3A_176 = vector.bitcast %get3A_172 : vector<16xf32> to vector<32xbf16>
          %bitcast3A_177 = vector.bitcast %get3A_175 : vector<16xf32> to vector<32xbf16>
          %sub3A_178 = arith.subf %bitcast3A_176, %bitcast3A_177 : vector<32xbf16>
          %unpack3A_179 = tpu.unpack_subelements %sub3A_178, 0 {pack_format = #tpu.pack_format<interleaved>} : vector<32xbf16> -> vector<16xf32>
          %unpack3A_180 = tpu.unpack_subelements %sub3A_178, 1 {pack_format = #tpu.pack_format<interleaved>} : vector<32xbf16> -> vector<16xf32>
          %mul3A_181 = arith.mulf %unpack3A_179, %unpack3A_179 : vector<16xf32>
          %add3A_182 = arith.addf %add3A_169, %mul3A_181 : vector<16xf32>
          %mul3A_183 = arith.mulf %unpack3A_180, %unpack3A_180 : vector<16xf32>
          %add3A_184 = arith.addf %add3A_182, %mul3A_183 : vector<16xf32>
          %get3A_185 = arith.index_cast %add3A_83 : i32 to index
          %get3A_186 = arith.constant 112 : index
          %get3A_187 = tpu.vector_load %arg18[%get3A_185, %get3A_186] {strides = array<i32>} : memref<128x128xf32, #tpu.memory_space<vmem>>, vector<16xf32>,
          %get3A_188 = arith.index_cast %add3A_83 : i32 to index
          %get3A_189 = arith.constant 112 : index
          %get3A_190 = tpu.vector_load %arg19[%get3A_188, %get3A_189] {strides = array<i32>} : memref<128x128xf32, #tpu.memory_space<vmem>>, vector<16xf32>,
          %bitcast3A_191 = vector.bitcast %get3A_187 : vector<16xf32> to vector<32xbf16>
          %bitcast3A_192 = vector.bitcast %get3A_190 : vector<16xf32> to vector<32xbf16>
          %sub3A_193 = arith.subf %bitcast3A_191, %bitcast3A_192 : vector<32xbf16>
          %unpack3A_194 = tpu.unpack_subelements %sub3A_193, 0 {pack_format = #tpu.pack_format<interleaved>} : vector<32xbf16> -> vector<16xf32>
          %unpack3A_195 = tpu.unpack_subelements %sub3A_193, 1 {pack_format = #tpu.pack_format<interleaved>} : vector<32xbf16> -> vector<16xf32>
          %mul3A_196 = arith.mulf %unpack3A_194, %unpack3A_194 : vector<16xf32>
          %add3A_197 = arith.addf %add3A_184, %mul3A_196 : vector<16xf32>
          %mul3A_198 = arith.mulf %unpack3A_195, %unpack3A_195 : vector<16xf32>
          %add3A_199 = arith.addf %add3A_197, %mul3A_198 : vector<16xf32>
          %eq3A = vector.broadcast %scan3A_79 : i32 to vector<16xi32>
          %eq3A_200 = arith.cmpi eq, %iota3A, %eq3A : vector<16xi32>
          %reduce_sum3A = arith.constant true
          %reduce_sum3A_201 = vector.broadcast %reduce_sum3A : i1 to vector<16xi1>
          %reduce_sum3A_202 = tpu.scan <sum>, %add3A_199 masked %reduce_sum3A_201 : vector<16xf32>, vector<16xi1> -> vector<16xf32>
          %reduce_sum3A_203 = vector.extract %reduce_sum3A_202[15] : f32 from vector<16xf32>
          %broadcast_in_dim3A_204 = vector.broadcast %reduce_sum3A_203 : f32 to vector<16xf32>
          %select_n3A = arith.select %eq3A_200, %broadcast_in_dim3A_204, %scan3A_80 : vector<16xi1>, vector<16xf32>
          scf.yield %select_n3A : vector<16xf32>
        }
        %scan3A_75 = arith.constant 16 : i32
        %mul3A_76 = arith.constant 16 : i32
        %mul3A_77 = arith.muli %scan3A_69, %mul3A_76 : i32
        %swap3A = arith.index_cast %mul3A_77 : i32 to index
        %swap3A_78 = tpu.vector_load %arg22[%swap3A] {strides = array<i32>} : memref<128xf32, #tpu.memory_space<vmem>>, vector<16xf32>,
        tpu.vector_store %arg22[%swap3A], %scan3A_74 {strides = array<i32>} : memref<128xf32, #tpu.memory_space<vmem>>, vector<16xf32>,
      }
      %scan3A_56 = arith.constant 8 : i32
      "tpu.region"() ({
        %run_scoped3A = tpu.sem_alloc : memref<!tpu.dma_semaphore, #tpu.memory_space<semaphore_mem>>
        %dma_start3A_69 = arith.constant 0 : i32
        %dma_start3A_70 = tpu.memref_slice %arg12[%add3A_32, %dma_start3A_69] : memref<1280x128xf32, #tpu.memory_space<hbm>> -> memref<1x128xf32, #tpu.memory_space<hbm>>
        %dma_start3A_71 = tpu.memref_squeeze %dma_start3A_70 : memref<1x128xf32, #tpu.memory_space<hbm>> -> memref<128xf32, #tpu.memory_space<hbm>>
        %dma_start3A_72 = arith.constant 0 : i32
        %dma_start3A_73 = tpu.memref_slice %arg12[%add3A_32, %dma_start3A_72] : memref<1280x128xf32, #tpu.memory_space<hbm>> -> memref<1x128xf32, #tpu.memory_space<hbm>>
        %dma_start3A_74 = tpu.memref_squeeze %dma_start3A_73 : memref<1x128xf32, #tpu.memory_space<hbm>> -> memref<128xf32, #tpu.memory_space<hbm>>
        tpu.enqueue_dma source(%arg22 : memref<128xf32, #tpu.memory_space<vmem>>) target(%dma_start3A_74 : memref<128xf32, #tpu.memory_space<hbm>>) target_semaphore(%run_scoped3A : memref<!tpu.dma_semaphore, #tpu.memory_space<semaphore_mem>>)
        %dma_wait3A_75 = arith.constant 0 : i32
        %dma_wait3A_76 = tpu.memref_slice %arg12[%add3A_32, %dma_wait3A_75] : memref<1280x128xf32, #tpu.memory_space<hbm>> -> memref<1x128xf32, #tpu.memory_space<hbm>>
        %dma_wait3A_77 = tpu.memref_squeeze %dma_wait3A_76 : memref<1x128xf32, #tpu.memory_space<hbm>> -> memref<128xf32, #tpu.memory_space<hbm>>
        %dma_wait3A_78 = arith.constant 0 : i32
        %dma_wait3A_79 = tpu.memref_slice %arg12[%add3A_32, %dma_wait3A_78] : memref<1280x128xf32, #tpu.memory_space<hbm>> -> memref<1x128xf32, #tpu.memory_space<hbm>>
        %dma_wait3A_80 = tpu.memref_squeeze %dma_wait3A_79 : memref<1x128xf32, #tpu.memory_space<hbm>> -> memref<128xf32, #tpu.memory_space<hbm>>
        tpu.wait_dma2 semaphore(%run_scoped3A : memref<!tpu.dma_semaphore, #tpu.memory_space<semaphore_mem>>) src(%arg22 : memref<128xf32, #tpu.memory_space<vmem>>) dst(%dma_wait3A_80 : memref<128xf32, #tpu.memory_space<hbm>>)
        tpu.yield
      }) : () -> ()
      %dma_wait3A_57 = arith.constant 0 : i32
      %dma_wait3A_58 = arith.constant 0 : i32
      %dma_wait3A_59 = tpu.memref_slice %arg8[%dma_wait3A_57, %dma_wait3A_58] : memref<10000x128xf32, #tpu.memory_space<hbm>> -> memref<10000x128xf32, #tpu.memory_space<hbm>>
      tpu.wait_indirect_dma semaphore(%arg27 : memref<!tpu.dma_semaphore, #tpu.memory_space<semaphore_mem>>) src(%dma_wait3A_59 : memref<10000x128xf32, #tpu.memory_space<hbm>>) dst(%arg20 : memref<128x128xf32, #tpu.memory_space<vmem>>)
      %dma_wait3A_60 = arith.constant 0 : i32
      %dma_wait3A_61 = arith.constant 0 : i32
      %dma_wait3A_62 = tpu.memref_slice %arg9[%dma_wait3A_60, %dma_wait3A_61] : memref<10000x128xf32, #tpu.memory_space<hbm>> -> memref<10000x128xf32, #tpu.memory_space<hbm>>
      tpu.wait_indirect_dma semaphore(%arg28 : memref<!tpu.dma_semaphore, #tpu.memory_space<semaphore_mem>>) src(%dma_wait3A_62 : memref<10000x128xf32, #tpu.memory_space<hbm>>) dst(%arg21 : memref<128x128xf32, #tpu.memory_space<vmem>>)
      %scan3A_63 = arith.constant 0 : i32
      %scan3A_64 = arith.constant 0 : i32
      %scan3A_65 = arith.constant 8 : i32
      %scan3A_66 = arith.addi %scan3A_64, %scan3A_65 : i32
      %scan3A_67 = arith.constant 1 : i32
      scf.for %scan3A_69 = %scan3A_64 to %scan3A_66 step %scan3A_67  : i32 {
        %scan3A_70 = arith.constant 0 : i32
        %scan3A_71 = arith.constant 16 : i32
        %scan3A_72 = arith.addi %scan3A_70, %scan3A_71 : i32
        %scan3A_73 = arith.constant 1 : i32
        %scan3A_74 = scf.for %scan3A_79 = %scan3A_70 to %scan3A_72 step %scan3A_73 iter_args(%scan3A_80 = %broadcast_in_dim3A_1) -> (vector<16xf32>)  : i32 {
          %mul3A_81 = arith.constant 16 : i32
          %mul3A_82 = arith.muli %scan3A_69, %mul3A_81 : i32
          %add3A_83 = arith.addi %mul3A_82, %scan3A_79 : i32
          %get3A = arith.index_cast %add3A_83 : i32 to index
          %get3A_84 = arith.constant 0 : index
          %get3A_85 = tpu.vector_load %arg20[%get3A, %get3A_84] {strides = array<i32>} : memref<128x128xf32, #tpu.memory_space<vmem>>, vector<16xf32>,
          %get3A_86 = arith.index_cast %add3A_83 : i32 to index
          %get3A_87 = arith.constant 0 : index
          %get3A_88 = tpu.vector_load %arg21[%get3A_86, %get3A_87] {strides = array<i32>} : memref<128x128xf32, #tpu.memory_space<vmem>>, vector<16xf32>,
          %bitcast3A = vector.bitcast %get3A_85 : vector<16xf32> to vector<32xbf16>
          %bitcast3A_89 = vector.bitcast %get3A_88 : vector<16xf32> to vector<32xbf16>
          %sub3A = arith.subf %bitcast3A, %bitcast3A_89 : vector<32xbf16>
          %unpack3A = tpu.unpack_subelements %sub3A, 0 {pack_format = #tpu.pack_format<interleaved>} : vector<32xbf16> -> vector<16xf32>
          %unpack3A_90 = tpu.unpack_subelements %sub3A, 1 {pack_format = #tpu.pack_format<interleaved>} : vector<32xbf16> -> vector<16xf32>
          %mul3A_91 = arith.mulf %unpack3A, %unpack3A : vector<16xf32>
          %add3A_92 = arith.addf %broadcast_in_dim3A_1, %mul3A_91 : vector<16xf32>
          %mul3A_93 = arith.mulf %unpack3A_90, %unpack3A_90 : vector<16xf32>
          %add3A_94 = arith.addf %add3A_92, %mul3A_93 : vector<16xf32>
          %get3A_95 = arith.index_cast %add3A_83 : i32 to index
          %get3A_96 = arith.constant 16 : index
          %get3A_97 = tpu.vector_load %arg20[%get3A_95, %get3A_96] {strides = array<i32>} : memref<128x128xf32, #tpu.memory_space<vmem>>, vector<16xf32>,
          %get3A_98 = arith.index_cast %add3A_83 : i32 to index
          %get3A_99 = arith.constant 16 : index
          %get3A_100 = tpu.vector_load %arg21[%get3A_98, %get3A_99] {strides = array<i32>} : memref<128x128xf32, #tpu.memory_space<vmem>>, vector<16xf32>,
          %bitcast3A_101 = vector.bitcast %get3A_97 : vector<16xf32> to vector<32xbf16>
          %bitcast3A_102 = vector.bitcast %get3A_100 : vector<16xf32> to vector<32xbf16>
          %sub3A_103 = arith.subf %bitcast3A_101, %bitcast3A_102 : vector<32xbf16>
          %unpack3A_104 = tpu.unpack_subelements %sub3A_103, 0 {pack_format = #tpu.pack_format<interleaved>} : vector<32xbf16> -> vector<16xf32>
          %unpack3A_105 = tpu.unpack_subelements %sub3A_103, 1 {pack_format = #tpu.pack_format<interleaved>} : vector<32xbf16> -> vector<16xf32>
          %mul3A_106 = arith.mulf %unpack3A_104, %unpack3A_104 : vector<16xf32>
          %add3A_107 = arith.addf %add3A_94, %mul3A_106 : vector<16xf32>
          %mul3A_108 = arith.mulf %unpack3A_105, %unpack3A_105 : vector<16xf32>
          %add3A_109 = arith.addf %add3A_107, %mul3A_108 : vector<16xf32>
          %get3A_110 = arith.index_cast %add3A_83 : i32 to index
          %get3A_111 = arith.constant 32 : index
          %get3A_112 = tpu.vector_load %arg20[%get3A_110, %get3A_111] {strides = array<i32>} : memref<128x128xf32, #tpu.memory_space<vmem>>, vector<16xf32>,
          %get3A_113 = arith.index_cast %add3A_83 : i32 to index
          %get3A_114 = arith.constant 32 : index
          %get3A_115 = tpu.vector_load %arg21[%get3A_113, %get3A_114] {strides = array<i32>} : memref<128x128xf32, #tpu.memory_space<vmem>>, vector<16xf32>,
          %bitcast3A_116 = vector.bitcast %get3A_112 : vector<16xf32> to vector<32xbf16>
          %bitcast3A_117 = vector.bitcast %get3A_115 : vector<16xf32> to vector<32xbf16>
          %sub3A_118 = arith.subf %bitcast3A_116, %bitcast3A_117 : vector<32xbf16>
          %unpack3A_119 = tpu.unpack_subelements %sub3A_118, 0 {pack_format = #tpu.pack_format<interleaved>} : vector<32xbf16> -> vector<16xf32>
          %unpack3A_120 = tpu.unpack_subelements %sub3A_118, 1 {pack_format = #tpu.pack_format<interleaved>} : vector<32xbf16> -> vector<16xf32>
          %mul3A_121 = arith.mulf %unpack3A_119, %unpack3A_119 : vector<16xf32>
          %add3A_122 = arith.addf %add3A_109, %mul3A_121 : vector<16xf32>
          %mul3A_123 = arith.mulf %unpack3A_120, %unpack3A_120 : vector<16xf32>
          %add3A_124 = arith.addf %add3A_122, %mul3A_123 : vector<16xf32>
          %get3A_125 = arith.index_cast %add3A_83 : i32 to index
          %get3A_126 = arith.constant 48 : index
          %get3A_127 = tpu.vector_load %arg20[%get3A_125, %get3A_126] {strides = array<i32>} : memref<128x128xf32, #tpu.memory_space<vmem>>, vector<16xf32>,
          %get3A_128 = arith.index_cast %add3A_83 : i32 to index
          %get3A_129 = arith.constant 48 : index
          %get3A_130 = tpu.vector_load %arg21[%get3A_128, %get3A_129] {strides = array<i32>} : memref<128x128xf32, #tpu.memory_space<vmem>>, vector<16xf32>,
          %bitcast3A_131 = vector.bitcast %get3A_127 : vector<16xf32> to vector<32xbf16>
          %bitcast3A_132 = vector.bitcast %get3A_130 : vector<16xf32> to vector<32xbf16>
          %sub3A_133 = arith.subf %bitcast3A_131, %bitcast3A_132 : vector<32xbf16>
          %unpack3A_134 = tpu.unpack_subelements %sub3A_133, 0 {pack_format = #tpu.pack_format<interleaved>} : vector<32xbf16> -> vector<16xf32>
          %unpack3A_135 = tpu.unpack_subelements %sub3A_133, 1 {pack_format = #tpu.pack_format<interleaved>} : vector<32xbf16> -> vector<16xf32>
          %mul3A_136 = arith.mulf %unpack3A_134, %unpack3A_134 : vector<16xf32>
          %add3A_137 = arith.addf %add3A_124, %mul3A_136 : vector<16xf32>
          %mul3A_138 = arith.mulf %unpack3A_135, %unpack3A_135 : vector<16xf32>
          %add3A_139 = arith.addf %add3A_137, %mul3A_138 : vector<16xf32>
          %get3A_140 = arith.index_cast %add3A_83 : i32 to index
          %get3A_141 = arith.constant 64 : index
          %get3A_142 = tpu.vector_load %arg20[%get3A_140, %get3A_141] {strides = array<i32>} : memref<128x128xf32, #tpu.memory_space<vmem>>, vector<16xf32>,
          %get3A_143 = arith.index_cast %add3A_83 : i32 to index
          %get3A_144 = arith.constant 64 : index
          %get3A_145 = tpu.vector_load %arg21[%get3A_143, %get3A_144] {strides = array<i32>} : memref<128x128xf32, #tpu.memory_space<vmem>>, vector<16xf32>,
          %bitcast3A_146 = vector.bitcast %get3A_142 : vector<16xf32> to vector<32xbf16>
          %bitcast3A_147 = vector.bitcast %get3A_145 : vector<16xf32> to vector<32xbf16>
          %sub3A_148 = arith.subf %bitcast3A_146, %bitcast3A_147 : vector<32xbf16>
          %unpack3A_149 = tpu.unpack_subelements %sub3A_148, 0 {pack_format = #tpu.pack_format<interleaved>} : vector<32xbf16> -> vector<16xf32>
          %unpack3A_150 = tpu.unpack_subelements %sub3A_148, 1 {pack_format = #tpu.pack_format<interleaved>} : vector<32xbf16> -> vector<16xf32>
          %mul3A_151 = arith.mulf %unpack3A_149, %unpack3A_149 : vector<16xf32>
          %add3A_152 = arith.addf %add3A_139, %mul3A_151 : vector<16xf32>
          %mul3A_153 = arith.mulf %unpack3A_150, %unpack3A_150 : vector<16xf32>
          %add3A_154 = arith.addf %add3A_152, %mul3A_153 : vector<16xf32>
          %get3A_155 = arith.index_cast %add3A_83 : i32 to index
          %get3A_156 = arith.constant 80 : index
          %get3A_157 = tpu.vector_load %arg20[%get3A_155, %get3A_156] {strides = array<i32>} : memref<128x128xf32, #tpu.memory_space<vmem>>, vector<16xf32>,
          %get3A_158 = arith.index_cast %add3A_83 : i32 to index
          %get3A_159 = arith.constant 80 : index
          %get3A_160 = tpu.vector_load %arg21[%get3A_158, %get3A_159] {strides = array<i32>} : memref<128x128xf32, #tpu.memory_space<vmem>>, vector<16xf32>,
          %bitcast3A_161 = vector.bitcast %get3A_157 : vector<16xf32> to vector<32xbf16>
          %bitcast3A_162 = vector.bitcast %get3A_160 : vector<16xf32> to vector<32xbf16>
          %sub3A_163 = arith.subf %bitcast3A_161, %bitcast3A_162 : vector<32xbf16>
          %unpack3A_164 = tpu.unpack_subelements %sub3A_163, 0 {pack_format = #tpu.pack_format<interleaved>} : vector<32xbf16> -> vector<16xf32>
          %unpack3A_165 = tpu.unpack_subelements %sub3A_163, 1 {pack_format = #tpu.pack_format<interleaved>} : vector<32xbf16> -> vector<16xf32>
          %mul3A_166 = arith.mulf %unpack3A_164, %unpack3A_164 : vector<16xf32>
          %add3A_167 = arith.addf %add3A_154, %mul3A_166 : vector<16xf32>
          %mul3A_168 = arith.mulf %unpack3A_165, %unpack3A_165 : vector<16xf32>
          %add3A_169 = arith.addf %add3A_167, %mul3A_168 : vector<16xf32>
          %get3A_170 = arith.index_cast %add3A_83 : i32 to index
          %get3A_171 = arith.constant 96 : index
          %get3A_172 = tpu.vector_load %arg20[%get3A_170, %get3A_171] {strides = array<i32>} : memref<128x128xf32, #tpu.memory_space<vmem>>, vector<16xf32>,
          %get3A_173 = arith.index_cast %add3A_83 : i32 to index
          %get3A_174 = arith.constant 96 : index
          %get3A_175 = tpu.vector_load %arg21[%get3A_173, %get3A_174] {strides = array<i32>} : memref<128x128xf32, #tpu.memory_space<vmem>>, vector<16xf32>,
          %bitcast3A_176 = vector.bitcast %get3A_172 : vector<16xf32> to vector<32xbf16>
          %bitcast3A_177 = vector.bitcast %get3A_175 : vector<16xf32> to vector<32xbf16>
          %sub3A_178 = arith.subf %bitcast3A_176, %bitcast3A_177 : vector<32xbf16>
          %unpack3A_179 = tpu.unpack_subelements %sub3A_178, 0 {pack_format = #tpu.pack_format<interleaved>} : vector<32xbf16> -> vector<16xf32>
          %unpack3A_180 = tpu.unpack_subelements %sub3A_178, 1 {pack_format = #tpu.pack_format<interleaved>} : vector<32xbf16> -> vector<16xf32>
          %mul3A_181 = arith.mulf %unpack3A_179, %unpack3A_179 : vector<16xf32>
          %add3A_182 = arith.addf %add3A_169, %mul3A_181 : vector<16xf32>
          %mul3A_183 = arith.mulf %unpack3A_180, %unpack3A_180 : vector<16xf32>
          %add3A_184 = arith.addf %add3A_182, %mul3A_183 : vector<16xf32>
          %get3A_185 = arith.index_cast %add3A_83 : i32 to index
          %get3A_186 = arith.constant 112 : index
          %get3A_187 = tpu.vector_load %arg20[%get3A_185, %get3A_186] {strides = array<i32>} : memref<128x128xf32, #tpu.memory_space<vmem>>, vector<16xf32>,
          %get3A_188 = arith.index_cast %add3A_83 : i32 to index
          %get3A_189 = arith.constant 112 : index
          %get3A_190 = tpu.vector_load %arg21[%get3A_188, %get3A_189] {strides = array<i32>} : memref<128x128xf32, #tpu.memory_space<vmem>>, vector<16xf32>,
          %bitcast3A_191 = vector.bitcast %get3A_187 : vector<16xf32> to vector<32xbf16>
          %bitcast3A_192 = vector.bitcast %get3A_190 : vector<16xf32> to vector<32xbf16>
          %sub3A_193 = arith.subf %bitcast3A_191, %bitcast3A_192 : vector<32xbf16>
          %unpack3A_194 = tpu.unpack_subelements %sub3A_193, 0 {pack_format = #tpu.pack_format<interleaved>} : vector<32xbf16> -> vector<16xf32>
          %unpack3A_195 = tpu.unpack_subelements %sub3A_193, 1 {pack_format = #tpu.pack_format<interleaved>} : vector<32xbf16> -> vector<16xf32>
          %mul3A_196 = arith.mulf %unpack3A_194, %unpack3A_194 : vector<16xf32>
          %add3A_197 = arith.addf %add3A_184, %mul3A_196 : vector<16xf32>
          %mul3A_198 = arith.mulf %unpack3A_195, %unpack3A_195 : vector<16xf32>
          %add3A_199 = arith.addf %add3A_197, %mul3A_198 : vector<16xf32>
          %eq3A = vector.broadcast %scan3A_79 : i32 to vector<16xi32>
          %eq3A_200 = arith.cmpi eq, %iota3A, %eq3A : vector<16xi32>
          %reduce_sum3A = arith.constant true
          %reduce_sum3A_201 = vector.broadcast %reduce_sum3A : i1 to vector<16xi1>
          %reduce_sum3A_202 = tpu.scan <sum>, %add3A_199 masked %reduce_sum3A_201 : vector<16xf32>, vector<16xi1> -> vector<16xf32>
          %reduce_sum3A_203 = vector.extract %reduce_sum3A_202[15] : f32 from vector<16xf32>
          %broadcast_in_dim3A_204 = vector.broadcast %reduce_sum3A_203 : f32 to vector<16xf32>
          %select_n3A = arith.select %eq3A_200, %broadcast_in_dim3A_204, %scan3A_80 : vector<16xi1>, vector<16xf32>
          scf.yield %select_n3A : vector<16xf32>
        }
        %scan3A_75 = arith.constant 16 : i32
        %mul3A_76 = arith.constant 16 : i32
        %mul3A_77 = arith.muli %scan3A_69, %mul3A_76 : i32
        %swap3A = arith.index_cast %mul3A_77 : i32 to index
        %swap3A_78 = tpu.vector_load %arg22[%swap3A] {strides = array<i32>} : memref<128xf32, #tpu.memory_space<vmem>>, vector<16xf32>,
        tpu.vector_store %arg22[%swap3A], %scan3A_74 {strides = array<i32>} : memref<128xf32, #tpu.memory_space<vmem>>, vector<16xf32>,
      }
      %scan3A_68 = arith.constant 8 : i32
      "tpu.region"() ({
        %run_scoped3A = tpu.sem_alloc : memref<!tpu.dma_semaphore, #tpu.memory_space<semaphore_mem>>
        %dma_start3A_69 = arith.constant 0 : i32
        %dma_start3A_70 = tpu.memref_slice %arg12[%add3A_34, %dma_start3A_69] : memref<1280x128xf32, #tpu.memory_space<hbm>> -> memref<1x128xf32, #tpu.memory_space<hbm>>
        %dma_start3A_71 = tpu.memref_squeeze %dma_start3A_70 : memref<1x128xf32, #tpu.memory_space<hbm>> -> memref<128xf32, #tpu.memory_space<hbm>>
        %dma_start3A_72 = arith.constant 0 : i32
        %dma_start3A_73 = tpu.memref_slice %arg12[%add3A_34, %dma_start3A_72] : memref<1280x128xf32, #tpu.memory_space<hbm>> -> memref<1x128xf32, #tpu.memory_space<hbm>>
        %dma_start3A_74 = tpu.memref_squeeze %dma_start3A_73 : memref<1x128xf32, #tpu.memory_space<hbm>> -> memref<128xf32, #tpu.memory_space<hbm>>
        tpu.enqueue_dma source(%arg22 : memref<128xf32, #tpu.memory_space<vmem>>) target(%dma_start3A_74 : memref<128xf32, #tpu.memory_space<hbm>>) target_semaphore(%run_scoped3A : memref<!tpu.dma_semaphore, #tpu.memory_space<semaphore_mem>>)
        %dma_wait3A_75 = arith.constant 0 : i32
        %dma_wait3A_76 = tpu.memref_slice %arg12[%add3A_34, %dma_wait3A_75] : memref<1280x128xf32, #tpu.memory_space<hbm>> -> memref<1x128xf32, #tpu.memory_space<hbm>>
        %dma_wait3A_77 = tpu.memref_squeeze %dma_wait3A_76 : memref<1x128xf32, #tpu.memory_space<hbm>> -> memref<128xf32, #tpu.memory_space<hbm>>
        %dma_wait3A_78 = arith.constant 0 : i32
        %dma_wait3A_79 = tpu.memref_slice %arg12[%add3A_34, %dma_wait3A_78] : memref<1280x128xf32, #tpu.memory_space<hbm>> -> memref<1x128xf32, #tpu.memory_space<hbm>>
        %dma_wait3A_80 = tpu.memref_squeeze %dma_wait3A_79 : memref<1x128xf32, #tpu.memory_space<hbm>> -> memref<128xf32, #tpu.memory_space<hbm>>
        tpu.wait_dma2 semaphore(%run_scoped3A : memref<!tpu.dma_semaphore, #tpu.memory_space<semaphore_mem>>) src(%arg22 : memref<128xf32, #tpu.memory_space<vmem>>) dst(%dma_wait3A_80 : memref<128xf32, #tpu.memory_space<hbm>>)
        tpu.yield
      }) : () -> ()
    }
    %scan3A_20 = arith.constant 20 : i32
    %scan3A_21 = arith.constant 0 : i32
    %scan3A_22 = arith.constant 0 : i32
    %scan3A_23 = arith.constant 20 : i32
    %scan3A_24 = arith.addi %scan3A_22, %scan3A_23 : i32
    %scan3A_25 = arith.constant 1 : i32
    scf.for %scan3A_27 = %scan3A_22 to %scan3A_24 step %scan3A_25  : i32 {
      %mul3A_28 = arith.constant 40 : i32
      %mul3A_29 = arith.muli %add3A, %mul3A_28 : i32
      %mul3A_30 = arith.constant 2 : i32
      %mul3A_31 = arith.muli %mul3A_30, %scan3A_27 : i32
      %add3A_32 = arith.addi %mul3A_29, %mul3A_31 : i32
      %add3A_33 = arith.constant 1 : i32
      %add3A_34 = arith.addi %add3A_32, %add3A_33 : i32
      "tpu.region"() ({
        %run_scoped3A = tpu.sem_alloc : memref<!tpu.dma_semaphore, #tpu.memory_space<semaphore_mem>>
        %dma_start3A_69 = arith.constant 0 : i32
        %dma_start3A_70 = tpu.memref_slice %arg6[%add3A_32, %dma_start3A_69] : memref<1280x128xi32, #tpu.memory_space<hbm>> -> memref<1x128xi32, #tpu.memory_space<hbm>>
        %dma_start3A_71 = tpu.memref_squeeze %dma_start3A_70 : memref<1x128xi32, #tpu.memory_space<hbm>> -> memref<128xi32, #tpu.memory_space<hbm>>
        %dma_start3A_72 = arith.constant 0 : i32
        %dma_start3A_73 = tpu.memref_slice %arg6[%add3A_32, %dma_start3A_72] : memref<1280x128xi32, #tpu.memory_space<hbm>> -> memref<1x128xi32, #tpu.memory_space<hbm>>
        %dma_start3A_74 = tpu.memref_squeeze %dma_start3A_73 : memref<1x128xi32, #tpu.memory_space<hbm>> -> memref<128xi32, #tpu.memory_space<hbm>>
        tpu.enqueue_dma source(%dma_start3A_74 : memref<128xi32, #tpu.memory_space<hbm>>) target(%arg14 : memref<128xi32, #tpu.memory_space<vmem>>) target_semaphore(%run_scoped3A : memref<!tpu.dma_semaphore, #tpu.memory_space<semaphore_mem>>)
        %dma_wait3A_75 = arith.constant 0 : i32
        %dma_wait3A_76 = tpu.memref_slice %arg6[%add3A_32, %dma_wait3A_75] : memref<1280x128xi32, #tpu.memory_space<hbm>> -> memref<1x128xi32, #tpu.memory_space<hbm>>
        %dma_wait3A_77 = tpu.memref_squeeze %dma_wait3A_76 : memref<1x128xi32, #tpu.memory_space<hbm>> -> memref<128xi32, #tpu.memory_space<hbm>>
        %dma_wait3A_78 = arith.constant 0 : i32
        %dma_wait3A_79 = tpu.memref_slice %arg6[%add3A_32, %dma_wait3A_78] : memref<1280x128xi32, #tpu.memory_space<hbm>> -> memref<1x128xi32, #tpu.memory_space<hbm>>
        %dma_wait3A_80 = tpu.memref_squeeze %dma_wait3A_79 : memref<1x128xi32, #tpu.memory_space<hbm>> -> memref<128xi32, #tpu.memory_space<hbm>>
        tpu.wait_dma2 semaphore(%run_scoped3A : memref<!tpu.dma_semaphore, #tpu.memory_space<semaphore_mem>>) src(%dma_wait3A_80 : memref<128xi32, #tpu.memory_space<hbm>>) dst(%arg14 : memref<128xi32, #tpu.memory_space<vmem>>)
        tpu.yield
      }) : () -> ()
      "tpu.region"() ({
        %run_scoped3A = tpu.sem_alloc : memref<!tpu.dma_semaphore, #tpu.memory_space<semaphore_mem>>
        %dma_start3A_69 = arith.constant 0 : i32
        %dma_start3A_70 = tpu.memref_slice %arg7[%add3A_32, %dma_start3A_69] : memref<1280x128xi32, #tpu.memory_space<hbm>> -> memref<1x128xi32, #tpu.memory_space<hbm>>
        %dma_start3A_71 = tpu.memref_squeeze %dma_start3A_70 : memref<1x128xi32, #tpu.memory_space<hbm>> -> memref<128xi32, #tpu.memory_space<hbm>>
        %dma_start3A_72 = arith.constant 0 : i32
        %dma_start3A_73 = tpu.memref_slice %arg7[%add3A_32, %dma_start3A_72] : memref<1280x128xi32, #tpu.memory_space<hbm>> -> memref<1x128xi32, #tpu.memory_space<hbm>>
        %dma_start3A_74 = tpu.memref_squeeze %dma_start3A_73 : memref<1x128xi32, #tpu.memory_space<hbm>> -> memref<128xi32, #tpu.memory_space<hbm>>
        tpu.enqueue_dma source(%dma_start3A_74 : memref<128xi32, #tpu.memory_space<hbm>>) target(%arg15 : memref<128xi32, #tpu.memory_space<vmem>>) target_semaphore(%run_scoped3A : memref<!tpu.dma_semaphore, #tpu.memory_space<semaphore_mem>>)
        %dma_wait3A_75 = arith.constant 0 : i32
        %dma_wait3A_76 = tpu.memref_slice %arg7[%add3A_32, %dma_wait3A_75] : memref<1280x128xi32, #tpu.memory_space<hbm>> -> memref<1x128xi32, #tpu.memory_space<hbm>>
        %dma_wait3A_77 = tpu.memref_squeeze %dma_wait3A_76 : memref<1x128xi32, #tpu.memory_space<hbm>> -> memref<128xi32, #tpu.memory_space<hbm>>
        %dma_wait3A_78 = arith.constant 0 : i32
        %dma_wait3A_79 = tpu.memref_slice %arg7[%add3A_32, %dma_wait3A_78] : memref<1280x128xi32, #tpu.memory_space<hbm>> -> memref<1x128xi32, #tpu.memory_space<hbm>>
        %dma_wait3A_80 = tpu.memref_squeeze %dma_wait3A_79 : memref<1x128xi32, #tpu.memory_space<hbm>> -> memref<128xi32, #tpu.memory_space<hbm>>
        tpu.wait_dma2 semaphore(%run_scoped3A : memref<!tpu.dma_semaphore, #tpu.memory_space<semaphore_mem>>) src(%dma_wait3A_80 : memref<128xi32, #tpu.memory_space<hbm>>) dst(%arg15 : memref<128xi32, #tpu.memory_space<vmem>>)
        tpu.yield
      }) : () -> ()
      "tpu.region"() ({
        %run_scoped3A = tpu.sem_alloc : memref<!tpu.dma_semaphore, #tpu.memory_space<semaphore_mem>>
        %dma_start3A_69 = arith.constant 0 : i32
        %dma_start3A_70 = tpu.memref_slice %arg6[%add3A_34, %dma_start3A_69] : memref<1280x128xi32, #tpu.memory_space<hbm>> -> memref<1x128xi32, #tpu.memory_space<hbm>>
        %dma_start3A_71 = tpu.memref_squeeze %dma_start3A_70 : memref<1x128xi32, #tpu.memory_space<hbm>> -> memref<128xi32, #tpu.memory_space<hbm>>
        %dma_start3A_72 = arith.constant 0 : i32
        %dma_start3A_73 = tpu.memref_slice %arg6[%add3A_34, %dma_start3A_72] : memref<1280x128xi32, #tpu.memory_space<hbm>> -> memref<1x128xi32, #tpu.memory_space<hbm>>
        %dma_start3A_74 = tpu.memref_squeeze %dma_start3A_73 : memref<1x128xi32, #tpu.memory_space<hbm>> -> memref<128xi32, #tpu.memory_space<hbm>>
        tpu.enqueue_dma source(%dma_start3A_74 : memref<128xi32, #tpu.memory_space<hbm>>) target(%arg16 : memref<128xi32, #tpu.memory_space<vmem>>) target_semaphore(%run_scoped3A : memref<!tpu.dma_semaphore, #tpu.memory_space<semaphore_mem>>)
        %dma_wait3A_75 = arith.constant 0 : i32
        %dma_wait3A_76 = tpu.memref_slice %arg6[%add3A_34, %dma_wait3A_75] : memref<1280x128xi32, #tpu.memory_space<hbm>> -> memref<1x128xi32, #tpu.memory_space<hbm>>
        %dma_wait3A_77 = tpu.memref_squeeze %dma_wait3A_76 : memref<1x128xi32, #tpu.memory_space<hbm>> -> memref<128xi32, #tpu.memory_space<hbm>>
        %dma_wait3A_78 = arith.constant 0 : i32
        %dma_wait3A_79 = tpu.memref_slice %arg6[%add3A_34, %dma_wait3A_78] : memref<1280x128xi32, #tpu.memory_space<hbm>> -> memref<1x128xi32, #tpu.memory_space<hbm>>
        %dma_wait3A_80 = tpu.memref_squeeze %dma_wait3A_79 : memref<1x128xi32, #tpu.memory_space<hbm>> -> memref<128xi32, #tpu.memory_space<hbm>>
        tpu.wait_dma2 semaphore(%run_scoped3A : memref<!tpu.dma_semaphore, #tpu.memory_space<semaphore_mem>>) src(%dma_wait3A_80 : memref<128xi32, #tpu.memory_space<hbm>>) dst(%arg16 : memref<128xi32, #tpu.memory_space<vmem>>)
        tpu.yield
      }) : () -> ()
      "tpu.region"() ({
        %run_scoped3A = tpu.sem_alloc : memref<!tpu.dma_semaphore, #tpu.memory_space<semaphore_mem>>
        %dma_start3A_69 = arith.constant 0 : i32
        %dma_start3A_70 = tpu.memref_slice %arg7[%add3A_34, %dma_start3A_69] : memref<1280x128xi32, #tpu.memory_space<hbm>> -> memref<1x128xi32, #tpu.memory_space<hbm>>
        %dma_start3A_71 = tpu.memref_squeeze %dma_start3A_70 : memref<1x128xi32, #tpu.memory_space<hbm>> -> memref<128xi32, #tpu.memory_space<hbm>>
        %dma_start3A_72 = arith.constant 0 : i32
        %dma_start3A_73 = tpu.memref_slice %arg7[%add3A_34, %dma_start3A_72] : memref<1280x128xi32, #tpu.memory_space<hbm>> -> memref<1x128xi32, #tpu.memory_space<hbm>>
        %dma_start3A_74 = tpu.memref_squeeze %dma_start3A_73 : memref<1x128xi32, #tpu.memory_space<hbm>> -> memref<128xi32, #tpu.memory_space<hbm>>
        tpu.enqueue_dma source(%dma_start3A_74 : memref<128xi32, #tpu.memory_space<hbm>>) target(%arg17 : memref<128xi32, #tpu.memory_space<vmem>>) target_semaphore(%run_scoped3A : memref<!tpu.dma_semaphore, #tpu.memory_space<semaphore_mem>>)
        %dma_wait3A_75 = arith.constant 0 : i32
        %dma_wait3A_76 = tpu.memref_slice %arg7[%add3A_34, %dma_wait3A_75] : memref<1280x128xi32, #tpu.memory_space<hbm>> -> memref<1x128xi32, #tpu.memory_space<hbm>>
        %dma_wait3A_77 = tpu.memref_squeeze %dma_wait3A_76 : memref<1x128xi32, #tpu.memory_space<hbm>> -> memref<128xi32, #tpu.memory_space<hbm>>
        %dma_wait3A_78 = arith.constant 0 : i32
        %dma_wait3A_79 = tpu.memref_slice %arg7[%add3A_34, %dma_wait3A_78] : memref<1280x128xi32, #tpu.memory_space<hbm>> -> memref<1x128xi32, #tpu.memory_space<hbm>>
        %dma_wait3A_80 = tpu.memref_squeeze %dma_wait3A_79 : memref<1x128xi32, #tpu.memory_space<hbm>> -> memref<128xi32, #tpu.memory_space<hbm>>
        tpu.wait_dma2 semaphore(%run_scoped3A : memref<!tpu.dma_semaphore, #tpu.memory_space<semaphore_mem>>) src(%dma_wait3A_80 : memref<128xi32, #tpu.memory_space<hbm>>) dst(%arg17 : memref<128xi32, #tpu.memory_space<vmem>>)
        tpu.yield
      }) : () -> ()
      %dma_start3A = arith.constant 0 : i32
      %dma_start3A_35 = arith.constant 0 : i32
      %dma_start3A_36 = tpu.memref_slice %arg9[%dma_start3A, %dma_start3A_35] : memref<10000x128xf32, #tpu.memory_space<hbm>> -> memref<10000x128xf32, #tpu.memory_space<hbm>>
      tpu.enqueue_indirect_dma source(%dma_start3A_36 : memref<10000x128xf32, #tpu.memory_space<hbm>>) target(%arg18 : memref<128x128xf32, #tpu.memory_space<vmem>>) offsets(%arg14 : memref<128xi32, #tpu.memory_space<vmem>>) semaphore(%arg25 : memref<!tpu.dma_semaphore, #tpu.memory_space<semaphore_mem>>)
      %dma_start3A_37 = arith.constant 0 : i32
      %dma_start3A_38 = arith.constant 0 : i32
      %dma_start3A_39 = tpu.memref_slice %arg9[%dma_start3A_37, %dma_start3A_38] : memref<10000x128xf32, #tpu.memory_space<hbm>> -> memref<10000x128xf32, #tpu.memory_space<hbm>>
      tpu.enqueue_indirect_dma source(%dma_start3A_39 : memref<10000x128xf32, #tpu.memory_space<hbm>>) target(%arg19 : memref<128x128xf32, #tpu.memory_space<vmem>>) offsets(%arg15 : memref<128xi32, #tpu.memory_space<vmem>>) semaphore(%arg26 : memref<!tpu.dma_semaphore, #tpu.memory_space<semaphore_mem>>)
      %dma_start3A_40 = arith.constant 0 : i32
      %dma_start3A_41 = arith.constant 0 : i32
      %dma_start3A_42 = tpu.memref_slice %arg9[%dma_start3A_40, %dma_start3A_41] : memref<10000x128xf32, #tpu.memory_space<hbm>> -> memref<10000x128xf32, #tpu.memory_space<hbm>>
      tpu.enqueue_indirect_dma source(%dma_start3A_42 : memref<10000x128xf32, #tpu.memory_space<hbm>>) target(%arg20 : memref<128x128xf32, #tpu.memory_space<vmem>>) offsets(%arg16 : memref<128xi32, #tpu.memory_space<vmem>>) semaphore(%arg27 : memref<!tpu.dma_semaphore, #tpu.memory_space<semaphore_mem>>)
      %dma_start3A_43 = arith.constant 0 : i32
      %dma_start3A_44 = arith.constant 0 : i32
      %dma_start3A_45 = tpu.memref_slice %arg9[%dma_start3A_43, %dma_start3A_44] : memref<10000x128xf32, #tpu.memory_space<hbm>> -> memref<10000x128xf32, #tpu.memory_space<hbm>>
      tpu.enqueue_indirect_dma source(%dma_start3A_45 : memref<10000x128xf32, #tpu.memory_space<hbm>>) target(%arg21 : memref<128x128xf32, #tpu.memory_space<vmem>>) offsets(%arg17 : memref<128xi32, #tpu.memory_space<vmem>>) semaphore(%arg28 : memref<!tpu.dma_semaphore, #tpu.memory_space<semaphore_mem>>)
      %dma_wait3A = arith.constant 0 : i32
      %dma_wait3A_46 = arith.constant 0 : i32
      %dma_wait3A_47 = tpu.memref_slice %arg9[%dma_wait3A, %dma_wait3A_46] : memref<10000x128xf32, #tpu.memory_space<hbm>> -> memref<10000x128xf32, #tpu.memory_space<hbm>>
      tpu.wait_indirect_dma semaphore(%arg25 : memref<!tpu.dma_semaphore, #tpu.memory_space<semaphore_mem>>) src(%dma_wait3A_47 : memref<10000x128xf32, #tpu.memory_space<hbm>>) dst(%arg18 : memref<128x128xf32, #tpu.memory_space<vmem>>)
      %dma_wait3A_48 = arith.constant 0 : i32
      %dma_wait3A_49 = arith.constant 0 : i32
      %dma_wait3A_50 = tpu.memref_slice %arg9[%dma_wait3A_48, %dma_wait3A_49] : memref<10000x128xf32, #tpu.memory_space<hbm>> -> memref<10000x128xf32, #tpu.memory_space<hbm>>
      tpu.wait_indirect_dma semaphore(%arg26 : memref<!tpu.dma_semaphore, #tpu.memory_space<semaphore_mem>>) src(%dma_wait3A_50 : memref<10000x128xf32, #tpu.memory_space<hbm>>) dst(%arg19 : memref<128x128xf32, #tpu.memory_space<vmem>>)
      %scan3A_51 = arith.constant 0 : i32
      %scan3A_52 = arith.constant 0 : i32
      %scan3A_53 = arith.constant 8 : i32
      %scan3A_54 = arith.addi %scan3A_52, %scan3A_53 : i32
      %scan3A_55 = arith.constant 1 : i32
      scf.for %scan3A_69 = %scan3A_52 to %scan3A_54 step %scan3A_55  : i32 {
        %scan3A_70 = arith.constant 0 : i32
        %scan3A_71 = arith.constant 16 : i32
        %scan3A_72 = arith.addi %scan3A_70, %scan3A_71 : i32
        %scan3A_73 = arith.constant 1 : i32
        %scan3A_74 = scf.for %scan3A_79 = %scan3A_70 to %scan3A_72 step %scan3A_73 iter_args(%scan3A_80 = %broadcast_in_dim3A_1) -> (vector<16xf32>)  : i32 {
          %mul3A_81 = arith.constant 16 : i32
          %mul3A_82 = arith.muli %scan3A_69, %mul3A_81 : i32
          %add3A_83 = arith.addi %mul3A_82, %scan3A_79 : i32
          %get3A = arith.index_cast %add3A_83 : i32 to index
          %get3A_84 = arith.constant 0 : index
          %get3A_85 = tpu.vector_load %arg18[%get3A, %get3A_84] {strides = array<i32>} : memref<128x128xf32, #tpu.memory_space<vmem>>, vector<16xf32>,
          %get3A_86 = arith.index_cast %add3A_83 : i32 to index
          %get3A_87 = arith.constant 0 : index
          %get3A_88 = tpu.vector_load %arg19[%get3A_86, %get3A_87] {strides = array<i32>} : memref<128x128xf32, #tpu.memory_space<vmem>>, vector<16xf32>,
          %bitcast3A = vector.bitcast %get3A_85 : vector<16xf32> to vector<32xbf16>
          %bitcast3A_89 = vector.bitcast %get3A_88 : vector<16xf32> to vector<32xbf16>
          %sub3A = arith.subf %bitcast3A, %bitcast3A_89 : vector<32xbf16>
          %unpack3A = tpu.unpack_subelements %sub3A, 0 {pack_format = #tpu.pack_format<interleaved>} : vector<32xbf16> -> vector<16xf32>
          %unpack3A_90 = tpu.unpack_subelements %sub3A, 1 {pack_format = #tpu.pack_format<interleaved>} : vector<32xbf16> -> vector<16xf32>
          %mul3A_91 = arith.mulf %unpack3A, %unpack3A : vector<16xf32>
          %add3A_92 = arith.addf %broadcast_in_dim3A_1, %mul3A_91 : vector<16xf32>
          %mul3A_93 = arith.mulf %unpack3A_90, %unpack3A_90 : vector<16xf32>
          %add3A_94 = arith.addf %add3A_92, %mul3A_93 : vector<16xf32>
          %get3A_95 = arith.index_cast %add3A_83 : i32 to index
          %get3A_96 = arith.constant 16 : index
          %get3A_97 = tpu.vector_load %arg18[%get3A_95, %get3A_96] {strides = array<i32>} : memref<128x128xf32, #tpu.memory_space<vmem>>, vector<16xf32>,
          %get3A_98 = arith.index_cast %add3A_83 : i32 to index
          %get3A_99 = arith.constant 16 : index
          %get3A_100 = tpu.vector_load %arg19[%get3A_98, %get3A_99] {strides = array<i32>} : memref<128x128xf32, #tpu.memory_space<vmem>>, vector<16xf32>,
          %bitcast3A_101 = vector.bitcast %get3A_97 : vector<16xf32> to vector<32xbf16>
          %bitcast3A_102 = vector.bitcast %get3A_100 : vector<16xf32> to vector<32xbf16>
          %sub3A_103 = arith.subf %bitcast3A_101, %bitcast3A_102 : vector<32xbf16>
          %unpack3A_104 = tpu.unpack_subelements %sub3A_103, 0 {pack_format = #tpu.pack_format<interleaved>} : vector<32xbf16> -> vector<16xf32>
          %unpack3A_105 = tpu.unpack_subelements %sub3A_103, 1 {pack_format = #tpu.pack_format<interleaved>} : vector<32xbf16> -> vector<16xf32>
          %mul3A_106 = arith.mulf %unpack3A_104, %unpack3A_104 : vector<16xf32>
          %add3A_107 = arith.addf %add3A_94, %mul3A_106 : vector<16xf32>
          %mul3A_108 = arith.mulf %unpack3A_105, %unpack3A_105 : vector<16xf32>
          %add3A_109 = arith.addf %add3A_107, %mul3A_108 : vector<16xf32>
          %get3A_110 = arith.index_cast %add3A_83 : i32 to index
          %get3A_111 = arith.constant 32 : index
          %get3A_112 = tpu.vector_load %arg18[%get3A_110, %get3A_111] {strides = array<i32>} : memref<128x128xf32, #tpu.memory_space<vmem>>, vector<16xf32>,
          %get3A_113 = arith.index_cast %add3A_83 : i32 to index
          %get3A_114 = arith.constant 32 : index
          %get3A_115 = tpu.vector_load %arg19[%get3A_113, %get3A_114] {strides = array<i32>} : memref<128x128xf32, #tpu.memory_space<vmem>>, vector<16xf32>,
          %bitcast3A_116 = vector.bitcast %get3A_112 : vector<16xf32> to vector<32xbf16>
          %bitcast3A_117 = vector.bitcast %get3A_115 : vector<16xf32> to vector<32xbf16>
          %sub3A_118 = arith.subf %bitcast3A_116, %bitcast3A_117 : vector<32xbf16>
          %unpack3A_119 = tpu.unpack_subelements %sub3A_118, 0 {pack_format = #tpu.pack_format<interleaved>} : vector<32xbf16> -> vector<16xf32>
          %unpack3A_120 = tpu.unpack_subelements %sub3A_118, 1 {pack_format = #tpu.pack_format<interleaved>} : vector<32xbf16> -> vector<16xf32>
          %mul3A_121 = arith.mulf %unpack3A_119, %unpack3A_119 : vector<16xf32>
          %add3A_122 = arith.addf %add3A_109, %mul3A_121 : vector<16xf32>
          %mul3A_123 = arith.mulf %unpack3A_120, %unpack3A_120 : vector<16xf32>
          %add3A_124 = arith.addf %add3A_122, %mul3A_123 : vector<16xf32>
          %get3A_125 = arith.index_cast %add3A_83 : i32 to index
          %get3A_126 = arith.constant 48 : index
          %get3A_127 = tpu.vector_load %arg18[%get3A_125, %get3A_126] {strides = array<i32>} : memref<128x128xf32, #tpu.memory_space<vmem>>, vector<16xf32>,
          %get3A_128 = arith.index_cast %add3A_83 : i32 to index
          %get3A_129 = arith.constant 48 : index
          %get3A_130 = tpu.vector_load %arg19[%get3A_128, %get3A_129] {strides = array<i32>} : memref<128x128xf32, #tpu.memory_space<vmem>>, vector<16xf32>,
          %bitcast3A_131 = vector.bitcast %get3A_127 : vector<16xf32> to vector<32xbf16>
          %bitcast3A_132 = vector.bitcast %get3A_130 : vector<16xf32> to vector<32xbf16>
          %sub3A_133 = arith.subf %bitcast3A_131, %bitcast3A_132 : vector<32xbf16>
          %unpack3A_134 = tpu.unpack_subelements %sub3A_133, 0 {pack_format = #tpu.pack_format<interleaved>} : vector<32xbf16> -> vector<16xf32>
          %unpack3A_135 = tpu.unpack_subelements %sub3A_133, 1 {pack_format = #tpu.pack_format<interleaved>} : vector<32xbf16> -> vector<16xf32>
          %mul3A_136 = arith.mulf %unpack3A_134, %unpack3A_134 : vector<16xf32>
          %add3A_137 = arith.addf %add3A_124, %mul3A_136 : vector<16xf32>
          %mul3A_138 = arith.mulf %unpack3A_135, %unpack3A_135 : vector<16xf32>
          %add3A_139 = arith.addf %add3A_137, %mul3A_138 : vector<16xf32>
          %get3A_140 = arith.index_cast %add3A_83 : i32 to index
          %get3A_141 = arith.constant 64 : index
          %get3A_142 = tpu.vector_load %arg18[%get3A_140, %get3A_141] {strides = array<i32>} : memref<128x128xf32, #tpu.memory_space<vmem>>, vector<16xf32>,
          %get3A_143 = arith.index_cast %add3A_83 : i32 to index
          %get3A_144 = arith.constant 64 : index
          %get3A_145 = tpu.vector_load %arg19[%get3A_143, %get3A_144] {strides = array<i32>} : memref<128x128xf32, #tpu.memory_space<vmem>>, vector<16xf32>,
          %bitcast3A_146 = vector.bitcast %get3A_142 : vector<16xf32> to vector<32xbf16>
          %bitcast3A_147 = vector.bitcast %get3A_145 : vector<16xf32> to vector<32xbf16>
          %sub3A_148 = arith.subf %bitcast3A_146, %bitcast3A_147 : vector<32xbf16>
          %unpack3A_149 = tpu.unpack_subelements %sub3A_148, 0 {pack_format = #tpu.pack_format<interleaved>} : vector<32xbf16> -> vector<16xf32>
          %unpack3A_150 = tpu.unpack_subelements %sub3A_148, 1 {pack_format = #tpu.pack_format<interleaved>} : vector<32xbf16> -> vector<16xf32>
          %mul3A_151 = arith.mulf %unpack3A_149, %unpack3A_149 : vector<16xf32>
          %add3A_152 = arith.addf %add3A_139, %mul3A_151 : vector<16xf32>
          %mul3A_153 = arith.mulf %unpack3A_150, %unpack3A_150 : vector<16xf32>
          %add3A_154 = arith.addf %add3A_152, %mul3A_153 : vector<16xf32>
          %get3A_155 = arith.index_cast %add3A_83 : i32 to index
          %get3A_156 = arith.constant 80 : index
          %get3A_157 = tpu.vector_load %arg18[%get3A_155, %get3A_156] {strides = array<i32>} : memref<128x128xf32, #tpu.memory_space<vmem>>, vector<16xf32>,
          %get3A_158 = arith.index_cast %add3A_83 : i32 to index
          %get3A_159 = arith.constant 80 : index
          %get3A_160 = tpu.vector_load %arg19[%get3A_158, %get3A_159] {strides = array<i32>} : memref<128x128xf32, #tpu.memory_space<vmem>>, vector<16xf32>,
          %bitcast3A_161 = vector.bitcast %get3A_157 : vector<16xf32> to vector<32xbf16>
          %bitcast3A_162 = vector.bitcast %get3A_160 : vector<16xf32> to vector<32xbf16>
          %sub3A_163 = arith.subf %bitcast3A_161, %bitcast3A_162 : vector<32xbf16>
          %unpack3A_164 = tpu.unpack_subelements %sub3A_163, 0 {pack_format = #tpu.pack_format<interleaved>} : vector<32xbf16> -> vector<16xf32>
          %unpack3A_165 = tpu.unpack_subelements %sub3A_163, 1 {pack_format = #tpu.pack_format<interleaved>} : vector<32xbf16> -> vector<16xf32>
          %mul3A_166 = arith.mulf %unpack3A_164, %unpack3A_164 : vector<16xf32>
          %add3A_167 = arith.addf %add3A_154, %mul3A_166 : vector<16xf32>
          %mul3A_168 = arith.mulf %unpack3A_165, %unpack3A_165 : vector<16xf32>
          %add3A_169 = arith.addf %add3A_167, %mul3A_168 : vector<16xf32>
          %get3A_170 = arith.index_cast %add3A_83 : i32 to index
          %get3A_171 = arith.constant 96 : index
          %get3A_172 = tpu.vector_load %arg18[%get3A_170, %get3A_171] {strides = array<i32>} : memref<128x128xf32, #tpu.memory_space<vmem>>, vector<16xf32>,
          %get3A_173 = arith.index_cast %add3A_83 : i32 to index
          %get3A_174 = arith.constant 96 : index
          %get3A_175 = tpu.vector_load %arg19[%get3A_173, %get3A_174] {strides = array<i32>} : memref<128x128xf32, #tpu.memory_space<vmem>>, vector<16xf32>,
          %bitcast3A_176 = vector.bitcast %get3A_172 : vector<16xf32> to vector<32xbf16>
          %bitcast3A_177 = vector.bitcast %get3A_175 : vector<16xf32> to vector<32xbf16>
          %sub3A_178 = arith.subf %bitcast3A_176, %bitcast3A_177 : vector<32xbf16>
          %unpack3A_179 = tpu.unpack_subelements %sub3A_178, 0 {pack_format = #tpu.pack_format<interleaved>} : vector<32xbf16> -> vector<16xf32>
          %unpack3A_180 = tpu.unpack_subelements %sub3A_178, 1 {pack_format = #tpu.pack_format<interleaved>} : vector<32xbf16> -> vector<16xf32>
          %mul3A_181 = arith.mulf %unpack3A_179, %unpack3A_179 : vector<16xf32>
          %add3A_182 = arith.addf %add3A_169, %mul3A_181 : vector<16xf32>
          %mul3A_183 = arith.mulf %unpack3A_180, %unpack3A_180 : vector<16xf32>
          %add3A_184 = arith.addf %add3A_182, %mul3A_183 : vector<16xf32>
          %get3A_185 = arith.index_cast %add3A_83 : i32 to index
          %get3A_186 = arith.constant 112 : index
          %get3A_187 = tpu.vector_load %arg18[%get3A_185, %get3A_186] {strides = array<i32>} : memref<128x128xf32, #tpu.memory_space<vmem>>, vector<16xf32>,
          %get3A_188 = arith.index_cast %add3A_83 : i32 to index
          %get3A_189 = arith.constant 112 : index
          %get3A_190 = tpu.vector_load %arg19[%get3A_188, %get3A_189] {strides = array<i32>} : memref<128x128xf32, #tpu.memory_space<vmem>>, vector<16xf32>,
          %bitcast3A_191 = vector.bitcast %get3A_187 : vector<16xf32> to vector<32xbf16>
          %bitcast3A_192 = vector.bitcast %get3A_190 : vector<16xf32> to vector<32xbf16>
          %sub3A_193 = arith.subf %bitcast3A_191, %bitcast3A_192 : vector<32xbf16>
          %unpack3A_194 = tpu.unpack_subelements %sub3A_193, 0 {pack_format = #tpu.pack_format<interleaved>} : vector<32xbf16> -> vector<16xf32>
          %unpack3A_195 = tpu.unpack_subelements %sub3A_193, 1 {pack_format = #tpu.pack_format<interleaved>} : vector<32xbf16> -> vector<16xf32>
          %mul3A_196 = arith.mulf %unpack3A_194, %unpack3A_194 : vector<16xf32>
          %add3A_197 = arith.addf %add3A_184, %mul3A_196 : vector<16xf32>
          %mul3A_198 = arith.mulf %unpack3A_195, %unpack3A_195 : vector<16xf32>
          %add3A_199 = arith.addf %add3A_197, %mul3A_198 : vector<16xf32>
          %eq3A = vector.broadcast %scan3A_79 : i32 to vector<16xi32>
          %eq3A_200 = arith.cmpi eq, %iota3A, %eq3A : vector<16xi32>
          %reduce_sum3A = arith.constant true
          %reduce_sum3A_201 = vector.broadcast %reduce_sum3A : i1 to vector<16xi1>
          %reduce_sum3A_202 = tpu.scan <sum>, %add3A_199 masked %reduce_sum3A_201 : vector<16xf32>, vector<16xi1> -> vector<16xf32>
          %reduce_sum3A_203 = vector.extract %reduce_sum3A_202[15] : f32 from vector<16xf32>
          %broadcast_in_dim3A_204 = vector.broadcast %reduce_sum3A_203 : f32 to vector<16xf32>
          %select_n3A = arith.select %eq3A_200, %broadcast_in_dim3A_204, %scan3A_80 : vector<16xi1>, vector<16xf32>
          scf.yield %select_n3A : vector<16xf32>
        }
        %scan3A_75 = arith.constant 16 : i32
        %mul3A_76 = arith.constant 16 : i32
        %mul3A_77 = arith.muli %scan3A_69, %mul3A_76 : i32
        %swap3A = arith.index_cast %mul3A_77 : i32 to index
        %swap3A_78 = tpu.vector_load %arg22[%swap3A] {strides = array<i32>} : memref<128xf32, #tpu.memory_space<vmem>>, vector<16xf32>,
        tpu.vector_store %arg22[%swap3A], %scan3A_74 {strides = array<i32>} : memref<128xf32, #tpu.memory_space<vmem>>, vector<16xf32>,
      }
      %scan3A_56 = arith.constant 8 : i32
      "tpu.region"() ({
        %run_scoped3A = tpu.sem_alloc : memref<!tpu.dma_semaphore, #tpu.memory_space<semaphore_mem>>
        %dma_start3A_69 = arith.constant 0 : i32
        %dma_start3A_70 = tpu.memref_slice %arg13[%add3A_32, %dma_start3A_69] : memref<1280x128xf32, #tpu.memory_space<hbm>> -> memref<1x128xf32, #tpu.memory_space<hbm>>
        %dma_start3A_71 = tpu.memref_squeeze %dma_start3A_70 : memref<1x128xf32, #tpu.memory_space<hbm>> -> memref<128xf32, #tpu.memory_space<hbm>>
        %dma_start3A_72 = arith.constant 0 : i32
        %dma_start3A_73 = tpu.memref_slice %arg13[%add3A_32, %dma_start3A_72] : memref<1280x128xf32, #tpu.memory_space<hbm>> -> memref<1x128xf32, #tpu.memory_space<hbm>>
        %dma_start3A_74 = tpu.memref_squeeze %dma_start3A_73 : memref<1x128xf32, #tpu.memory_space<hbm>> -> memref<128xf32, #tpu.memory_space<hbm>>
        tpu.enqueue_dma source(%arg22 : memref<128xf32, #tpu.memory_space<vmem>>) target(%dma_start3A_74 : memref<128xf32, #tpu.memory_space<hbm>>) target_semaphore(%run_scoped3A : memref<!tpu.dma_semaphore, #tpu.memory_space<semaphore_mem>>)
        %dma_wait3A_75 = arith.constant 0 : i32
        %dma_wait3A_76 = tpu.memref_slice %arg13[%add3A_32, %dma_wait3A_75] : memref<1280x128xf32, #tpu.memory_space<hbm>> -> memref<1x128xf32, #tpu.memory_space<hbm>>
        %dma_wait3A_77 = tpu.memref_squeeze %dma_wait3A_76 : memref<1x128xf32, #tpu.memory_space<hbm>> -> memref<128xf32, #tpu.memory_space<hbm>>
        %dma_wait3A_78 = arith.constant 0 : i32
        %dma_wait3A_79 = tpu.memref_slice %arg13[%add3A_32, %dma_wait3A_78] : memref<1280x128xf32, #tpu.memory_space<hbm>> -> memref<1x128xf32, #tpu.memory_space<hbm>>
        %dma_wait3A_80 = tpu.memref_squeeze %dma_wait3A_79 : memref<1x128xf32, #tpu.memory_space<hbm>> -> memref<128xf32, #tpu.memory_space<hbm>>
        tpu.wait_dma2 semaphore(%run_scoped3A : memref<!tpu.dma_semaphore, #tpu.memory_space<semaphore_mem>>) src(%arg22 : memref<128xf32, #tpu.memory_space<vmem>>) dst(%dma_wait3A_80 : memref<128xf32, #tpu.memory_space<hbm>>)
        tpu.yield
      }) : () -> ()
      %dma_wait3A_57 = arith.constant 0 : i32
      %dma_wait3A_58 = arith.constant 0 : i32
      %dma_wait3A_59 = tpu.memref_slice %arg9[%dma_wait3A_57, %dma_wait3A_58] : memref<10000x128xf32, #tpu.memory_space<hbm>> -> memref<10000x128xf32, #tpu.memory_space<hbm>>
      tpu.wait_indirect_dma semaphore(%arg27 : memref<!tpu.dma_semaphore, #tpu.memory_space<semaphore_mem>>) src(%dma_wait3A_59 : memref<10000x128xf32, #tpu.memory_space<hbm>>) dst(%arg20 : memref<128x128xf32, #tpu.memory_space<vmem>>)
      %dma_wait3A_60 = arith.constant 0 : i32
      %dma_wait3A_61 = arith.constant 0 : i32
      %dma_wait3A_62 = tpu.memref_slice %arg9[%dma_wait3A_60, %dma_wait3A_61] : memref<10000x128xf32, #tpu.memory_space<hbm>> -> memref<10000x128xf32, #tpu.memory_space<hbm>>
      tpu.wait_indirect_dma semaphore(%arg28 : memref<!tpu.dma_semaphore, #tpu.memory_space<semaphore_mem>>) src(%dma_wait3A_62 : memref<10000x128xf32, #tpu.memory_space<hbm>>) dst(%arg21 : memref<128x128xf32, #tpu.memory_space<vmem>>)
      %scan3A_63 = arith.constant 0 : i32
      %scan3A_64 = arith.constant 0 : i32
      %scan3A_65 = arith.constant 8 : i32
      %scan3A_66 = arith.addi %scan3A_64, %scan3A_65 : i32
      %scan3A_67 = arith.constant 1 : i32
      scf.for %scan3A_69 = %scan3A_64 to %scan3A_66 step %scan3A_67  : i32 {
        %scan3A_70 = arith.constant 0 : i32
        %scan3A_71 = arith.constant 16 : i32
        %scan3A_72 = arith.addi %scan3A_70, %scan3A_71 : i32
        %scan3A_73 = arith.constant 1 : i32
        %scan3A_74 = scf.for %scan3A_79 = %scan3A_70 to %scan3A_72 step %scan3A_73 iter_args(%scan3A_80 = %broadcast_in_dim3A_1) -> (vector<16xf32>)  : i32 {
          %mul3A_81 = arith.constant 16 : i32
          %mul3A_82 = arith.muli %scan3A_69, %mul3A_81 : i32
          %add3A_83 = arith.addi %mul3A_82, %scan3A_79 : i32
          %get3A = arith.index_cast %add3A_83 : i32 to index
          %get3A_84 = arith.constant 0 : index
          %get3A_85 = tpu.vector_load %arg20[%get3A, %get3A_84] {strides = array<i32>} : memref<128x128xf32, #tpu.memory_space<vmem>>, vector<16xf32>,
          %get3A_86 = arith.index_cast %add3A_83 : i32 to index
          %get3A_87 = arith.constant 0 : index
          %get3A_88 = tpu.vector_load %arg21[%get3A_86, %get3A_87] {strides = array<i32>} : memref<128x128xf32, #tpu.memory_space<vmem>>, vector<16xf32>,
          %bitcast3A = vector.bitcast %get3A_85 : vector<16xf32> to vector<32xbf16>
          %bitcast3A_89 = vector.bitcast %get3A_88 : vector<16xf32> to vector<32xbf16>
          %sub3A = arith.subf %bitcast3A, %bitcast3A_89 : vector<32xbf16>
          %unpack3A = tpu.unpack_subelements %sub3A, 0 {pack_format = #tpu.pack_format<interleaved>} : vector<32xbf16> -> vector<16xf32>
          %unpack3A_90 = tpu.unpack_subelements %sub3A, 1 {pack_format = #tpu.pack_format<interleaved>} : vector<32xbf16> -> vector<16xf32>
          %mul3A_91 = arith.mulf %unpack3A, %unpack3A : vector<16xf32>
          %add3A_92 = arith.addf %broadcast_in_dim3A_1, %mul3A_91 : vector<16xf32>
          %mul3A_93 = arith.mulf %unpack3A_90, %unpack3A_90 : vector<16xf32>
          %add3A_94 = arith.addf %add3A_92, %mul3A_93 : vector<16xf32>
          %get3A_95 = arith.index_cast %add3A_83 : i32 to index
          %get3A_96 = arith.constant 16 : index
          %get3A_97 = tpu.vector_load %arg20[%get3A_95, %get3A_96] {strides = array<i32>} : memref<128x128xf32, #tpu.memory_space<vmem>>, vector<16xf32>,
          %get3A_98 = arith.index_cast %add3A_83 : i32 to index
          %get3A_99 = arith.constant 16 : index
          %get3A_100 = tpu.vector_load %arg21[%get3A_98, %get3A_99] {strides = array<i32>} : memref<128x128xf32, #tpu.memory_space<vmem>>, vector<16xf32>,
          %bitcast3A_101 = vector.bitcast %get3A_97 : vector<16xf32> to vector<32xbf16>
          %bitcast3A_102 = vector.bitcast %get3A_100 : vector<16xf32> to vector<32xbf16>
          %sub3A_103 = arith.subf %bitcast3A_101, %bitcast3A_102 : vector<32xbf16>
          %unpack3A_104 = tpu.unpack_subelements %sub3A_103, 0 {pack_format = #tpu.pack_format<interleaved>} : vector<32xbf16> -> vector<16xf32>
          %unpack3A_105 = tpu.unpack_subelements %sub3A_103, 1 {pack_format = #tpu.pack_format<interleaved>} : vector<32xbf16> -> vector<16xf32>
          %mul3A_106 = arith.mulf %unpack3A_104, %unpack3A_104 : vector<16xf32>
          %add3A_107 = arith.addf %add3A_94, %mul3A_106 : vector<16xf32>
          %mul3A_108 = arith.mulf %unpack3A_105, %unpack3A_105 : vector<16xf32>
          %add3A_109 = arith.addf %add3A_107, %mul3A_108 : vector<16xf32>
          %get3A_110 = arith.index_cast %add3A_83 : i32 to index
          %get3A_111 = arith.constant 32 : index
          %get3A_112 = tpu.vector_load %arg20[%get3A_110, %get3A_111] {strides = array<i32>} : memref<128x128xf32, #tpu.memory_space<vmem>>, vector<16xf32>,
          %get3A_113 = arith.index_cast %add3A_83 : i32 to index
          %get3A_114 = arith.constant 32 : index
          %get3A_115 = tpu.vector_load %arg21[%get3A_113, %get3A_114] {strides = array<i32>} : memref<128x128xf32, #tpu.memory_space<vmem>>, vector<16xf32>,
          %bitcast3A_116 = vector.bitcast %get3A_112 : vector<16xf32> to vector<32xbf16>
          %bitcast3A_117 = vector.bitcast %get3A_115 : vector<16xf32> to vector<32xbf16>
          %sub3A_118 = arith.subf %bitcast3A_116, %bitcast3A_117 : vector<32xbf16>
          %unpack3A_119 = tpu.unpack_subelements %sub3A_118, 0 {pack_format = #tpu.pack_format<interleaved>} : vector<32xbf16> -> vector<16xf32>
          %unpack3A_120 = tpu.unpack_subelements %sub3A_118, 1 {pack_format = #tpu.pack_format<interleaved>} : vector<32xbf16> -> vector<16xf32>
          %mul3A_121 = arith.mulf %unpack3A_119, %unpack3A_119 : vector<16xf32>
          %add3A_122 = arith.addf %add3A_109, %mul3A_121 : vector<16xf32>
          %mul3A_123 = arith.mulf %unpack3A_120, %unpack3A_120 : vector<16xf32>
          %add3A_124 = arith.addf %add3A_122, %mul3A_123 : vector<16xf32>
          %get3A_125 = arith.index_cast %add3A_83 : i32 to index
          %get3A_126 = arith.constant 48 : index
          %get3A_127 = tpu.vector_load %arg20[%get3A_125, %get3A_126] {strides = array<i32>} : memref<128x128xf32, #tpu.memory_space<vmem>>, vector<16xf32>,
          %get3A_128 = arith.index_cast %add3A_83 : i32 to index
          %get3A_129 = arith.constant 48 : index
          %get3A_130 = tpu.vector_load %arg21[%get3A_128, %get3A_129] {strides = array<i32>} : memref<128x128xf32, #tpu.memory_space<vmem>>, vector<16xf32>,
          %bitcast3A_131 = vector.bitcast %get3A_127 : vector<16xf32> to vector<32xbf16>
          %bitcast3A_132 = vector.bitcast %get3A_130 : vector<16xf32> to vector<32xbf16>
          %sub3A_133 = arith.subf %bitcast3A_131, %bitcast3A_132 : vector<32xbf16>
          %unpack3A_134 = tpu.unpack_subelements %sub3A_133, 0 {pack_format = #tpu.pack_format<interleaved>} : vector<32xbf16> -> vector<16xf32>
          %unpack3A_135 = tpu.unpack_subelements %sub3A_133, 1 {pack_format = #tpu.pack_format<interleaved>} : vector<32xbf16> -> vector<16xf32>
          %mul3A_136 = arith.mulf %unpack3A_134, %unpack3A_134 : vector<16xf32>
          %add3A_137 = arith.addf %add3A_124, %mul3A_136 : vector<16xf32>
          %mul3A_138 = arith.mulf %unpack3A_135, %unpack3A_135 : vector<16xf32>
          %add3A_139 = arith.addf %add3A_137, %mul3A_138 : vector<16xf32>
          %get3A_140 = arith.index_cast %add3A_83 : i32 to index
          %get3A_141 = arith.constant 64 : index
          %get3A_142 = tpu.vector_load %arg20[%get3A_140, %get3A_141] {strides = array<i32>} : memref<128x128xf32, #tpu.memory_space<vmem>>, vector<16xf32>,
          %get3A_143 = arith.index_cast %add3A_83 : i32 to index
          %get3A_144 = arith.constant 64 : index
          %get3A_145 = tpu.vector_load %arg21[%get3A_143, %get3A_144] {strides = array<i32>} : memref<128x128xf32, #tpu.memory_space<vmem>>, vector<16xf32>,
          %bitcast3A_146 = vector.bitcast %get3A_142 : vector<16xf32> to vector<32xbf16>
          %bitcast3A_147 = vector.bitcast %get3A_145 : vector<16xf32> to vector<32xbf16>
          %sub3A_148 = arith.subf %bitcast3A_146, %bitcast3A_147 : vector<32xbf16>
          %unpack3A_149 = tpu.unpack_subelements %sub3A_148, 0 {pack_format = #tpu.pack_format<interleaved>} : vector<32xbf16> -> vector<16xf32>
          %unpack3A_150 = tpu.unpack_subelements %sub3A_148, 1 {pack_format = #tpu.pack_format<interleaved>} : vector<32xbf16> -> vector<16xf32>
          %mul3A_151 = arith.mulf %unpack3A_149, %unpack3A_149 : vector<16xf32>
          %add3A_152 = arith.addf %add3A_139, %mul3A_151 : vector<16xf32>
          %mul3A_153 = arith.mulf %unpack3A_150, %unpack3A_150 : vector<16xf32>
          %add3A_154 = arith.addf %add3A_152, %mul3A_153 : vector<16xf32>
          %get3A_155 = arith.index_cast %add3A_83 : i32 to index
          %get3A_156 = arith.constant 80 : index
          %get3A_157 = tpu.vector_load %arg20[%get3A_155, %get3A_156] {strides = array<i32>} : memref<128x128xf32, #tpu.memory_space<vmem>>, vector<16xf32>,
          %get3A_158 = arith.index_cast %add3A_83 : i32 to index
          %get3A_159 = arith.constant 80 : index
          %get3A_160 = tpu.vector_load %arg21[%get3A_158, %get3A_159] {strides = array<i32>} : memref<128x128xf32, #tpu.memory_space<vmem>>, vector<16xf32>,
          %bitcast3A_161 = vector.bitcast %get3A_157 : vector<16xf32> to vector<32xbf16>
          %bitcast3A_162 = vector.bitcast %get3A_160 : vector<16xf32> to vector<32xbf16>
          %sub3A_163 = arith.subf %bitcast3A_161, %bitcast3A_162 : vector<32xbf16>
          %unpack3A_164 = tpu.unpack_subelements %sub3A_163, 0 {pack_format = #tpu.pack_format<interleaved>} : vector<32xbf16> -> vector<16xf32>
          %unpack3A_165 = tpu.unpack_subelements %sub3A_163, 1 {pack_format = #tpu.pack_format<interleaved>} : vector<32xbf16> -> vector<16xf32>
          %mul3A_166 = arith.mulf %unpack3A_164, %unpack3A_164 : vector<16xf32>
          %add3A_167 = arith.addf %add3A_154, %mul3A_166 : vector<16xf32>
          %mul3A_168 = arith.mulf %unpack3A_165, %unpack3A_165 : vector<16xf32>
          %add3A_169 = arith.addf %add3A_167, %mul3A_168 : vector<16xf32>
          %get3A_170 = arith.index_cast %add3A_83 : i32 to index
          %get3A_171 = arith.constant 96 : index
          %get3A_172 = tpu.vector_load %arg20[%get3A_170, %get3A_171] {strides = array<i32>} : memref<128x128xf32, #tpu.memory_space<vmem>>, vector<16xf32>,
          %get3A_173 = arith.index_cast %add3A_83 : i32 to index
          %get3A_174 = arith.constant 96 : index
          %get3A_175 = tpu.vector_load %arg21[%get3A_173, %get3A_174] {strides = array<i32>} : memref<128x128xf32, #tpu.memory_space<vmem>>, vector<16xf32>,
          %bitcast3A_176 = vector.bitcast %get3A_172 : vector<16xf32> to vector<32xbf16>
          %bitcast3A_177 = vector.bitcast %get3A_175 : vector<16xf32> to vector<32xbf16>
          %sub3A_178 = arith.subf %bitcast3A_176, %bitcast3A_177 : vector<32xbf16>
          %unpack3A_179 = tpu.unpack_subelements %sub3A_178, 0 {pack_format = #tpu.pack_format<interleaved>} : vector<32xbf16> -> vector<16xf32>
          %unpack3A_180 = tpu.unpack_subelements %sub3A_178, 1 {pack_format = #tpu.pack_format<interleaved>} : vector<32xbf16> -> vector<16xf32>
          %mul3A_181 = arith.mulf %unpack3A_179, %unpack3A_179 : vector<16xf32>
          %add3A_182 = arith.addf %add3A_169, %mul3A_181 : vector<16xf32>
          %mul3A_183 = arith.mulf %unpack3A_180, %unpack3A_180 : vector<16xf32>
          %add3A_184 = arith.addf %add3A_182, %mul3A_183 : vector<16xf32>
          %get3A_185 = arith.index_cast %add3A_83 : i32 to index
          %get3A_186 = arith.constant 112 : index
          %get3A_187 = tpu.vector_load %arg20[%get3A_185, %get3A_186] {strides = array<i32>} : memref<128x128xf32, #tpu.memory_space<vmem>>, vector<16xf32>,
          %get3A_188 = arith.index_cast %add3A_83 : i32 to index
          %get3A_189 = arith.constant 112 : index
          %get3A_190 = tpu.vector_load %arg21[%get3A_188, %get3A_189] {strides = array<i32>} : memref<128x128xf32, #tpu.memory_space<vmem>>, vector<16xf32>,
          %bitcast3A_191 = vector.bitcast %get3A_187 : vector<16xf32> to vector<32xbf16>
          %bitcast3A_192 = vector.bitcast %get3A_190 : vector<16xf32> to vector<32xbf16>
          %sub3A_193 = arith.subf %bitcast3A_191, %bitcast3A_192 : vector<32xbf16>
          %unpack3A_194 = tpu.unpack_subelements %sub3A_193, 0 {pack_format = #tpu.pack_format<interleaved>} : vector<32xbf16> -> vector<16xf32>
          %unpack3A_195 = tpu.unpack_subelements %sub3A_193, 1 {pack_format = #tpu.pack_format<interleaved>} : vector<32xbf16> -> vector<16xf32>
          %mul3A_196 = arith.mulf %unpack3A_194, %unpack3A_194 : vector<16xf32>
          %add3A_197 = arith.addf %add3A_184, %mul3A_196 : vector<16xf32>
          %mul3A_198 = arith.mulf %unpack3A_195, %unpack3A_195 : vector<16xf32>
          %add3A_199 = arith.addf %add3A_197, %mul3A_198 : vector<16xf32>
          %eq3A = vector.broadcast %scan3A_79 : i32 to vector<16xi32>
          %eq3A_200 = arith.cmpi eq, %iota3A, %eq3A : vector<16xi32>
          %reduce_sum3A = arith.constant true
          %reduce_sum3A_201 = vector.broadcast %reduce_sum3A : i1 to vector<16xi1>
          %reduce_sum3A_202 = tpu.scan <sum>, %add3A_199 masked %reduce_sum3A_201 : vector<16xf32>, vector<16xi1> -> vector<16xf32>
          %reduce_sum3A_203 = vector.extract %reduce_sum3A_202[15] : f32 from vector<16xf32>
          %broadcast_in_dim3A_204 = vector.broadcast %reduce_sum3A_203 : f32 to vector<16xf32>
          %select_n3A = arith.select %eq3A_200, %broadcast_in_dim3A_204, %scan3A_80 : vector<16xi1>, vector<16xf32>
          scf.yield %select_n3A : vector<16xf32>
        }
        %scan3A_75 = arith.constant 16 : i32
        %mul3A_76 = arith.constant 16 : i32
        %mul3A_77 = arith.muli %scan3A_69, %mul3A_76 : i32
        %swap3A = arith.index_cast %mul3A_77 : i32 to index
        %swap3A_78 = tpu.vector_load %arg22[%swap3A] {strides = array<i32>} : memref<128xf32, #tpu.memory_space<vmem>>, vector<16xf32>,
        tpu.vector_store %arg22[%swap3A], %scan3A_74 {strides = array<i32>} : memref<128xf32, #tpu.memory_space<vmem>>, vector<16xf32>,
      }
      %scan3A_68 = arith.constant 8 : i32
      "tpu.region"() ({
        %run_scoped3A = tpu.sem_alloc : memref<!tpu.dma_semaphore, #tpu.memory_space<semaphore_mem>>
        %dma_start3A_69 = arith.constant 0 : i32
        %dma_start3A_70 = tpu.memref_slice %arg13[%add3A_34, %dma_start3A_69] : memref<1280x128xf32, #tpu.memory_space<hbm>> -> memref<1x128xf32, #tpu.memory_space<hbm>>
        %dma_start3A_71 = tpu.memref_squeeze %dma_start3A_70 : memref<1x128xf32, #tpu.memory_space<hbm>> -> memref<128xf32, #tpu.memory_space<hbm>>
        %dma_start3A_72 = arith.constant 0 : i32
        %dma_start3A_73 = tpu.memref_slice %arg13[%add3A_34, %dma_start3A_72] : memref<1280x128xf32, #tpu.memory_space<hbm>> -> memref<1x128xf32, #tpu.memory_space<hbm>>
        %dma_start3A_74 = tpu.memref_squeeze %dma_start3A_73 : memref<1x128xf32, #tpu.memory_space<hbm>> -> memref<128xf32, #tpu.memory_space<hbm>>
        tpu.enqueue_dma source(%arg22 : memref<128xf32, #tpu.memory_space<vmem>>) target(%dma_start3A_74 : memref<128xf32, #tpu.memory_space<hbm>>) target_semaphore(%run_scoped3A : memref<!tpu.dma_semaphore, #tpu.memory_space<semaphore_mem>>)
        %dma_wait3A_75 = arith.constant 0 : i32
        %dma_wait3A_76 = tpu.memref_slice %arg13[%add3A_34, %dma_wait3A_75] : memref<1280x128xf32, #tpu.memory_space<hbm>> -> memref<1x128xf32, #tpu.memory_space<hbm>>
        %dma_wait3A_77 = tpu.memref_squeeze %dma_wait3A_76 : memref<1x128xf32, #tpu.memory_space<hbm>> -> memref<128xf32, #tpu.memory_space<hbm>>
        %dma_wait3A_78 = arith.constant 0 : i32
        %dma_wait3A_79 = tpu.memref_slice %arg13[%add3A_34, %dma_wait3A_78] : memref<1280x128xf32, #tpu.memory_space<hbm>> -> memref<1x128xf32, #tpu.memory_space<hbm>>
        %dma_wait3A_80 = tpu.memref_squeeze %dma_wait3A_79 : memref<1x128xf32, #tpu.memory_space<hbm>> -> memref<128xf32, #tpu.memory_space<hbm>>
        tpu.wait_dma2 semaphore(%run_scoped3A : memref<!tpu.dma_semaphore, #tpu.memory_space<semaphore_mem>>) src(%arg22 : memref<128xf32, #tpu.memory_space<vmem>>) dst(%dma_wait3A_80 : memref<128xf32, #tpu.memory_space<hbm>>)
        tpu.yield
      }) : () -> ()
    }
    %scan3A_26 = arith.constant 20 : i32
    "tpu.region"() ({
      %run_scoped3A = tpu.sem_alloc : memref<!tpu.dma_semaphore, #tpu.memory_space<semaphore_mem>>
      %dma_start3A = arith.constant 0 : i32
      %dma_start3A_27 = tpu.memref_slice %arg10[%add3A, %dma_start3A] : memref<32x10016xf32, #tpu.memory_space<hbm>> -> memref<1x10016xf32, #tpu.memory_space<hbm>>
      %dma_start3A_28 = tpu.memref_squeeze %dma_start3A_27 : memref<1x10016xf32, #tpu.memory_space<hbm>> -> memref<10016xf32, #tpu.memory_space<hbm>>
      %dma_start3A_29 = arith.constant 0 : i32
      %dma_start3A_30 = tpu.memref_slice %arg10[%add3A, %dma_start3A_29] : memref<32x10016xf32, #tpu.memory_space<hbm>> -> memref<1x10016xf32, #tpu.memory_space<hbm>>
      %dma_start3A_31 = tpu.memref_squeeze %dma_start3A_30 : memref<1x10016xf32, #tpu.memory_space<hbm>> -> memref<10016xf32, #tpu.memory_space<hbm>>
      tpu.enqueue_dma source(%arg23 : memref<10016xf32, #tpu.memory_space<vmem>>) target(%dma_start3A_31 : memref<10016xf32, #tpu.memory_space<hbm>>) target_semaphore(%run_scoped3A : memref<!tpu.dma_semaphore, #tpu.memory_space<semaphore_mem>>)
      %dma_wait3A = arith.constant 0 : i32
      %dma_wait3A_32 = tpu.memref_slice %arg10[%add3A, %dma_wait3A] : memref<32x10016xf32, #tpu.memory_space<hbm>> -> memref<1x10016xf32, #tpu.memory_space<hbm>>
      %dma_wait3A_33 = tpu.memref_squeeze %dma_wait3A_32 : memref<1x10016xf32, #tpu.memory_space<hbm>> -> memref<10016xf32, #tpu.memory_space<hbm>>
      %dma_wait3A_34 = arith.constant 0 : i32
      %dma_wait3A_35 = tpu.memref_slice %arg10[%add3A, %dma_wait3A_34] : memref<32x10016xf32, #tpu.memory_space<hbm>> -> memref<1x10016xf32, #tpu.memory_space<hbm>>
      %dma_wait3A_36 = tpu.memref_squeeze %dma_wait3A_35 : memref<1x10016xf32, #tpu.memory_space<hbm>> -> memref<10016xf32, #tpu.memory_space<hbm>>
      tpu.wait_dma2 semaphore(%run_scoped3A : memref<!tpu.dma_semaphore, #tpu.memory_space<semaphore_mem>>) src(%arg23 : memref<10016xf32, #tpu.memory_space<vmem>>) dst(%dma_wait3A_36 : memref<10016xf32, #tpu.memory_space<hbm>>)
      tpu.yield
    }) : () -> ()
    "tpu.region"() ({
      %run_scoped3A = tpu.sem_alloc : memref<!tpu.dma_semaphore, #tpu.memory_space<semaphore_mem>>
      %dma_start3A = arith.constant 0 : i32
      %dma_start3A_27 = tpu.memref_slice %arg11[%add3A, %dma_start3A] : memref<32x10016xf32, #tpu.memory_space<hbm>> -> memref<1x10016xf32, #tpu.memory_space<hbm>>
      %dma_start3A_28 = tpu.memref_squeeze %dma_start3A_27 : memref<1x10016xf32, #tpu.memory_space<hbm>> -> memref<10016xf32, #tpu.memory_space<hbm>>
      %dma_start3A_29 = arith.constant 0 : i32
      %dma_start3A_30 = tpu.memref_slice %arg11[%add3A, %dma_start3A_29] : memref<32x10016xf32, #tpu.memory_space<hbm>> -> memref<1x10016xf32, #tpu.memory_space<hbm>>
      %dma_start3A_31 = tpu.memref_squeeze %dma_start3A_30 : memref<1x10016xf32, #tpu.memory_space<hbm>> -> memref<10016xf32, #tpu.memory_space<hbm>>
      tpu.enqueue_dma source(%arg24 : memref<10016xf32, #tpu.memory_space<vmem>>) target(%dma_start3A_31 : memref<10016xf32, #tpu.memory_space<hbm>>) target_semaphore(%run_scoped3A : memref<!tpu.dma_semaphore, #tpu.memory_space<semaphore_mem>>)
      %dma_wait3A = arith.constant 0 : i32
      %dma_wait3A_32 = tpu.memref_slice %arg11[%add3A, %dma_wait3A] : memref<32x10016xf32, #tpu.memory_space<hbm>> -> memref<1x10016xf32, #tpu.memory_space<hbm>>
      %dma_wait3A_33 = tpu.memref_squeeze %dma_wait3A_32 : memref<1x10016xf32, #tpu.memory_space<hbm>> -> memref<10016xf32, #tpu.memory_space<hbm>>
      %dma_wait3A_34 = arith.constant 0 : i32
      %dma_wait3A_35 = tpu.memref_slice %arg11[%add3A, %dma_wait3A_34] : memref<32x10016xf32, #tpu.memory_space<hbm>> -> memref<1x10016xf32, #tpu.memory_space<hbm>>
      %dma_wait3A_36 = tpu.memref_squeeze %dma_wait3A_35 : memref<1x10016xf32, #tpu.memory_space<hbm>> -> memref<10016xf32, #tpu.memory_space<hbm>>
      tpu.wait_dma2 semaphore(%run_scoped3A : memref<!tpu.dma_semaphore, #tpu.memory_space<semaphore_mem>>) src(%arg24 : memref<10016xf32, #tpu.memory_space<vmem>>) dst(%dma_wait3A_36 : memref<10016xf32, #tpu.memory_space<hbm>>)
      tpu.yield
    }) : () -> ()
    return
  }
}

module attributes {stable_mosaic.version = 14 : i64} {
  func.func @_tc_body(%arg0: memref<32x10016xf32, #tpu.memory_space<vmem>>, %arg1: memref<32x10016xf32, #tpu.memory_space<vmem>>, %arg2: memref<1x10016xi32, #tpu.memory_space<vmem>>, %arg3: memref<1280x128xf32, #tpu.memory_space<vmem>>, %arg4: memref<1280x128xi32, #tpu.memory_space<vmem>>, %arg5: memref<1280x128xf32, #tpu.memory_space<vmem>>, %arg6: memref<1x1xf32, #tpu.memory_space<vmem>>) attributes {dimension_semantics = [], scalar_prefetch = 0 : i64, scratch_operands = 0 : i64, tpu.core_type = #tpu.core_type<tc>} {
    %get3A = arith.constant 0 : index
    %get3A_0 = arith.constant 0 : index
    %get3A_1 = vector.load %arg0[%get3A, %get3A_0] : memref<32x10016xf32, #tpu.memory_space<vmem>>, vector<32x10016xf32>
    %reduce_sum3A = arith.constant dense<0.000000e+00> : vector<10016xf32>
    %reduce_sum3A_2 = vector.multi_reduction <add>, %get3A_1, %reduce_sum3A [0] : vector<32x10016xf32> to vector<10016xf32>
    %broadcast_in_dim3A = vector.shape_cast %reduce_sum3A_2 : vector<10016xf32> to vector<1x10016xf32>
    %get3A_3 = arith.constant 0 : index
    %get3A_4 = arith.constant 0 : index
    %get3A_5 = vector.load %arg1[%get3A_3, %get3A_4] : memref<32x10016xf32, #tpu.memory_space<vmem>>, vector<32x10016xf32>
    %reduce_sum3A_6 = arith.constant dense<0.000000e+00> : vector<10016xf32>
    %reduce_sum3A_7 = vector.multi_reduction <add>, %get3A_5, %reduce_sum3A_6 [0] : vector<32x10016xf32> to vector<10016xf32>
    %broadcast_in_dim3A_8 = vector.shape_cast %reduce_sum3A_7 : vector<10016xf32> to vector<1x10016xf32>
    %max3A = arith.constant 1.000000e+00 : f32
    %max3A_9 = vector.broadcast %max3A : f32 to vector<1x10016xf32>
    %max3A_10 = arith.maximumf %broadcast_in_dim3A_8, %max3A_9 : vector<1x10016xf32>
    %div3A = arith.divf %broadcast_in_dim3A, %max3A_10 : vector<1x10016xf32>
    %mul3A = arith.constant 1.000000e+00 : f32
    %mul3A_11 = vector.broadcast %mul3A : f32 to vector<1x10016xf32>
    %mul3A_12 = arith.mulf %div3A, %mul3A_11 : vector<1x10016xf32>
    %log3A = math.log %mul3A_12 : vector<1x10016xf32>
    %get3A_13 = arith.constant 0 : index
    %get3A_14 = arith.constant 0 : index
    %get3A_15 = vector.load %arg2[%get3A_13, %get3A_14] : memref<1x10016xi32, #tpu.memory_space<vmem>>, vector<1x10016xi32>
    %iota3A = tpu.iota {dimensions = array<i32: 0>} : vector<128x10016xi32>
    %add3A = arith.constant 0 : i32
    %add3A_16 = vector.broadcast %add3A : i32 to vector<128x10016xi32>
    %add3A_17 = arith.addi %iota3A, %add3A_16 : vector<128x10016xi32>
    %eq3A = vector.broadcast %get3A_15 : vector<1x10016xi32> to vector<128x10016xi32>
    %eq3A_18 = arith.cmpi eq, %eq3A, %add3A_17 : vector<128x10016xi32>
    %jit3A = arith.constant 0.000000e+00 : f32
    %broadcast_in_dim3A_19 = vector.shape_cast %log3A : vector<1x10016xf32> to vector<1x10016xf32>
    %broadcast_in_dim3A_20 = vector.broadcast %broadcast_in_dim3A_19 : vector<1x10016xf32> to vector<128x10016xf32>
    %broadcast_in_dim3A_21 = vector.broadcast %jit3A : f32 to vector<128x10016xf32>
    %select_n3A = arith.select %eq3A_18, %broadcast_in_dim3A_20, %broadcast_in_dim3A_21 : vector<128x10016xi1>, vector<128x10016xf32>
    %reduce_sum3A_22 = arith.constant dense<0.000000e+00> : vector<128xf32>
    %reduce_sum3A_23 = vector.multi_reduction <add>, %select_n3A, %reduce_sum3A_22 [1] : vector<128x10016xf32> to vector<128xf32>
    %convert_element_type3A = arith.extui %eq3A_18 : vector<128x10016xi1> to vector<128x10016xi32>
    %convert_element_type3A_24 = arith.sitofp %convert_element_type3A : vector<128x10016xi32> to vector<128x10016xf32>
    %reduce_sum3A_25 = arith.constant dense<0.000000e+00> : vector<128xf32>
    %reduce_sum3A_26 = vector.multi_reduction <add>, %convert_element_type3A_24, %reduce_sum3A_25 [1] : vector<128x10016xf32> to vector<128xf32>
    %gt3A = arith.constant 0.000000e+00 : f32
    %gt3A_27 = vector.broadcast %gt3A : f32 to vector<128xf32>
    %gt3A_28 = arith.cmpf ogt, %reduce_sum3A_26, %gt3A_27 : vector<128xf32>
    %max3A_29 = arith.constant 1.000000e+00 : f32
    %max3A_30 = vector.broadcast %max3A_29 : f32 to vector<128xf32>
    %max3A_31 = arith.maximumf %reduce_sum3A_26, %max3A_30 : vector<128xf32>
    %div3A_32 = arith.divf %reduce_sum3A_23, %max3A_31 : vector<128xf32>
    %exp3A = math.exp %div3A_32 : vector<128xf32>
    %jit3A_33 = arith.constant 0.000000e+00 : f32
    %broadcast_in_dim3A_34 = vector.broadcast %jit3A_33 : f32 to vector<128xf32>
    %select_n3A_35 = arith.select %gt3A_28, %exp3A, %broadcast_in_dim3A_34 : vector<128xi1>, vector<128xf32>
    %reduce_sum3A_36 = vector.shape_cast %select_n3A_35 : vector<128xf32> to vector<1x128xf32>
    %reduce_sum3A_37 = arith.constant dense<0.000000e+00> : vector<1xf32>
    %reduce_sum3A_38 = vector.multi_reduction <add>, %reduce_sum3A_36, %reduce_sum3A_37 [1] : vector<1x128xf32> to vector<1xf32>
    %reduce_sum3A_39 = vector.shape_cast %reduce_sum3A_38 : vector<1xf32> to vector<1x1xf32>
    %reduce_sum3A_40 = vector.extract %reduce_sum3A_39[0, 0] : f32 from vector<1x1xf32>
    %add3A_41 = arith.constant 0.000000e+00 : f32
    %add3A_42 = arith.addf %add3A_41, %reduce_sum3A_40 : f32
    %convert_element_type3A_43 = arith.extui %gt3A_28 : vector<128xi1> to vector<128xi32>
    %convert_element_type3A_44 = arith.sitofp %convert_element_type3A_43 : vector<128xi32> to vector<128xf32>
    %reduce_sum3A_45 = vector.shape_cast %convert_element_type3A_44 : vector<128xf32> to vector<1x128xf32>
    %reduce_sum3A_46 = arith.constant dense<0.000000e+00> : vector<1xf32>
    %reduce_sum3A_47 = vector.multi_reduction <add>, %reduce_sum3A_45, %reduce_sum3A_46 [1] : vector<1x128xf32> to vector<1xf32>
    %reduce_sum3A_48 = vector.shape_cast %reduce_sum3A_47 : vector<1xf32> to vector<1x1xf32>
    %reduce_sum3A_49 = vector.extract %reduce_sum3A_48[0, 0] : f32 from vector<1x1xf32>
    %add3A_50 = arith.constant 0.000000e+00 : f32
    %add3A_51 = arith.addf %add3A_50, %reduce_sum3A_49 : f32
    %iota3A_52 = tpu.iota {dimensions = array<i32: 0>} : vector<128x10016xi32>
    %add3A_53 = arith.constant 128 : i32
    %add3A_54 = vector.broadcast %add3A_53 : i32 to vector<128x10016xi32>
    %add3A_55 = arith.addi %iota3A_52, %add3A_54 : vector<128x10016xi32>
    %eq3A_56 = vector.broadcast %get3A_15 : vector<1x10016xi32> to vector<128x10016xi32>
    %eq3A_57 = arith.cmpi eq, %eq3A_56, %add3A_55 : vector<128x10016xi32>
    %jit3A_58 = arith.constant 0.000000e+00 : f32
    %broadcast_in_dim3A_59 = vector.shape_cast %log3A : vector<1x10016xf32> to vector<1x10016xf32>
    %broadcast_in_dim3A_60 = vector.broadcast %broadcast_in_dim3A_59 : vector<1x10016xf32> to vector<128x10016xf32>
    %broadcast_in_dim3A_61 = vector.broadcast %jit3A_58 : f32 to vector<128x10016xf32>
    %select_n3A_62 = arith.select %eq3A_57, %broadcast_in_dim3A_60, %broadcast_in_dim3A_61 : vector<128x10016xi1>, vector<128x10016xf32>
    %reduce_sum3A_63 = arith.constant dense<0.000000e+00> : vector<128xf32>
    %reduce_sum3A_64 = vector.multi_reduction <add>, %select_n3A_62, %reduce_sum3A_63 [1] : vector<128x10016xf32> to vector<128xf32>
    %convert_element_type3A_65 = arith.extui %eq3A_57 : vector<128x10016xi1> to vector<128x10016xi32>
    %convert_element_type3A_66 = arith.sitofp %convert_element_type3A_65 : vector<128x10016xi32> to vector<128x10016xf32>
    %reduce_sum3A_67 = arith.constant dense<0.000000e+00> : vector<128xf32>
    %reduce_sum3A_68 = vector.multi_reduction <add>, %convert_element_type3A_66, %reduce_sum3A_67 [1] : vector<128x10016xf32> to vector<128xf32>
    %gt3A_69 = arith.constant 0.000000e+00 : f32
    %gt3A_70 = vector.broadcast %gt3A_69 : f32 to vector<128xf32>
    %gt3A_71 = arith.cmpf ogt, %reduce_sum3A_68, %gt3A_70 : vector<128xf32>
    %max3A_72 = arith.constant 1.000000e+00 : f32
    %max3A_73 = vector.broadcast %max3A_72 : f32 to vector<128xf32>
    %max3A_74 = arith.maximumf %reduce_sum3A_68, %max3A_73 : vector<128xf32>
    %div3A_75 = arith.divf %reduce_sum3A_64, %max3A_74 : vector<128xf32>
    %exp3A_76 = math.exp %div3A_75 : vector<128xf32>
    %jit3A_77 = arith.constant 0.000000e+00 : f32
    %broadcast_in_dim3A_78 = vector.broadcast %jit3A_77 : f32 to vector<128xf32>
    %select_n3A_79 = arith.select %gt3A_71, %exp3A_76, %broadcast_in_dim3A_78 : vector<128xi1>, vector<128xf32>
    %reduce_sum3A_80 = vector.shape_cast %select_n3A_79 : vector<128xf32> to vector<1x128xf32>
    %reduce_sum3A_81 = arith.constant dense<0.000000e+00> : vector<1xf32>
    %reduce_sum3A_82 = vector.multi_reduction <add>, %reduce_sum3A_80, %reduce_sum3A_81 [1] : vector<1x128xf32> to vector<1xf32>
    %reduce_sum3A_83 = vector.shape_cast %reduce_sum3A_82 : vector<1xf32> to vector<1x1xf32>
    %reduce_sum3A_84 = vector.extract %reduce_sum3A_83[0, 0] : f32 from vector<1x1xf32>
    %add3A_85 = arith.addf %add3A_42, %reduce_sum3A_84 : f32
    %convert_element_type3A_86 = arith.extui %gt3A_71 : vector<128xi1> to vector<128xi32>
    %convert_element_type3A_87 = arith.sitofp %convert_element_type3A_86 : vector<128xi32> to vector<128xf32>
    %reduce_sum3A_88 = vector.shape_cast %convert_element_type3A_87 : vector<128xf32> to vector<1x128xf32>
    %reduce_sum3A_89 = arith.constant dense<0.000000e+00> : vector<1xf32>
    %reduce_sum3A_90 = vector.multi_reduction <add>, %reduce_sum3A_88, %reduce_sum3A_89 [1] : vector<1x128xf32> to vector<1xf32>
    %reduce_sum3A_91 = vector.shape_cast %reduce_sum3A_90 : vector<1xf32> to vector<1x1xf32>
    %reduce_sum3A_92 = vector.extract %reduce_sum3A_91[0, 0] : f32 from vector<1x1xf32>
    %add3A_93 = arith.addf %add3A_51, %reduce_sum3A_92 : f32
    %iota3A_94 = tpu.iota {dimensions = array<i32: 0>} : vector<128x10016xi32>
    %add3A_95 = arith.constant 256 : i32
    %add3A_96 = vector.broadcast %add3A_95 : i32 to vector<128x10016xi32>
    %add3A_97 = arith.addi %iota3A_94, %add3A_96 : vector<128x10016xi32>
    %eq3A_98 = vector.broadcast %get3A_15 : vector<1x10016xi32> to vector<128x10016xi32>
    %eq3A_99 = arith.cmpi eq, %eq3A_98, %add3A_97 : vector<128x10016xi32>
    %jit3A_100 = arith.constant 0.000000e+00 : f32
    %broadcast_in_dim3A_101 = vector.shape_cast %log3A : vector<1x10016xf32> to vector<1x10016xf32>
    %broadcast_in_dim3A_102 = vector.broadcast %broadcast_in_dim3A_101 : vector<1x10016xf32> to vector<128x10016xf32>
    %broadcast_in_dim3A_103 = vector.broadcast %jit3A_100 : f32 to vector<128x10016xf32>
    %select_n3A_104 = arith.select %eq3A_99, %broadcast_in_dim3A_102, %broadcast_in_dim3A_103 : vector<128x10016xi1>, vector<128x10016xf32>
    %reduce_sum3A_105 = arith.constant dense<0.000000e+00> : vector<128xf32>
    %reduce_sum3A_106 = vector.multi_reduction <add>, %select_n3A_104, %reduce_sum3A_105 [1] : vector<128x10016xf32> to vector<128xf32>
    %convert_element_type3A_107 = arith.extui %eq3A_99 : vector<128x10016xi1> to vector<128x10016xi32>
    %convert_element_type3A_108 = arith.sitofp %convert_element_type3A_107 : vector<128x10016xi32> to vector<128x10016xf32>
    %reduce_sum3A_109 = arith.constant dense<0.000000e+00> : vector<128xf32>
    %reduce_sum3A_110 = vector.multi_reduction <add>, %convert_element_type3A_108, %reduce_sum3A_109 [1] : vector<128x10016xf32> to vector<128xf32>
    %gt3A_111 = arith.constant 0.000000e+00 : f32
    %gt3A_112 = vector.broadcast %gt3A_111 : f32 to vector<128xf32>
    %gt3A_113 = arith.cmpf ogt, %reduce_sum3A_110, %gt3A_112 : vector<128xf32>
    %max3A_114 = arith.constant 1.000000e+00 : f32
    %max3A_115 = vector.broadcast %max3A_114 : f32 to vector<128xf32>
    %max3A_116 = arith.maximumf %reduce_sum3A_110, %max3A_115 : vector<128xf32>
    %div3A_117 = arith.divf %reduce_sum3A_106, %max3A_116 : vector<128xf32>
    %exp3A_118 = math.exp %div3A_117 : vector<128xf32>
    %jit3A_119 = arith.constant 0.000000e+00 : f32
    %broadcast_in_dim3A_120 = vector.broadcast %jit3A_119 : f32 to vector<128xf32>
    %select_n3A_121 = arith.select %gt3A_113, %exp3A_118, %broadcast_in_dim3A_120 : vector<128xi1>, vector<128xf32>
    %reduce_sum3A_122 = vector.shape_cast %select_n3A_121 : vector<128xf32> to vector<1x128xf32>
    %reduce_sum3A_123 = arith.constant dense<0.000000e+00> : vector<1xf32>
    %reduce_sum3A_124 = vector.multi_reduction <add>, %reduce_sum3A_122, %reduce_sum3A_123 [1] : vector<1x128xf32> to vector<1xf32>
    %reduce_sum3A_125 = vector.shape_cast %reduce_sum3A_124 : vector<1xf32> to vector<1x1xf32>
    %reduce_sum3A_126 = vector.extract %reduce_sum3A_125[0, 0] : f32 from vector<1x1xf32>
    %add3A_127 = arith.addf %add3A_85, %reduce_sum3A_126 : f32
    %convert_element_type3A_128 = arith.extui %gt3A_113 : vector<128xi1> to vector<128xi32>
    %convert_element_type3A_129 = arith.sitofp %convert_element_type3A_128 : vector<128xi32> to vector<128xf32>
    %reduce_sum3A_130 = vector.shape_cast %convert_element_type3A_129 : vector<128xf32> to vector<1x128xf32>
    %reduce_sum3A_131 = arith.constant dense<0.000000e+00> : vector<1xf32>
    %reduce_sum3A_132 = vector.multi_reduction <add>, %reduce_sum3A_130, %reduce_sum3A_131 [1] : vector<1x128xf32> to vector<1xf32>
    %reduce_sum3A_133 = vector.shape_cast %reduce_sum3A_132 : vector<1xf32> to vector<1x1xf32>
    %reduce_sum3A_134 = vector.extract %reduce_sum3A_133[0, 0] : f32 from vector<1x1xf32>
    %add3A_135 = arith.addf %add3A_93, %reduce_sum3A_134 : f32
    %iota3A_136 = tpu.iota {dimensions = array<i32: 0>} : vector<128x10016xi32>
    %add3A_137 = arith.constant 384 : i32
    %add3A_138 = vector.broadcast %add3A_137 : i32 to vector<128x10016xi32>
    %add3A_139 = arith.addi %iota3A_136, %add3A_138 : vector<128x10016xi32>
    %eq3A_140 = vector.broadcast %get3A_15 : vector<1x10016xi32> to vector<128x10016xi32>
    %eq3A_141 = arith.cmpi eq, %eq3A_140, %add3A_139 : vector<128x10016xi32>
    %jit3A_142 = arith.constant 0.000000e+00 : f32
    %broadcast_in_dim3A_143 = vector.shape_cast %log3A : vector<1x10016xf32> to vector<1x10016xf32>
    %broadcast_in_dim3A_144 = vector.broadcast %broadcast_in_dim3A_143 : vector<1x10016xf32> to vector<128x10016xf32>
    %broadcast_in_dim3A_145 = vector.broadcast %jit3A_142 : f32 to vector<128x10016xf32>
    %select_n3A_146 = arith.select %eq3A_141, %broadcast_in_dim3A_144, %broadcast_in_dim3A_145 : vector<128x10016xi1>, vector<128x10016xf32>
    %reduce_sum3A_147 = arith.constant dense<0.000000e+00> : vector<128xf32>
    %reduce_sum3A_148 = vector.multi_reduction <add>, %select_n3A_146, %reduce_sum3A_147 [1] : vector<128x10016xf32> to vector<128xf32>
    %convert_element_type3A_149 = arith.extui %eq3A_141 : vector<128x10016xi1> to vector<128x10016xi32>
    %convert_element_type3A_150 = arith.sitofp %convert_element_type3A_149 : vector<128x10016xi32> to vector<128x10016xf32>
    %reduce_sum3A_151 = arith.constant dense<0.000000e+00> : vector<128xf32>
    %reduce_sum3A_152 = vector.multi_reduction <add>, %convert_element_type3A_150, %reduce_sum3A_151 [1] : vector<128x10016xf32> to vector<128xf32>
    %gt3A_153 = arith.constant 0.000000e+00 : f32
    %gt3A_154 = vector.broadcast %gt3A_153 : f32 to vector<128xf32>
    %gt3A_155 = arith.cmpf ogt, %reduce_sum3A_152, %gt3A_154 : vector<128xf32>
    %max3A_156 = arith.constant 1.000000e+00 : f32
    %max3A_157 = vector.broadcast %max3A_156 : f32 to vector<128xf32>
    %max3A_158 = arith.maximumf %reduce_sum3A_152, %max3A_157 : vector<128xf32>
    %div3A_159 = arith.divf %reduce_sum3A_148, %max3A_158 : vector<128xf32>
    %exp3A_160 = math.exp %div3A_159 : vector<128xf32>
    %jit3A_161 = arith.constant 0.000000e+00 : f32
    %broadcast_in_dim3A_162 = vector.broadcast %jit3A_161 : f32 to vector<128xf32>
    %select_n3A_163 = arith.select %gt3A_155, %exp3A_160, %broadcast_in_dim3A_162 : vector<128xi1>, vector<128xf32>
    %reduce_sum3A_164 = vector.shape_cast %select_n3A_163 : vector<128xf32> to vector<1x128xf32>
    %reduce_sum3A_165 = arith.constant dense<0.000000e+00> : vector<1xf32>
    %reduce_sum3A_166 = vector.multi_reduction <add>, %reduce_sum3A_164, %reduce_sum3A_165 [1] : vector<1x128xf32> to vector<1xf32>
    %reduce_sum3A_167 = vector.shape_cast %reduce_sum3A_166 : vector<1xf32> to vector<1x1xf32>
    %reduce_sum3A_168 = vector.extract %reduce_sum3A_167[0, 0] : f32 from vector<1x1xf32>
    %add3A_169 = arith.addf %add3A_127, %reduce_sum3A_168 : f32
    %convert_element_type3A_170 = arith.extui %gt3A_155 : vector<128xi1> to vector<128xi32>
    %convert_element_type3A_171 = arith.sitofp %convert_element_type3A_170 : vector<128xi32> to vector<128xf32>
    %reduce_sum3A_172 = vector.shape_cast %convert_element_type3A_171 : vector<128xf32> to vector<1x128xf32>
    %reduce_sum3A_173 = arith.constant dense<0.000000e+00> : vector<1xf32>
    %reduce_sum3A_174 = vector.multi_reduction <add>, %reduce_sum3A_172, %reduce_sum3A_173 [1] : vector<1x128xf32> to vector<1xf32>
    %reduce_sum3A_175 = vector.shape_cast %reduce_sum3A_174 : vector<1xf32> to vector<1x1xf32>
    %reduce_sum3A_176 = vector.extract %reduce_sum3A_175[0, 0] : f32 from vector<1x1xf32>
    %add3A_177 = arith.addf %add3A_135, %reduce_sum3A_176 : f32
    %iota3A_178 = tpu.iota {dimensions = array<i32: 0>} : vector<128x10016xi32>
    %add3A_179 = arith.constant 512 : i32
    %add3A_180 = vector.broadcast %add3A_179 : i32 to vector<128x10016xi32>
    %add3A_181 = arith.addi %iota3A_178, %add3A_180 : vector<128x10016xi32>
    %eq3A_182 = vector.broadcast %get3A_15 : vector<1x10016xi32> to vector<128x10016xi32>
    %eq3A_183 = arith.cmpi eq, %eq3A_182, %add3A_181 : vector<128x10016xi32>
    %jit3A_184 = arith.constant 0.000000e+00 : f32
    %broadcast_in_dim3A_185 = vector.shape_cast %log3A : vector<1x10016xf32> to vector<1x10016xf32>
    %broadcast_in_dim3A_186 = vector.broadcast %broadcast_in_dim3A_185 : vector<1x10016xf32> to vector<128x10016xf32>
    %broadcast_in_dim3A_187 = vector.broadcast %jit3A_184 : f32 to vector<128x10016xf32>
    %select_n3A_188 = arith.select %eq3A_183, %broadcast_in_dim3A_186, %broadcast_in_dim3A_187 : vector<128x10016xi1>, vector<128x10016xf32>
    %reduce_sum3A_189 = arith.constant dense<0.000000e+00> : vector<128xf32>
    %reduce_sum3A_190 = vector.multi_reduction <add>, %select_n3A_188, %reduce_sum3A_189 [1] : vector<128x10016xf32> to vector<128xf32>
    %convert_element_type3A_191 = arith.extui %eq3A_183 : vector<128x10016xi1> to vector<128x10016xi32>
    %convert_element_type3A_192 = arith.sitofp %convert_element_type3A_191 : vector<128x10016xi32> to vector<128x10016xf32>
    %reduce_sum3A_193 = arith.constant dense<0.000000e+00> : vector<128xf32>
    %reduce_sum3A_194 = vector.multi_reduction <add>, %convert_element_type3A_192, %reduce_sum3A_193 [1] : vector<128x10016xf32> to vector<128xf32>
    %gt3A_195 = arith.constant 0.000000e+00 : f32
    %gt3A_196 = vector.broadcast %gt3A_195 : f32 to vector<128xf32>
    %gt3A_197 = arith.cmpf ogt, %reduce_sum3A_194, %gt3A_196 : vector<128xf32>
    %max3A_198 = arith.constant 1.000000e+00 : f32
    %max3A_199 = vector.broadcast %max3A_198 : f32 to vector<128xf32>
    %max3A_200 = arith.maximumf %reduce_sum3A_194, %max3A_199 : vector<128xf32>
    %div3A_201 = arith.divf %reduce_sum3A_190, %max3A_200 : vector<128xf32>
    %exp3A_202 = math.exp %div3A_201 : vector<128xf32>
    %jit3A_203 = arith.constant 0.000000e+00 : f32
    %broadcast_in_dim3A_204 = vector.broadcast %jit3A_203 : f32 to vector<128xf32>
    %select_n3A_205 = arith.select %gt3A_197, %exp3A_202, %broadcast_in_dim3A_204 : vector<128xi1>, vector<128xf32>
    %reduce_sum3A_206 = vector.shape_cast %select_n3A_205 : vector<128xf32> to vector<1x128xf32>
    %reduce_sum3A_207 = arith.constant dense<0.000000e+00> : vector<1xf32>
    %reduce_sum3A_208 = vector.multi_reduction <add>, %reduce_sum3A_206, %reduce_sum3A_207 [1] : vector<1x128xf32> to vector<1xf32>
    %reduce_sum3A_209 = vector.shape_cast %reduce_sum3A_208 : vector<1xf32> to vector<1x1xf32>
    %reduce_sum3A_210 = vector.extract %reduce_sum3A_209[0, 0] : f32 from vector<1x1xf32>
    %add3A_211 = arith.addf %add3A_169, %reduce_sum3A_210 : f32
    %convert_element_type3A_212 = arith.extui %gt3A_197 : vector<128xi1> to vector<128xi32>
    %convert_element_type3A_213 = arith.sitofp %convert_element_type3A_212 : vector<128xi32> to vector<128xf32>
    %reduce_sum3A_214 = vector.shape_cast %convert_element_type3A_213 : vector<128xf32> to vector<1x128xf32>
    %reduce_sum3A_215 = arith.constant dense<0.000000e+00> : vector<1xf32>
    %reduce_sum3A_216 = vector.multi_reduction <add>, %reduce_sum3A_214, %reduce_sum3A_215 [1] : vector<1x128xf32> to vector<1xf32>
    %reduce_sum3A_217 = vector.shape_cast %reduce_sum3A_216 : vector<1xf32> to vector<1x1xf32>
    %reduce_sum3A_218 = vector.extract %reduce_sum3A_217[0, 0] : f32 from vector<1x1xf32>
    %add3A_219 = arith.addf %add3A_177, %reduce_sum3A_218 : f32
    %iota3A_220 = tpu.iota {dimensions = array<i32: 0>} : vector<128x10016xi32>
    %add3A_221 = arith.constant 640 : i32
    %add3A_222 = vector.broadcast %add3A_221 : i32 to vector<128x10016xi32>
    %add3A_223 = arith.addi %iota3A_220, %add3A_222 : vector<128x10016xi32>
    %eq3A_224 = vector.broadcast %get3A_15 : vector<1x10016xi32> to vector<128x10016xi32>
    %eq3A_225 = arith.cmpi eq, %eq3A_224, %add3A_223 : vector<128x10016xi32>
    %jit3A_226 = arith.constant 0.000000e+00 : f32
    %broadcast_in_dim3A_227 = vector.shape_cast %log3A : vector<1x10016xf32> to vector<1x10016xf32>
    %broadcast_in_dim3A_228 = vector.broadcast %broadcast_in_dim3A_227 : vector<1x10016xf32> to vector<128x10016xf32>
    %broadcast_in_dim3A_229 = vector.broadcast %jit3A_226 : f32 to vector<128x10016xf32>
    %select_n3A_230 = arith.select %eq3A_225, %broadcast_in_dim3A_228, %broadcast_in_dim3A_229 : vector<128x10016xi1>, vector<128x10016xf32>
    %reduce_sum3A_231 = arith.constant dense<0.000000e+00> : vector<128xf32>
    %reduce_sum3A_232 = vector.multi_reduction <add>, %select_n3A_230, %reduce_sum3A_231 [1] : vector<128x10016xf32> to vector<128xf32>
    %convert_element_type3A_233 = arith.extui %eq3A_225 : vector<128x10016xi1> to vector<128x10016xi32>
    %convert_element_type3A_234 = arith.sitofp %convert_element_type3A_233 : vector<128x10016xi32> to vector<128x10016xf32>
    %reduce_sum3A_235 = arith.constant dense<0.000000e+00> : vector<128xf32>
    %reduce_sum3A_236 = vector.multi_reduction <add>, %convert_element_type3A_234, %reduce_sum3A_235 [1] : vector<128x10016xf32> to vector<128xf32>
    %gt3A_237 = arith.constant 0.000000e+00 : f32
    %gt3A_238 = vector.broadcast %gt3A_237 : f32 to vector<128xf32>
    %gt3A_239 = arith.cmpf ogt, %reduce_sum3A_236, %gt3A_238 : vector<128xf32>
    %max3A_240 = arith.constant 1.000000e+00 : f32
    %max3A_241 = vector.broadcast %max3A_240 : f32 to vector<128xf32>
    %max3A_242 = arith.maximumf %reduce_sum3A_236, %max3A_241 : vector<128xf32>
    %div3A_243 = arith.divf %reduce_sum3A_232, %max3A_242 : vector<128xf32>
    %exp3A_244 = math.exp %div3A_243 : vector<128xf32>
    %jit3A_245 = arith.constant 0.000000e+00 : f32
    %broadcast_in_dim3A_246 = vector.broadcast %jit3A_245 : f32 to vector<128xf32>
    %select_n3A_247 = arith.select %gt3A_239, %exp3A_244, %broadcast_in_dim3A_246 : vector<128xi1>, vector<128xf32>
    %reduce_sum3A_248 = vector.shape_cast %select_n3A_247 : vector<128xf32> to vector<1x128xf32>
    %reduce_sum3A_249 = arith.constant dense<0.000000e+00> : vector<1xf32>
    %reduce_sum3A_250 = vector.multi_reduction <add>, %reduce_sum3A_248, %reduce_sum3A_249 [1] : vector<1x128xf32> to vector<1xf32>
    %reduce_sum3A_251 = vector.shape_cast %reduce_sum3A_250 : vector<1xf32> to vector<1x1xf32>
    %reduce_sum3A_252 = vector.extract %reduce_sum3A_251[0, 0] : f32 from vector<1x1xf32>
    %add3A_253 = arith.addf %add3A_211, %reduce_sum3A_252 : f32
    %convert_element_type3A_254 = arith.extui %gt3A_239 : vector<128xi1> to vector<128xi32>
    %convert_element_type3A_255 = arith.sitofp %convert_element_type3A_254 : vector<128xi32> to vector<128xf32>
    %reduce_sum3A_256 = vector.shape_cast %convert_element_type3A_255 : vector<128xf32> to vector<1x128xf32>
    %reduce_sum3A_257 = arith.constant dense<0.000000e+00> : vector<1xf32>
    %reduce_sum3A_258 = vector.multi_reduction <add>, %reduce_sum3A_256, %reduce_sum3A_257 [1] : vector<1x128xf32> to vector<1xf32>
    %reduce_sum3A_259 = vector.shape_cast %reduce_sum3A_258 : vector<1xf32> to vector<1x1xf32>
    %reduce_sum3A_260 = vector.extract %reduce_sum3A_259[0, 0] : f32 from vector<1x1xf32>
    %add3A_261 = arith.addf %add3A_219, %reduce_sum3A_260 : f32
    %iota3A_262 = tpu.iota {dimensions = array<i32: 0>} : vector<128x10016xi32>
    %add3A_263 = arith.constant 768 : i32
    %add3A_264 = vector.broadcast %add3A_263 : i32 to vector<128x10016xi32>
    %add3A_265 = arith.addi %iota3A_262, %add3A_264 : vector<128x10016xi32>
    %eq3A_266 = vector.broadcast %get3A_15 : vector<1x10016xi32> to vector<128x10016xi32>
    %eq3A_267 = arith.cmpi eq, %eq3A_266, %add3A_265 : vector<128x10016xi32>
    %jit3A_268 = arith.constant 0.000000e+00 : f32
    %broadcast_in_dim3A_269 = vector.shape_cast %log3A : vector<1x10016xf32> to vector<1x10016xf32>
    %broadcast_in_dim3A_270 = vector.broadcast %broadcast_in_dim3A_269 : vector<1x10016xf32> to vector<128x10016xf32>
    %broadcast_in_dim3A_271 = vector.broadcast %jit3A_268 : f32 to vector<128x10016xf32>
    %select_n3A_272 = arith.select %eq3A_267, %broadcast_in_dim3A_270, %broadcast_in_dim3A_271 : vector<128x10016xi1>, vector<128x10016xf32>
    %reduce_sum3A_273 = arith.constant dense<0.000000e+00> : vector<128xf32>
    %reduce_sum3A_274 = vector.multi_reduction <add>, %select_n3A_272, %reduce_sum3A_273 [1] : vector<128x10016xf32> to vector<128xf32>
    %convert_element_type3A_275 = arith.extui %eq3A_267 : vector<128x10016xi1> to vector<128x10016xi32>
    %convert_element_type3A_276 = arith.sitofp %convert_element_type3A_275 : vector<128x10016xi32> to vector<128x10016xf32>
    %reduce_sum3A_277 = arith.constant dense<0.000000e+00> : vector<128xf32>
    %reduce_sum3A_278 = vector.multi_reduction <add>, %convert_element_type3A_276, %reduce_sum3A_277 [1] : vector<128x10016xf32> to vector<128xf32>
    %gt3A_279 = arith.constant 0.000000e+00 : f32
    %gt3A_280 = vector.broadcast %gt3A_279 : f32 to vector<128xf32>
    %gt3A_281 = arith.cmpf ogt, %reduce_sum3A_278, %gt3A_280 : vector<128xf32>
    %max3A_282 = arith.constant 1.000000e+00 : f32
    %max3A_283 = vector.broadcast %max3A_282 : f32 to vector<128xf32>
    %max3A_284 = arith.maximumf %reduce_sum3A_278, %max3A_283 : vector<128xf32>
    %div3A_285 = arith.divf %reduce_sum3A_274, %max3A_284 : vector<128xf32>
    %exp3A_286 = math.exp %div3A_285 : vector<128xf32>
    %jit3A_287 = arith.constant 0.000000e+00 : f32
    %broadcast_in_dim3A_288 = vector.broadcast %jit3A_287 : f32 to vector<128xf32>
    %select_n3A_289 = arith.select %gt3A_281, %exp3A_286, %broadcast_in_dim3A_288 : vector<128xi1>, vector<128xf32>
    %reduce_sum3A_290 = vector.shape_cast %select_n3A_289 : vector<128xf32> to vector<1x128xf32>
    %reduce_sum3A_291 = arith.constant dense<0.000000e+00> : vector<1xf32>
    %reduce_sum3A_292 = vector.multi_reduction <add>, %reduce_sum3A_290, %reduce_sum3A_291 [1] : vector<1x128xf32> to vector<1xf32>
    %reduce_sum3A_293 = vector.shape_cast %reduce_sum3A_292 : vector<1xf32> to vector<1x1xf32>
    %reduce_sum3A_294 = vector.extract %reduce_sum3A_293[0, 0] : f32 from vector<1x1xf32>
    %add3A_295 = arith.addf %add3A_253, %reduce_sum3A_294 : f32
    %convert_element_type3A_296 = arith.extui %gt3A_281 : vector<128xi1> to vector<128xi32>
    %convert_element_type3A_297 = arith.sitofp %convert_element_type3A_296 : vector<128xi32> to vector<128xf32>
    %reduce_sum3A_298 = vector.shape_cast %convert_element_type3A_297 : vector<128xf32> to vector<1x128xf32>
    %reduce_sum3A_299 = arith.constant dense<0.000000e+00> : vector<1xf32>
    %reduce_sum3A_300 = vector.multi_reduction <add>, %reduce_sum3A_298, %reduce_sum3A_299 [1] : vector<1x128xf32> to vector<1xf32>
    %reduce_sum3A_301 = vector.shape_cast %reduce_sum3A_300 : vector<1xf32> to vector<1x1xf32>
    %reduce_sum3A_302 = vector.extract %reduce_sum3A_301[0, 0] : f32 from vector<1x1xf32>
    %add3A_303 = arith.addf %add3A_261, %reduce_sum3A_302 : f32
    %iota3A_304 = tpu.iota {dimensions = array<i32: 0>} : vector<128x10016xi32>
    %add3A_305 = arith.constant 896 : i32
    %add3A_306 = vector.broadcast %add3A_305 : i32 to vector<128x10016xi32>
    %add3A_307 = arith.addi %iota3A_304, %add3A_306 : vector<128x10016xi32>
    %eq3A_308 = vector.broadcast %get3A_15 : vector<1x10016xi32> to vector<128x10016xi32>
    %eq3A_309 = arith.cmpi eq, %eq3A_308, %add3A_307 : vector<128x10016xi32>
    %jit3A_310 = arith.constant 0.000000e+00 : f32
    %broadcast_in_dim3A_311 = vector.shape_cast %log3A : vector<1x10016xf32> to vector<1x10016xf32>
    %broadcast_in_dim3A_312 = vector.broadcast %broadcast_in_dim3A_311 : vector<1x10016xf32> to vector<128x10016xf32>
    %broadcast_in_dim3A_313 = vector.broadcast %jit3A_310 : f32 to vector<128x10016xf32>
    %select_n3A_314 = arith.select %eq3A_309, %broadcast_in_dim3A_312, %broadcast_in_dim3A_313 : vector<128x10016xi1>, vector<128x10016xf32>
    %reduce_sum3A_315 = arith.constant dense<0.000000e+00> : vector<128xf32>
    %reduce_sum3A_316 = vector.multi_reduction <add>, %select_n3A_314, %reduce_sum3A_315 [1] : vector<128x10016xf32> to vector<128xf32>
    %convert_element_type3A_317 = arith.extui %eq3A_309 : vector<128x10016xi1> to vector<128x10016xi32>
    %convert_element_type3A_318 = arith.sitofp %convert_element_type3A_317 : vector<128x10016xi32> to vector<128x10016xf32>
    %reduce_sum3A_319 = arith.constant dense<0.000000e+00> : vector<128xf32>
    %reduce_sum3A_320 = vector.multi_reduction <add>, %convert_element_type3A_318, %reduce_sum3A_319 [1] : vector<128x10016xf32> to vector<128xf32>
    %gt3A_321 = arith.constant 0.000000e+00 : f32
    %gt3A_322 = vector.broadcast %gt3A_321 : f32 to vector<128xf32>
    %gt3A_323 = arith.cmpf ogt, %reduce_sum3A_320, %gt3A_322 : vector<128xf32>
    %max3A_324 = arith.constant 1.000000e+00 : f32
    %max3A_325 = vector.broadcast %max3A_324 : f32 to vector<128xf32>
    %max3A_326 = arith.maximumf %reduce_sum3A_320, %max3A_325 : vector<128xf32>
    %div3A_327 = arith.divf %reduce_sum3A_316, %max3A_326 : vector<128xf32>
    %exp3A_328 = math.exp %div3A_327 : vector<128xf32>
    %jit3A_329 = arith.constant 0.000000e+00 : f32
    %broadcast_in_dim3A_330 = vector.broadcast %jit3A_329 : f32 to vector<128xf32>
    %select_n3A_331 = arith.select %gt3A_323, %exp3A_328, %broadcast_in_dim3A_330 : vector<128xi1>, vector<128xf32>
    %reduce_sum3A_332 = vector.shape_cast %select_n3A_331 : vector<128xf32> to vector<1x128xf32>
    %reduce_sum3A_333 = arith.constant dense<0.000000e+00> : vector<1xf32>
    %reduce_sum3A_334 = vector.multi_reduction <add>, %reduce_sum3A_332, %reduce_sum3A_333 [1] : vector<1x128xf32> to vector<1xf32>
    %reduce_sum3A_335 = vector.shape_cast %reduce_sum3A_334 : vector<1xf32> to vector<1x1xf32>
    %reduce_sum3A_336 = vector.extract %reduce_sum3A_335[0, 0] : f32 from vector<1x1xf32>
    %add3A_337 = arith.addf %add3A_295, %reduce_sum3A_336 : f32
    %convert_element_type3A_338 = arith.extui %gt3A_323 : vector<128xi1> to vector<128xi32>
    %convert_element_type3A_339 = arith.sitofp %convert_element_type3A_338 : vector<128xi32> to vector<128xf32>
    %reduce_sum3A_340 = vector.shape_cast %convert_element_type3A_339 : vector<128xf32> to vector<1x128xf32>
    %reduce_sum3A_341 = arith.constant dense<0.000000e+00> : vector<1xf32>
    %reduce_sum3A_342 = vector.multi_reduction <add>, %reduce_sum3A_340, %reduce_sum3A_341 [1] : vector<1x128xf32> to vector<1xf32>
    %reduce_sum3A_343 = vector.shape_cast %reduce_sum3A_342 : vector<1xf32> to vector<1x1xf32>
    %reduce_sum3A_344 = vector.extract %reduce_sum3A_343[0, 0] : f32 from vector<1x1xf32>
    %add3A_345 = arith.addf %add3A_303, %reduce_sum3A_344 : f32
    %div3A_346 = arith.divf %add3A_337, %add3A_345 : f32
    %iota3A_347 = tpu.iota {dimensions = array<i32: 0>} : vector<1280x128xi32>
    %iota3A_348 = tpu.iota {dimensions = array<i32: 1>} : vector<1280x128xi32>
    %mul3A_349 = arith.constant 128 : i32
    %mul3A_350 = vector.broadcast %mul3A_349 : i32 to vector<1280x128xi32>
    %mul3A_351 = arith.muli %iota3A_347, %mul3A_350 : vector<1280x128xi32>
    %add3A_352 = arith.addi %mul3A_351, %iota3A_348 : vector<1280x128xi32>
    %lt3A = arith.constant 160000 : i32
    %lt3A_353 = vector.broadcast %lt3A : i32 to vector<1280x128xi32>
    %lt3A_354 = arith.cmpi slt, %add3A_352, %lt3A_353 : vector<1280x128xi32>
    %get3A_355 = arith.constant 0 : index
    %get3A_356 = arith.constant 0 : index
    %get3A_357 = vector.load %arg3[%get3A_355, %get3A_356] : memref<1280x128xf32, #tpu.memory_space<vmem>>, vector<1280x128xf32>
    %add3A_358 = arith.constant 9.99999996E-13 : f32
    %add3A_359 = vector.broadcast %add3A_358 : f32 to vector<1280x128xf32>
    %add3A_360 = arith.addf %get3A_357, %add3A_359 : vector<1280x128xf32>
    %sqrt3A = math.sqrt %add3A_360 : vector<1280x128xf32>
    %get3A_361 = arith.constant 0 : index
    %get3A_362 = arith.constant 0 : index
    %get3A_363 = vector.load %arg4[%get3A_361, %get3A_362] : memref<1280x128xi32, #tpu.memory_space<vmem>>, vector<1280x128xi32>
    %eq3A_364 = arith.constant 0 : i32
    %eq3A_365 = vector.broadcast %eq3A_364 : i32 to vector<1280x128xi32>
    %eq3A_366 = arith.cmpi eq, %get3A_363, %eq3A_365 : vector<1280x128xi32>
    %and3A = arith.andi %eq3A_366, %lt3A_354 : vector<1280x128xi1>
    %sub3A = arith.constant 1.000000e+00 : f32
    %sub3A_367 = vector.broadcast %sub3A : f32 to vector<1280x128xf32>
    %sub3A_368 = arith.subf %sub3A_367, %sqrt3A : vector<1280x128xf32>
    %max3A_369 = arith.constant 0.000000e+00 : f32
    %max3A_370 = vector.broadcast %max3A_369 : f32 to vector<1280x128xf32>
    %max3A_371 = arith.maximumf %sub3A_368, %max3A_370 : vector<1280x128xf32>
    %square3A = arith.mulf %max3A_371, %max3A_371 : vector<1280x128xf32>
    %jit3A_372 = arith.constant 0.000000e+00 : f32
    %broadcast_in_dim3A_373 = vector.broadcast %jit3A_372 : f32 to vector<1280x128xf32>
    %select_n3A_374 = arith.select %and3A, %square3A, %broadcast_in_dim3A_373 : vector<1280x128xi1>, vector<1280x128xf32>
    %reduce_sum3A_375 = vector.shape_cast %select_n3A_374 : vector<1280x128xf32> to vector<1x1280x128xf32>
    %reduce_sum3A_376 = arith.constant dense<0.000000e+00> : vector<1xf32>
    %reduce_sum3A_377 = vector.multi_reduction <add>, %reduce_sum3A_375, %reduce_sum3A_376 [1, 2] : vector<1x1280x128xf32> to vector<1xf32>
    %reduce_sum3A_378 = vector.shape_cast %reduce_sum3A_377 : vector<1xf32> to vector<1x1x1xf32>
    %reduce_sum3A_379 = vector.extract %reduce_sum3A_378[0, 0, 0] : f32 from vector<1x1x1xf32>
    %convert_element_type3A_380 = arith.extui %and3A : vector<1280x128xi1> to vector<1280x128xi32>
    %convert_element_type3A_381 = arith.sitofp %convert_element_type3A_380 : vector<1280x128xi32> to vector<1280x128xf32>
    %reduce_sum3A_382 = vector.shape_cast %convert_element_type3A_381 : vector<1280x128xf32> to vector<1x1280x128xf32>
    %reduce_sum3A_383 = arith.constant dense<0.000000e+00> : vector<1xf32>
    %reduce_sum3A_384 = vector.multi_reduction <add>, %reduce_sum3A_382, %reduce_sum3A_383 [1, 2] : vector<1x1280x128xf32> to vector<1xf32>
    %reduce_sum3A_385 = vector.shape_cast %reduce_sum3A_384 : vector<1xf32> to vector<1x1x1xf32>
    %reduce_sum3A_386 = vector.extract %reduce_sum3A_385[0, 0, 0] : f32 from vector<1x1x1xf32>
    %max3A_387 = arith.constant 1.000000e+00 : f32
    %max3A_388 = arith.maximumf %reduce_sum3A_386, %max3A_387 : f32
    %div3A_389 = arith.divf %reduce_sum3A_379, %max3A_388 : f32
    %get3A_390 = arith.constant 0 : index
    %get3A_391 = arith.constant 0 : index
    %get3A_392 = vector.load %arg5[%get3A_390, %get3A_391] : memref<1280x128xf32, #tpu.memory_space<vmem>>, vector<1280x128xf32>
    %add3A_393 = arith.constant 9.99999996E-13 : f32
    %add3A_394 = vector.broadcast %add3A_393 : f32 to vector<1280x128xf32>
    %add3A_395 = arith.addf %get3A_392, %add3A_394 : vector<1280x128xf32>
    %sqrt3A_396 = math.sqrt %add3A_395 : vector<1280x128xf32>
    %sub3A_397 = arith.constant 1.000000e+00 : f32
    %sub3A_398 = vector.broadcast %sub3A_397 : f32 to vector<1280x128xf32>
    %sub3A_399 = arith.subf %sub3A_398, %sqrt3A_396 : vector<1280x128xf32>
    %max3A_400 = arith.constant 0.000000e+00 : f32
    %max3A_401 = vector.broadcast %max3A_400 : f32 to vector<1280x128xf32>
    %max3A_402 = arith.maximumf %sub3A_399, %max3A_401 : vector<1280x128xf32>
    %square3A_403 = arith.mulf %max3A_402, %max3A_402 : vector<1280x128xf32>
    %jit3A_404 = arith.constant 0.000000e+00 : f32
    %broadcast_in_dim3A_405 = vector.broadcast %jit3A_404 : f32 to vector<1280x128xf32>
    %select_n3A_406 = arith.select %lt3A_354, %square3A_403, %broadcast_in_dim3A_405 : vector<1280x128xi1>, vector<1280x128xf32>
    %reduce_sum3A_407 = vector.shape_cast %select_n3A_406 : vector<1280x128xf32> to vector<1x1280x128xf32>
    %reduce_sum3A_408 = arith.constant dense<0.000000e+00> : vector<1xf32>
    %reduce_sum3A_409 = vector.multi_reduction <add>, %reduce_sum3A_407, %reduce_sum3A_408 [1, 2] : vector<1x1280x128xf32> to vector<1xf32>
    %reduce_sum3A_410 = vector.shape_cast %reduce_sum3A_409 : vector<1xf32> to vector<1x1x1xf32>
    %reduce_sum3A_411 = vector.extract %reduce_sum3A_410[0, 0, 0] : f32 from vector<1x1x1xf32>
    %div3A_412 = arith.constant 1.600000e+05 : f32
    %div3A_413 = arith.divf %reduce_sum3A_411, %div3A_412 : f32
    %mul3A_414 = arith.constant 1.000000e+00 : f32
    %mul3A_415 = arith.mulf %mul3A_414, %div3A_389 : f32
    %add3A_416 = arith.addf %mul3A_415, %div3A_346 : f32
    %mul3A_417 = arith.constant 1.000000e+00 : f32
    %mul3A_418 = arith.mulf %mul3A_417, %add3A_416 : f32
    %mul3A_419 = arith.constant 1.000000e+00 : f32
    %mul3A_420 = arith.mulf %mul3A_419, %mul3A_418 : f32
    %mul3A_421 = arith.constant 1.000000e+00 : f32
    %mul3A_422 = arith.mulf %mul3A_421, %div3A_413 : f32
    %mul3A_423 = arith.constant 1.000000e+00 : f32
    %mul3A_424 = arith.mulf %mul3A_423, %mul3A_422 : f32
    %add3A_425 = arith.addf %mul3A_420, %mul3A_424 : f32
    %broadcast_in_dim3A_426 = vector.broadcast %add3A_425 : f32 to vector<1x1xf32>
    %swap3A = arith.constant 0 : index
    %swap3A_427 = arith.constant 0 : index
    %swap3A_428 = vector.load %arg6[%swap3A, %swap3A_427] : memref<1x1xf32, #tpu.memory_space<vmem>>, vector<1x1xf32>
    tpu.vector_store %arg6[%swap3A, %swap3A_427], %broadcast_in_dim3A_426 {strides = array<i32>} : memref<1x1xf32, #tpu.memory_space<vmem>>, vector<1x1xf32>,
    return
  }
}

</mosaic_0001>

<sc_bundles>
// kernel: kernel.4.cloned.1.call-start
scs
__scs_entry_jumppad:
0x0: {  	(pc) =	sbr.rel $0x88, $3  }
0x1: {  	(tag) =	ssettag $0x0;
	lr =	simm.s32 $0x1  }
0x2: {  	[smem:$0x3F9A] =	sst lr;
	_ =	strace $0xD0000000  }
0x3: {  	_ = 	snop  }
0x4: {  	_ = 	snop  }
0x5: {  	_ = 	snop  }
0x6: {  	_ = 	snop  }
0x7: {  	_ = 	snop  }
__scs_overlays_trampoline_lowered:
0x8: {  	[smem:$0x3FA9] =	sst s0  }
0x9: {  	[smem:$0x3FAA] =	sst s1  }
0xa: {  	[smem:$0x3FAB] =	sst s2  }
0xb: {  	[smem:$0x3FAC] =	sst s3  }
0xc: {  	[smem:$0x3FAD] =	sst s4  }
0xd: {  	[smem:$0x3FAE] =	sst s5  }
0xe: {  	[smem:$0x3FAF] =	sst s6  }
0xf: {  	[smem:$0x3FB0] =	sst s7  }
0x10: {  	[smem:$0x3FB1] =	sst s8  }
0x11: {  	[smem:$0x3FB2] =	sst s9;
	s0 =	simm.s32 @!p0 $0x0  }
0x12: {  	s1 =	sld [smem:$0x3F98];
	s0 =	simm.s32 @p0 $0x1  }
0x13: {  	[smem:$0x3FB3] =	sst s0;
	s0 =	simm.s32 @!p1 $0x0  }
0x14: {  	s2 =	sld [smem:$0x3F97];
	s0 =	simm.s32 @p1 $0x1  }
0x15: {  	[smem:$0x3FB4] =	sst s0;
	s0 =	simm.s32 @!p2 $0x0  }
0x16: {  	s3 =	sld [smem:$0x3FDB];
	s0 =	simm.s32 @p2 $0x1  }
0x17: {  	s4 =	simm.s32 $0x1BF5;
	[smem:$0x3FB6] =	sst s0  }
0x18: {  	s0 =	sld [smem:$0x3F99];
	_ =	swait.ge [sflag:s4], $0x0  }
0x19: {  	s7 =	sld [smem:$0x3F9A]  }
0x1a: {  	s8 =	sadd.s32 $0xFFFFE003, lr  }
0x1b: {  	s9 =	sadd.s32 $0xFFFFFEF7, lr;
	s5 =	simm.s32 $0xFFFFFFFF;
	p2 =	slt.u32 s8, $0xFFFFF086  }
0x1c: {  	p1 =	slt.u32 s9, $0xF7A;
	s5 =	simm.s32 @!p2 $0x0  }
0x1d: {  	s5 =	simm.s32 @p1 $0x1;
	p0 =	seq.s32 s7, s2  }
0x1e: {  	s7 =	smul.u32 @!p0 $0xF7A, s2;
	p2 =	seq.s32 @!p0 s5, $0x0  }
0x1f: {  	s9 =	smul.u32 $0xF7A, s1;
	s8 =	simm.s32 @!p0 $0x1BF5;
	p2 =	por !p2, p0  }
0x20: {  	[sflag:s8] =	ssyncset.s32 @!p0 $0xFFFFF086;
	s6 =	sadd.s32 @!p0 s3, s7;
	s7 =	simm.s32 @!p0 $0x108  }
0x21: {  	s3 =	sadd.s32 s3, s9;
	s6 =	sadd.s32 @!p0 $0x88, s6;
	s7 =	simm.s32 @p2 $0x1082  }
0x22: {  	[simem:s7], [sflag:s8] =	dma.local @!p0 [hbm:s6], $0xF7A  }
0x23: {  	s9 =	sor.u32 $0xD0000000, s2;
	s6 =	simm.s32 $0x108;
	_ =	swait.ge @!p0 [sflag:s8], $0x0  }
0x24: {  	s3 =	sadd.s32 $0x88, s3;
	s6 =	simm.s32 @!p1 $0x1082;
	[sflag:s4] =	ssyncset.s32 $0xFFFFF086  }
0x25: {  	[simem:s6], [sflag:s4] =	dma.local [hbm:s3], $0xF7A  }
0x26: {  	[smem:$0x3F9A] =	sst s1;
	(tag) =	ssettag s2;
	_ =	strace s9  }
0x27: {  	s1 =	sld [smem:$0x3FAA]  }
0x28: {  	s2 =	sld [smem:$0x3FAB]  }
0x29: {  	s4 =	sld [smem:$0x3FAD]  }
0x2a: {  	p0 =	seq.s32 s5, $0x0;
	s5 =	sld [smem:$0x3FAE]  }
0x2b: {  	s6 =	sld [smem:$0x3FAF]  }
0x2c: {  	s7 =	sld [smem:$0x3FB0]  }
0x2d: {  	s3 =	simm.s32 $0x108;
	s8 =	sld [smem:$0x3FB1]  }
0x2e: {  	s3 =	simm.s32 @!p0 $0x1082;
	s9 =	sld [smem:$0x3FB2]  }
0x2f: {  	lr =	sadd.s32 s0, s3;
	s0 =	sld [smem:$0x3FA9]  }
0x30: {  	s3 =	sld [smem:$0x3FAC]  }
0x31: {  	[smem:$0x3FB5] =	sst s10  }
0x32: {  	s10 =	sld [smem:$0x3FB3];
	_ =	sdelay $0x3  }
0x33: {  	p0 =	seq.s32 s10, $0x1;
	s10 =	sld [smem:$0x3FB5];
	_ =	sdelay $0x3  }
0x34: {  	[smem:$0x3FB5] =	sst s10  }
0x35: {  	s10 =	sld [smem:$0x3FB4];
	_ =	sdelay $0x3  }
0x36: {  	p1 =	seq.s32 s10, $0x1;
	s10 =	sld [smem:$0x3FB5];
	_ =	sdelay $0x3  }
0x37: {  	[smem:$0x3FB5] =	sst s10  }
0x38: {  	s10 =	sld [smem:$0x3FB6]  }
0x39: {  	_ = 	snop;
	(pc) =	sbr.ind lr, $3  }
0x3a: {  	_ = 	snop  }
0x3b: {  	_ = 	snop  }
0x3c: {  	p2 =	seq.s32 s10, $0x1;
	s10 =	sld [smem:$0x3FB5]  }
0x3d: {  	_ =	shalt  }
0x3e: {  	_ =	shalt  }
0x3f: {  	_ =	shalt  }
0x40: {  	_ =	shalt  }
0x41: {  	_ =	shalt  }
0x42: {  	_ =	shalt  }
0x43: {  	_ =	shalt  }
0x44: {  	_ =	shalt  }
0x45: {  	_ =	shalt  }
0x46: {  	_ =	shalt  }
0x47: {  	_ =	shalt  }
0x48: {  	_ =	shalt  }
0x49: {  	_ =	shalt  }
0x4a: {  	_ =	shalt  }
0x4b: {  	_ =	shalt  }
0x4c: {  	_ =	shalt  }
0x4d: {  	_ =	shalt  }
0x4e: {  	_ =	shalt  }
0x4f: {  	_ =	shalt  }
0x50: {  	_ =	shalt  }
0x51: {  	_ =	shalt  }
0x52: {  	_ =	shalt  }
0x53: {  	_ =	shalt  }
0x54: {  	_ =	shalt  }
0x55: {  	_ =	shalt  }
0x56: {  	_ =	shalt  }
0x57: {  	_ =	shalt  }
0x58: {  	_ =	shalt  }
0x59: {  	_ =	shalt  }
0x5a: {  	_ =	shalt  }
0x5b: {  	_ =	shalt  }
0x5c: {  	_ =	shalt  }
0x5d: {  	_ =	shalt  }
0x5e: {  	_ =	shalt  }
0x5f: {  	_ =	shalt  }
0x60: {  	_ =	shalt  }
0x61: {  	_ =	shalt  }
0x62: {  	_ =	shalt  }
0x63: {  	_ =	shalt  }
0x64: {  	_ =	shalt  }
0x65: {  	_ =	shalt  }
0x66: {  	_ =	shalt  }
0x67: {  	_ =	shalt  }
0x68: {  	_ =	shalt  }
0x69: {  	_ =	shalt  }
0x6a: {  	_ =	shalt  }
0x6b: {  	_ =	shalt  }
0x6c: {  	_ =	shalt  }
0x6d: {  	_ =	shalt  }
0x6e: {  	_ =	shalt  }
0x6f: {  	_ =	shalt  }
0x70: {  	_ =	shalt  }
0x71: {  	_ =	shalt  }
0x72: {  	_ =	shalt  }
0x73: {  	_ =	shalt  }
0x74: {  	_ =	shalt  }
0x75: {  	_ =	shalt  }
0x76: {  	_ =	shalt  }
0x77: {  	_ =	shalt  }
0x78: {  	_ =	shalt  }
0x79: {  	_ =	shalt  }
0x7a: {  	_ =	shalt  }
0x7b: {  	_ =	shalt  }
0x7c: {  	_ =	shalt  }
0x7d: {  	_ =	shalt  }
0x7e: {  	_ =	shalt  }
0x7f: {  	_ =	shalt  }
0x80: {  	_ =	shalt  }
0x81: {  	_ =	shalt  }
0x82: {  	_ =	shalt  }
0x83: {  	_ =	shalt  }
0x84: {  	_ =	shalt  }
0x85: {  	_ =	shalt  }
0x86: {  	_ =	shalt  }
0x87: {  	_ =	shalt  }
.Lfunc_end0:
.L_simem_size_0:
called_computation_lowered:
.L_overlay_start_0:
0x88: {  	s2 =	sld [smem:$0x3FD9]  }
0x89: {  	s3 =	sld [smem:$0x3FFE];
	_ =	sdelay $0x1  }
0x8a: {  	s1 =	srdreg.scid  }
0x8b: {  	s0 =	sand.u32 $0x1, s1  }
0x8c: {  	s16 =	sshll.u32 s0, $0xA;
	s2 =	sadd.s32 s3, s2  }
0x8d: {  	s2 =	sadd.s32 s2, s16  }
0x8e: {  	[smem:$0x3FC1] =	sst s2  }
0x8f: {  	_ = 	snop  }
0x90: {  	(tm) =	ssettm $0x1  }
0x91: {  	s17 =	sld [smem:$0x3FFB];
	_ =	sdelay $0x3  }
0x92: {  	_ =	strace s17  }
0x93: {  	s2 =	sld [smem:$0x3FFC];
	_ =	sdelay $0x3  }
0x94: {  	_ =	strace s2  }
0x95: {  	s2 =	sld [smem:$0x3FFD];
	_ =	sdelay $0x3  }
0x96: {  	_ =	strace s2  }
0x97: {  	_ =	strace $0x8FFFFFFF  }
0x98: {  	s18 =	sld [smem:$0x3FDB];
	_ =	sdelay $0x1  }
0x99: {  	s19 =	simm.s32 $_scs_section_size  }
0x9a: {  	s4 =	simm.s32 $_size__tile_overlayer_lowered;
	s5 =	simm.s32 $_tile_overlayer_lowered  }
0x9b: {  	s22 =	simm.s32 $0x1BFF;
	s21 =	sshll.u32 s5, $0x1;
	s2 =	sadd.s32 s19, s18  }
0x9c: {  	s6 =	simm.s32 $0x0;
	s20 =	sshll.u32 s4, $0x1;
	s4 =	sadd.s32 s21, s2  }
0x9d: {  	[timem:s6], [sflag:s22] =	dma.local [hbm:s4], s20  }
0x9e: {  	_ =	swait.ge [sflag:s22], s20  }
0x9f: {  	s3 =	ssub.s32 $0x0, s20;
	[sflag:s22] =	ssyncset.done $0x0  }
0xa0: {  	[sflag:s22] =	ssyncadd.s32 s3;
	_ =	sdelay $0x1  }
0xa1: {  	s23 =	simm.s32 $0x1B8B  }
0xa2: {  	_ =	swait.ge [sflag:s23], $0x1  }
0xa3: {  	[sflag:s23] =	ssyncset.done $0x0  }
0xa4: {  	s25 =	simm.s32 $0x1B8E;
	s24 =	sld [smem:$0x3FFE];
	[sflag:s23] =	ssyncadd.s32 $0xFFFFFFFF  }
0xa5: {  	s26 =	simm.s32 $execute0_lowered;
	[smem:$0x3FD2] =	sst s25  }
0xa6: {  	s4 =	sshll.u32 s26, $0x1;
	_ =	strace $0x80000046;
	[dreg:$0x1] =	wrdreg $0xFFFFFFFF  }
0xa7: {  	s28 =	simm.s32 $_size_execute0_lowered;
	s2 =	sadd.s32 s2, s4;
	[dreg:$0x0] =	wrdreg $0x0  }
0xa8: {  	s4 =	sshll.u32 s28, $0x1;
	[dreg:$0x2] =	wrdreg s2  }
0xa9: {  	[dreg:$0x3] =	wrdreg s4  }
0xaa: {  	[dreg:$0x4] =	wrdreg $0xC0  }
0xab: {  	_ =	task [dreg:s6], $0x5FFFF  }
0xac: {  	[dreg:$0x1] =	wrdreg $0xFFFFFFFF  }
0xad: {  	[dreg:$0x0] =	wrdreg $0x60  }
0xae: {  	[dreg:$0x2] =	wrdreg s24  }
0xaf: {  	[dreg:$0x3] =	wrdreg $0x9  }
0xb0: {  	_ =	task.clear_ibuf [dreg:s6], $0x4FFFF;
	_ =	strace $0x90000046  }
0xb1: {  	s29 =	simm.s32 $0x9;
	_ =	strace $0x80000048  }
0xb2: {  	_ =	swait.ge [sflag:s29], $0x1  }
0xb3: {  	[sflag:s29] =	ssyncadd.s32 $0xFFFFFFFF  }
0xb4: {  	_ =	strace $0x90000048  }
0xb5: {  	_ =	sfence  }
0xb6: {  	s30 =	sld [smem:$0x0];
	_ =	sdelay $0x2  }
0xb7: {  	s31 =	sshll.u32 s1, $0xD;
	s1 =	sshrl.u32 s1, $0x2  }
0xb8: {  	s3 =	sand.u32 $0x4000, s31;
	s1 =	sadd.s32 s1, s30  }
0xb9: {  	s0 =	sor.u32 s3, s0;
	s1 =	sshll.u32 s1, $0x11  }
0xba: {  	s0 =	sor.u32 s1, s0  }
0xbb: {  	s0 =	sadd.s32 $0x8F2B, s0  }
0xbc: {  	[sflag:s0] =	ssyncadd.remote.s32 $0x1  }
0xbd: {  	_ =	sfence.sel $0xFFFF  }
0xbe: {  	[dreg:$0x0] =	wrdreg $0xFFFFFFFF;
	(pc) =	sbr.abs _section_cstart, $3  }
0xbf: {  	[dreg:$0x1] =	wrdreg $0xFFFFFFFF  }
0xc0: {  	_ =	task.clear_ibuf [dreg:s6], $0x2FFFF;
	_ =	strace $0x9FFFFFFF  }
0xc1: {  	(tm) =	ssettm $0x7FFFFFFF  }
tec
execute0_lowered:
.L_overlay_start_1:
0x0: {  	(tag) =	ssettag $0x1  }
0x1: {  	s0 =	rddreg [dreg:$0x0];
	s1 =	simm.s32 $0x0;
	s21 =	srdreg.scid  }
0x2: {  	s3 =	stileid.u32;
	s17 =	simm.s32 $0x5;
	s18 =	simm.s32 $0x80  }
0x3: {  	s19 =	simm.s32 $0x100;
	s20 =	simm.s32 $0x180;
	s28 =	simm.s32 $0x10280  }
0x4: {  	s29 =	simm.s32 $0x12A00;
	s30 =	simm.s32 $0x3;
	s31 =	simm.s32 $0x4  }
0x5: {  	[smem:$0x7FF] =	sst s1;
	s1 =	sand.u32 $0x1, s21;
	s2 =	sshll.u32 s3, $0x1  }
0x6: {  	s5 =	sadd.s32 $0x6C600, s0;
	s3 =	sshrl.u32 s3, $0x2;
	s4 =	sadd.s32 $0x67600, s0  }
0x7: {  	s6 =	sadd.s32 $0x62600, s0;
	s7 =	sadd.s32 $0x58600, s0;
	s8 =	sadd.s32 $0x200, s0  }
0x8: {  	s9 =	sadd.s32 $0xA200, s0;
	s10 =	sadd.s32 $0x31400, s0;
	s11 =	sadd.s32 $0x85200, s0  }
0x9: {  	s12 =	sadd.s32 $0x8A200, s0;
	_ =	strace $0x80000047;
	s2 =	sor.u32 s1, s2  }
0xa: {  	[dreg:$0x3] =	wrdreg s4;
	s3 =	smul.u32 $0x13C00, s3;
	s22 =	sshll.u32 s2, $0x7  }
0xb: {  	[dreg:$0x4] =	wrdreg s6;
	s1 =	ssub.s32 $0x2, s1;
	s4 =	sand.u32 $0x380, s22  }
0xc: {  	s6 =	sadd.s32 $0x5D600, s0;
	s23 =	sshrl.u32 s1, $0x1;
	s3 =	sor.u32 s3, s4  }
0xd: {  	[dreg:$0x2] =	wrdreg s5;
	s24 =	ssub.s32 s1, s23;
	s3 =	sshrl.u32 s3, $0x3  }
0xe: {  	s13 =	smul.u32 $0x280, s2;
	s3 =	sadd.s32 s3, s0;
	s0 =	smax.u32 s24, $0x1  }
0xf: {  	s2 =	simm.s32 $0x0;
	s25 =	sadd.s32 $0x71600, s3;
	[dreg:$0x7] =	wrdreg s0  }
0x10: {  	s26 =	sadd.s32 $0x7B400, s3;
	s0 =	simm.s32 $0x10200;
	[dreg:$0x5] =	wrdreg s25  }
0x11: {  	v0 =	vimm.f32 $0.0e+00;
	v1 =	vlaneseq.u32;
	v2 =	vimm.f32 $1.000000000e+00;
	[dreg:$0x6] =	wrdreg s26;
	s25 =	simm.s32 $0x1;
	s26 =	simm.s32 $0x2  }
.LBB2_1:
0x12: {  	[dreg:$0x8] =	wrdreg s2;
	s1 =	simm.s32 $0x40;
	s2 =	simm.s32 $0x0  }
.LBB2_2:
0x13: {  	p0 =	sne.s32 s1, $0x9C40;
	[tilespmem:s2+$0x10280] =	vst v0;
	s3 =	smov.u32 s1;
	s1 =	sadd.s32 $0x40, s1  }
.Ltmp0:
0x14: {  	[tilespmem:s2+$0x12A00] =	vst v0;
	(pc) =	sbr.rel @p0 .LBB2_2-.Ltmp0, $2  }
0x15: {  	_ =	sdelay $0x2  }
0x16: {  	s2 =	sshra.s32 s3, $0x2  }
0x17: {  	[tilespmem:s2+$0x10280] =	vst v0  }
0x18: {  	s14 =	simm.s32 $0x0;
	[tilespmem:s2+$0x12A00] =	vst v0;
	s15 =	simm.s32 $0x0  }
.LBB2_4:
0x19: {  	s1 =	sshll.u32 s15, $0x5  }
0x1a: {  	s2 =	sadd.s32 s13, s1  }
0x1b: {  	s1 =	sand.u32 $0x60, s1;
	s2 =	sand.u32 $0xFF80, s2  }
0x1c: {  	s1 =	sor.u32 s1, s2  }
0x1d: {  	s2 =	sadd.s32 s5, s1  }
0x1e: {  	[tilespmem:s14], [sflag:$0x5] =	stream.linear.gather [hbm4b:s2+s14], $0x80, $0x38;
	[tilespmem:$0x15180] =	vst v63  }
0x1f: {  	_ =	swait.ge [sflag:s17], $0x80  }
0x20: {  	[sflag:s17] =	ssyncset.done $0x0;
	s3 =	rddreg [dreg:$0x3]  }
0x21: {  	[sflag:s17] =	ssyncadd.s32 $0xFFFFFF80;
	s4 =	sadd.s32 s3, s1  }
0x22: {  	[tilespmem:s18], [sflag:$0x5] =	stream.linear.gather [hbm4b:s4+s14], $0x80, $0x38;
	[tilespmem:$0x15180] =	vst v63  }
0x23: {  	_ =	swait.ge [sflag:s17], $0x80  }
0x24: {  	s1 =	sor.u32 $0x10, s1;
	[sflag:s17] =	ssyncset.done $0x0  }
0x25: {  	s16 =	sadd.s32 s5, s1;
	[sflag:s17] =	ssyncadd.s32 $0xFFFFFF80  }
0x26: {  	[tilespmem:s19], [sflag:$0x5] =	stream.linear.gather [hbm4b:s16+s14], $0x80, $0x38;
	[tilespmem:$0x15180] =	vst v63  }
0x27: {  	_ =	swait.ge [sflag:s17], $0x80  }
0x28: {  	[sflag:s17] =	ssyncset.done $0x0  }
0x29: {  	s1 =	sadd.s32 s3, s1;
	[sflag:s17] =	ssyncadd.s32 $0xFFFFFF80  }
0x2a: {  	[tilespmem:s20], [sflag:$0x5] =	stream.linear.gather [hbm4b:s1+s14], $0x80, $0x38;
	[tilespmem:$0x15180] =	vst v63  }
0x2b: {  	_ =	swait.ge [sflag:s17], $0x80  }
0x2c: {  	[sflag:s17] =	ssyncset.done $0x0  }
0x2d: {  	s21 =	simm.s32 $0x200;
	[sflag:s17] =	ssyncadd.s32 $0xFFFFFF80  }
0x2e: {  	[tilespmem:s21], [sflag:$0x1] =	stream.indirect.gather [hbm4b:s9+s18], $0x80, s14, s18, $0xb8;
	[tilespmem:$0x15180] =	vst v63  }
0x2f: {  	s22 =	simm.s32 $0x4200  }
0x30: {  	[tilespmem:s22], [sflag:$0x2] =	stream.indirect.gather [hbm4b:s10+s18], $0x80, s18, s18, $0xb8;
	[tilespmem:$0x15180] =	vst v63  }
0x31: {  	s23 =	simm.s32 $0x8200  }
0x32: {  	[tilespmem:s23], [sflag:$0x3] =	stream.indirect.gather [hbm4b:s9+s18], $0x80, s19, s18, $0xb8;
	[tilespmem:$0x15180] =	vst v63  }
0x33: {  	s24 =	simm.s32 $0xC200  }
0x34: {  	[tilespmem:s24], [sflag:$0x4] =	stream.indirect.gather [hbm4b:s10+s18], $0x80, s20, s18, $0xb8;
	[tilespmem:$0x15180] =	vst v63  }
0x35: {  	_ =	swait.ge [sflag:s25], $0x4000  }
0x36: {  	[sflag:s25] =	ssyncset.done $0x0  }
0x37: {  	[sflag:s25] =	ssyncadd.s32 $0xFFFFC000  }
0x38: {  	_ =	swait.ge [sflag:s26], $0x4000  }
0x39: {  	s2 =	simm.s32 $0x4240;
	[sflag:s26] =	ssyncset.done $0x0  }
0x3a: {  	s16 =	simm.s32 $0x0;
	s1 =	simm.s32 $0x240;
	[sflag:s26] =	ssyncadd.s32 $0xFFFFC000  }
.LBB2_5:
0x3b: {  	v3 =	vld [tilespmem:s1+$0xFFFFFFC0]  }
0x3c: {  	v4 =	vld [tilespmem:s2+$0xFFFFFFC0]  }
0x3d: {  	v5 =	vld [tilespmem:s1+$0xFFFFFFD0]  }
0x3e: {  	v6 =	vld [tilespmem:s2+$0xFFFFFFD0]  }
0x3f: {  	v7 =	vld [tilespmem:s1+$0xFFFFFFE0]  }
0x40: {  	v8 =	vld [tilespmem:s2+$0xFFFFFFE0]  }
0x41: {  	v9 =	vld [tilespmem:s2+$0x30];
	v3 =	vsub.bf16 v3, v4  }
0x42: {  	v11 =	vld [tilespmem:s2+$0x20]  }
0x43: {  	v13 =	vld [tilespmem:s1+$0xFFFFFFF0];
	v5 =	vsub.bf16 v5, v6;
	v10 =	vunpack.i.u.bf16.f32 v3;
	v3 =	vunpack.i.l.bf16.f32 v3  }
0x44: {  	v14 =	vld [tilespmem:s2+$0x10];
	v3 =	vmul.f32 v3, v3;
	v10 =	vmul.f32 v10, v10  }
0x45: {  	v16 =	vld [tilespmem:s2+$0x0];
	v12 =	vunpack.i.l.bf16.f32 v5  }
0x46: {  	s4 =	sadd.s32 $0x80, s1;
	v3 =	vadd.f32 v3, v10;
	v10 =	vmul.f32 v12, v12;
	v12 =	vld [tilespmem:s2+$0xFFFFFFF0]  }
0x47: {  	v18 =	vld [tilespmem:s4+$0xFFFFFFC0];
	v7 =	vsub.bf16 v7, v8;
	v5 =	vunpack.i.u.bf16.f32 v5  }
0x48: {  	v4 =	vld [tilespmem:s1+$0x30];
	v5 =	vmul.f32 v5, v5;
	v3 =	vadd.f32 v10, v3  }
0x49: {  	v6 =	vld [tilespmem:s1+$0x20];
	v15 =	vunpack.i.l.bf16.f32 v7  }
0x4a: {  	v10 =	vld [tilespmem:s1+$0x0];
	v3 =	vadd.f32 v3, v5;
	v5 =	vmul.f32 v15, v15  }
0x4b: {  	v8 =	vld [tilespmem:s1+$0x10];
	v7 =	vunpack.i.u.bf16.f32 v7;
	v12 =	vsub.bf16 v13, v12  }
0x4c: {  	s3 =	sadd.s32 $0x80, s2;
	v15 =	vld [tilespmem:s4+$0xFFFFFFE0];
	v3 =	vadd.f32 v5, v3;
	v5 =	vmul.f32 v7, v7  }
0x4d: {  	v13 =	vld [tilespmem:s3+$0xFFFFFFE0];
	v17 =	vunpack.i.l.bf16.f32 v12  }
0x4e: {  	v3 =	vadd.f32 v3, v5;
	v5 =	vmul.f32 v17, v17;
	v17 =	vld [tilespmem:s3+$0xFFFFFFC0]  }
0x4f: {  	v7 =	vld [tilespmem:s4+$0xFFFFFFD0];
	v12 =	vunpack.i.u.bf16.f32 v12;
	v10 =	vsub.bf16 v10, v16  }
0x50: {  	v9 =	vsub.bf16 v4, v9;
	v16 =	vld [tilespmem:s3+$0xFFFFFFD0];
	v3 =	vadd.f32 v5, v3;
	v5 =	vmul.f32 v12, v12  }
0x51: {  	v8 =	vsub.bf16 v8, v14;
	v6 =	vsub.bf16 v6, v11;
	v4 =	vunpack.i.l.bf16.f32 v10  }
0x52: {  	v4 =	vmul.f32 v4, v4;
	v11 =	vsub.bf16 v15, v13;
	v3 =	vadd.f32 v3, v5  }
0x53: {  	v19 =	vld [tilespmem:s3+$0x30];
	v12 =	vunpack.i.l.bf16.f32 v6;
	v5 =	vunpack.i.u.bf16.f32 v10;
	v10 =	vsub.bf16 v18, v17  }
0x54: {  	v20 =	vld [tilespmem:s3+$0x0];
	v3 =	vadd.f32 v4, v3;
	v4 =	vmul.f32 v5, v5;
	v5 =	vunpack.i.l.bf16.f32 v8  }
0x55: {  	v15 =	vld [tilespmem:s4+$0xFFFFFFF0];
	v7 =	vsub.bf16 v7, v16;
	v16 =	vunpack.i.u.bf16.f32 v6;
	v13 =	vmul.f32 v5, v5  }
0x56: {  	v6 =	vld [tilespmem:s4+$0x10];
	v14 =	vunpack.i.u.bf16.f32 v10;
	v10 =	vunpack.i.l.bf16.f32 v10;
	v3 =	vadd.f32 v3, v4  }
0x57: {  	v18 =	vld [tilespmem:s4+$0x30];
	v8 =	vunpack.i.u.bf16.f32 v8;
	v10 =	vmul.f32 v10, v10;
	v14 =	vmul.f32 v14, v14  }
0x58: {  	v8 =	vmul.f32 v8, v8;
	v5 =	vld [tilespmem:s3+$0x20];
	v3 =	vadd.f32 v13, v3;
	v13 =	vunpack.i.l.bf16.f32 v7  }
0x59: {  	v12 =	vmul.f32 v12, v12;
	v10 =	vadd.f32 v10, v14;
	v14 =	vld [tilespmem:s3+$0xFFFFFFF0];
	v13 =	vmul.f32 v13, v13  }
0x5a: {  	v16 =	vmul.f32 v16, v16;
	v17 =	vunpack.i.u.bf16.f32 v7;
	v4 =	vld [tilespmem:s4+$0x20];
	v3 =	vadd.f32 v3, v8  }
0x5b: {  	v7 =	vld [tilespmem:s3+$0x10];
	v8 =	vunpack.i.l.bf16.f32 v9;
	v10 =	vadd.f32 v13, v10;
	v13 =	vmul.f32 v17, v17  }
0x5c: {  	s23 =	sadd.s32 $0x80, s4;
	v17 =	vld [tilespmem:s4+$0x0];
	v3 =	vadd.f32 v12, v3;
	v12 =	vunpack.i.u.bf16.f32 v9;
	v9 =	vunpack.i.l.bf16.f32 v11  }
0x5d: {  	s3 =	sadd.s32 $0x80, s3;
	v8 =	vmul.f32 v8, v8;
	v13 =	vadd.f32 v10, v13;
	v21 =	vmul.f32 v9, v9;
	v9 =	vld [tilespmem:s23+$0xFFFFFFE0]  }
0x5e: {  	v11 =	vunpack.i.u.bf16.f32 v11;
	v14 =	vsub.bf16 v15, v14;
	v10 =	vld [tilespmem:s3+$0xFFFFFFE0];
	v3 =	vadd.f32 v3, v16  }
0x5f: {  	v15 =	vmul.f32 v12, v12;
	v11 =	vmul.f32 v11, v11;
	v12 =	vld [tilespmem:s23+$0xFFFFFFD0];
	v16 =	vadd.f32 v21, v13  }
0x60: {  	s24 =	simm.s32 $0x0;
	v13 =	vld [tilespmem:s3+$0xFFFFFFD0];
	v8 =	vadd.f32 v8, v3  }
0x61: {  	v22 =	vmov s24;
	v63 =	vunpack.i.l.bf16.f32 v14;
	v23 =	vadd.f32 v16, v11;
	v16 =	vld [tilespmem:s23+$0xFFFFFFC0]  }
0x62: {  	v21 =	vmul.f32 v63, v63;
	v11 =	vsub.bf16 v17, v20;
	v17 =	vld [tilespmem:s3+$0xFFFFFFC0];
	v24 =	vadd.f32 v8, v15  }
0x63: {  	vm0 =	veq.s32 v22, v1;
	v3 =	vimm.f32 $0.0e+00;
	v8 =	vunpack.i.u.bf16.f32 v14  }
0x64: {  	s22 =	simm.s32 $0x1;
	s21 =	simm.s32 $0x2;
	s4 =	simm.s32 $0x3;
	v14 =	vadd.f32 v21, v23;
	v15 =	vmul.f32 v8, v8;
	v8 =	vsub.bf16 v18, v19;
	(xrf2) =	vadd.scan.msk.f32 $0xffff, v24  }
.LBB2_6:
0x65: {  	p0 =	sne.s32 s4, $0xF;
	v18 =	vunpack.i.l.bf16.f32 v11;
	v6 =	vsub.bf16 v6, v7;
	v19 =	vsub.bf16 v4, v5  }
0x66: {  	v20 =	vsub.bf16 v9, v10;
	v4 =	vadd.f32 v14, v15;
	v5 =	vmul.f32 v18, v18  }
0x67: {  	v9 =	vsub.bf16 v12, v13;
	v10 =	vunpack.i.u.bf16.f32 v11;
	v7 =	vsub.bf16 v16, v17;
	v18 =	vld [tilespmem:s23+$0x30]  }
0x68: {  	v10 =	vmul.f32 v10, v10;
	v13 =	vunpack.i.u.bf16.f32 v8;
	v21 =	vld [tilespmem:s3+$0x30];
	v11 =	vadd.f32 v5, v4  }
0x69: {  	v8 =	vunpack.i.l.bf16.f32 v8;
	v12 =	vunpack.i.l.bf16.f32 v6;
	v14 =	vunpack.i.l.bf16.f32 v19;
	v4 =	vld [tilespmem:s23+$0x20]  }
0x6a: {  	v12 =	vmul.f32 v12, v12;
	v5 =	vld [tilespmem:s3+$0x20];
	v10 =	vadd.f32 v11, v10;
	v11 =	vunpack.i.u.bf16.f32 v6  }
0x6b: {  	v15 =	vunpack.i.u.bf16.f32 v7;
	v7 =	vunpack.i.l.bf16.f32 v7;
	v6 =	vld [tilespmem:s23+$0x10];
	v22 =	vmul.f32 v11, v11  }
0x6c: {  	v16 =	vmul.f32 v7, v7;
	v15 =	vmul.f32 v15, v15;
	v7 =	vld [tilespmem:s3+$0x10];
	v10 =	vadd.f32 v12, v10  }
0x6d: {  	v19 =	vunpack.i.u.bf16.f32 v19;
	v14 =	vmul.f32 v14, v14;
	v12 =	vunpack.i.l.bf16.f32 v9;
	v17 =	vld [tilespmem:s23+$0xFFFFFFF0]  }
0x6e: {  	v15 =	vadd.f32 v16, v15;
	v12 =	vmul.f32 v12, v12;
	v16 =	vld [tilespmem:s3+$0xFFFFFFF0];
	v10 =	vadd.f32 v10, v22;
	v11, _, _ =	vpop (xrf2)  }
0x6f: {  	v19 =	vmul.f32 v19, v19;
	v9 =	vunpack.i.u.bf16.f32 v9;
	v22 =	vld [tilespmem:s23+$0x0];
	v11 =	vbroadcast v11, $0xF  }
0x70: {  	v12 =	vadd.f32 v12, v15;
	v15 =	vmul.f32 v9, v9;
	s23 =	sadd.s32 $0x80, s23;
	v23 =	vld [tilespmem:s3+$0x0];
	v14 =	vadd.f32 v14, v10  }
0x71: {  	v24 =	vunpack.i.l.bf16.f32 v20;
	v8 =	vmul.f32 v8, v8;
	s3 =	sadd.s32 $0x80, s3;
	v9 =	vld [tilespmem:s23+$0xFFFFFFE0];
	v3 =	vsel vm0, v11, v3  }
0x72: {  	v11 =	vadd.f32 v12, v15;
	v15 =	vmul.f32 v24, v24;
	v10 =	vld [tilespmem:s3+$0xFFFFFFE0];
	v14 =	vadd.f32 v14, v19  }
0x73: {  	v24 =	vmul.f32 v13, v13;
	v19 =	vunpack.i.u.bf16.f32 v20;
	v12 =	vld [tilespmem:s23+$0xFFFFFFD0];
	v20 =	vsub.bf16 v17, v16  }
.Ltmp1:
0x74: {  	v11 =	vadd.f32 v15, v11;
	v15 =	vmul.f32 v19, v19;
	v13 =	vld [tilespmem:s3+$0xFFFFFFD0];
	v8 =	vadd.f32 v8, v14;
	(pc) =	sbr.rel @p0 .LBB2_6-.Ltmp1, $4  }
0x75: {  	v19 =	vmov s22;
	s22 =	smov.u32 s21;
	s21 =	smov.u32 s4;
	v16 =	vld [tilespmem:s23+$0xFFFFFFC0];
	v14 =	vunpack.i.l.bf16.f32 v20  }
0x76: {  	v15 =	vadd.f32 v11, v15;
	v17 =	vld [tilespmem:s3+$0xFFFFFFC0];
	v14 =	vmul.f32 v14, v14;
	v24 =	vadd.f32 v8, v24  }
0x77: {  	vm0 =	veq.s32 v19, v1;
	v11 =	vsub.bf16 v22, v23;
	v8 =	vunpack.i.u.bf16.f32 v20  }
0x78: {  	s4 =	sadd.s32 $0x1, s4;
	v14 =	vadd.f32 v14, v15;
	v15 =	vmul.f32 v8, v8;
	v8 =	vsub.bf16 v18, v21;
	(xrf2) =	vadd.scan.msk.f32 $0xffff, v24  }
0x79: {  	_ =	sdelay $0x1  }
0x7a: {  	v16 =	vsub.bf16 v16, v17;
	_ =	sdelay $0x1  }
0x7b: {  	v12 =	vsub.bf16 v12, v13;
	v21 =	vunpack.i.u.bf16.f32 v16;
	v16 =	vunpack.i.l.bf16.f32 v16  }
0x7c: {  	v16 =	vmul.f32 v16, v16;
	v13 =	vmul.f32 v21, v21  }
0x7d: {  	v18 =	vld [tilespmem:s23+$0xFFFFFFF0];
	v22 =	vunpack.i.l.bf16.f32 v12  }
0x7e: {  	v24 =	vld [tilespmem:s3+$0xFFFFFFF0];
	v23 =	vmul.f32 v22, v22;
	v13 =	vadd.f32 v16, v13  }
0x7f: {  	v9 =	vsub.bf16 v9, v10;
	v25 =	vunpack.i.u.bf16.f32 v12  }
0x80: {  	v10 =	vmul.f32 v25, v25;
	v26 =	vadd.f32 v23, v13  }
0x81: {  	v27 =	vld [tilespmem:s23+$0x0];
	v28 =	vunpack.i.l.bf16.f32 v9  }
0x82: {  	v19 =	vld [tilespmem:s3+$0x0];
	v29 =	vmul.f32 v28, v28;
	v10 =	vadd.f32 v26, v10  }
0x83: {  	v9 =	vunpack.i.u.bf16.f32 v9;
	v30 =	vsub.bf16 v18, v24  }
0x84: {  	v31 =	vunpack.i.l.bf16.f32 v11;
	v9 =	vmul.f32 v9, v9;
	v10 =	vadd.f32 v29, v10  }
0x85: {  	v6 =	vsub.bf16 v6, v7;
	v4 =	vsub.bf16 v4, v5;
	v32 =	vld [tilespmem:s23+$0x10];
	v33 =	vunpack.i.l.bf16.f32 v30  }
0x86: {  	v35 =	vld [tilespmem:s3+$0x10];
	v38 =	vunpack.i.u.bf16.f32 v11;
	v7 =	vmul.f32 v33, v33;
	v9 =	vadd.f32 v10, v9  }
0x87: {  	v34 =	vadd.f32 v14, v15;
	v37 =	vunpack.i.u.bf16.f32 v30;
	v13 =	vsub.bf16 v27, v19  }
0x88: {  	v36 =	vmul.f32 v31, v31;
	v39 =	vmul.f32 v37, v37;
	v7 =	vadd.f32 v7, v9  }
0x89: {  	v40 =	vld [tilespmem:s23+$0x20];
	v11 =	vmul.f32 v38, v38;
	v42 =	vunpack.i.l.bf16.f32 v6;
	v41 =	vunpack.i.l.bf16.f32 v13  }
0x8a: {  	v43 =	vld [tilespmem:s3+$0x20];
	v45 =	vunpack.i.l.bf16.f32 v4;
	v44 =	vmul.f32 v41, v41;
	v7 =	vadd.f32 v7, v39  }
0x8b: {  	v5 =	vsub.bf16 v32, v35;
	v13 =	vunpack.i.u.bf16.f32 v13;
	v10 =	vadd.f32 v36, v34  }
0x8c: {  	v6 =	vunpack.i.u.bf16.f32 v6;
	v46 =	vmul.f32 v13, v13;
	v7 =	vadd.f32 v44, v7  }
0x8d: {  	v47 =	vld [tilespmem:s23+$0x30];
	v48 =	vmul.f32 v42, v42;
	v14 =	vunpack.i.l.bf16.f32 v5;
	v10 =	vadd.f32 v10, v11  }
0x8e: {  	v49 =	vld [tilespmem:s3+$0x30];
	v6 =	vmul.f32 v6, v6;
	v50 =	vmul.f32 v14, v14;
	v7 =	vadd.f32 v7, v46  }
0x8f: {  	v12 =	vsub.bf16 v40, v43;
	v5 =	vunpack.i.u.bf16.f32 v5;
	v10 =	vadd.f32 v48, v10  }
0x90: {  	v4 =	vunpack.i.u.bf16.f32 v4;
	v5 =	vmul.f32 v5, v5;
	v7 =	vadd.f32 v50, v7  }
0x91: {  	v51 =	vmul.f32 v45, v45;
	v52 =	vunpack.i.l.bf16.f32 v12;
	v6 =	vadd.f32 v10, v6  }
0x92: {  	v4 =	vmul.f32 v4, v4;
	v10 =	vmul.f32 v52, v52;
	v5 =	vadd.f32 v7, v5  }
0x93: {  	v53 =	vsub.bf16 v47, v49;
	v54 =	vunpack.i.u.bf16.f32 v12;
	v6 =	vadd.f32 v51, v6  }
0x94: {  	v55 =	vunpack.i.l.bf16.f32 v8;
	v9 =	vmul.f32 v54, v54;
	v5 =	vadd.f32 v10, v5  }
0x95: {  	v56 =	vmul.f32 v55, v55;
	v57 =	vunpack.i.l.bf16.f32 v53;
	v4 =	vadd.f32 v6, v4  }
0x96: {  	v58 =	vunpack.i.u.bf16.f32 v8;
	v6 =	vmul.f32 v57, v57;
	v5 =	vadd.f32 v5, v9  }
0x97: {  	v8 =	vmul.f32 v58, v58;
	v4 =	vadd.f32 v56, v4;
	v7 =	vunpack.i.u.bf16.f32 v53  }
0x98: {  	v7 =	vmul.f32 v7, v7;
	v5 =	vadd.f32 v6, v5  }
0x99: {  	v4 =	vadd.f32 v4, v8  }
0x9a: {  	v5 =	vadd.f32 v5, v7  }
0x9b: {  	(xrf2) =	vadd.scan.msk.f32 $0xffff, v4  }
0x9c: {  	(xrf2) =	vadd.scan.msk.f32 $0xffff, v5;
	_ =	sdelay $0x7  }
0x9d: {  	s24 =	sshll.u32 s16, $0x4;
	s16 =	sadd.s32 $0x1, s16;
	v59, _, _ =	vpop (xrf2)  }
0x9e: {  	p0 =	sne.s32 s16, $0x8;
	v4 =	vbroadcast v59, $0xF;
	v60, _, _ =	vpop (xrf2)  }
.Ltmp2:
0x9f: {  	v61 =	vmov s22;
	v63 =	vmov s21;
	v5 =	vbroadcast v60, $0xF;
	v62, _, _ =	vpop (xrf2);
	(pc) =	sbr.rel @p0 .LBB2_5-.Ltmp2, $4  }
0xa0: {  	vm14 =	veq.s32 v61, v1;
	v3 =	vsel vm0, v4, v3;
	v6 =	vbroadcast v62, $0xF  }
0xa1: {  	vm15 =	veq.s32 v63, v1;
	v3 =	vsel vm14, v5, v3  }
0xa2: {  	s3 =	sand.u32 $0x3FFFFFF0, s24;
	v3 =	vsel vm15, v6, v3  }
0xa3: {  	s1 =	sadd.s32 $0x800, s1;
	s2 =	sadd.s32 $0x800, s2;
	[tilespmem:s3+$0x10200] =	vst v3  }
0xa4: {  	v3 =	vld [tilespmem:$0x80];
	_ =	sdelay $0x2  }
0xa5: {  	v4 =	vld [tilespmem:$0x10200];
	_ =	sdelay $0x4  }
0xa6: {  	[tilespmem:v3+s28+$0x0] =	vst.idx.add.f32.msk $0xffff, v4  }
0xa7: {  	[tilespmem:v3+s29+$0x0] =	vst.idx.add.f32.msk $0xffff, v2  }
0xa8: {  	v3 =	vld [tilespmem:$0x90];
	_ =	sdelay $0x2  }
0xa9: {  	v4 =	vld [tilespmem:$0x10210];
	_ =	sdelay $0x4  }
0xaa: {  	[tilespmem:v3+s28+$0x0] =	vst.idx.add.f32.msk $0xffff, v4  }
0xab: {  	[tilespmem:v3+s29+$0x0] =	vst.idx.add.f32.msk $0xffff, v2  }
0xac: {  	v3 =	vld [tilespmem:$0xA0];
	_ =	sdelay $0x2  }
0xad: {  	v4 =	vld [tilespmem:$0x10220];
	_ =	sdelay $0x4  }
0xae: {  	[tilespmem:v3+s28+$0x0] =	vst.idx.add.f32.msk $0xffff, v4  }
0xaf: {  	[tilespmem:v3+s29+$0x0] =	vst.idx.add.f32.msk $0xffff, v2  }
0xb0: {  	v3 =	vld [tilespmem:$0xB0];
	_ =	sdelay $0x2  }
0xb1: {  	v4 =	vld [tilespmem:$0x10230];
	_ =	sdelay $0x4  }
0xb2: {  	[tilespmem:v3+s28+$0x0] =	vst.idx.add.f32.msk $0xffff, v4  }
0xb3: {  	[tilespmem:v3+s29+$0x0] =	vst.idx.add.f32.msk $0xffff, v2  }
0xb4: {  	v3 =	vld [tilespmem:$0xC0];
	_ =	sdelay $0x2  }
0xb5: {  	v4 =	vld [tilespmem:$0x10240];
	_ =	sdelay $0x4  }
0xb6: {  	[tilespmem:v3+s28+$0x0] =	vst.idx.add.f32.msk $0xffff, v4  }
0xb7: {  	[tilespmem:v3+s29+$0x0] =	vst.idx.add.f32.msk $0xffff, v2  }
0xb8: {  	v3 =	vld [tilespmem:$0xD0];
	_ =	sdelay $0x2  }
0xb9: {  	v4 =	vld [tilespmem:$0x10250];
	_ =	sdelay $0x4  }
0xba: {  	[tilespmem:v3+s28+$0x0] =	vst.idx.add.f32.msk $0xffff, v4  }
0xbb: {  	[tilespmem:v3+s29+$0x0] =	vst.idx.add.f32.msk $0xffff, v2  }
0xbc: {  	v3 =	vld [tilespmem:$0xE0];
	_ =	sdelay $0x2  }
0xbd: {  	v4 =	vld [tilespmem:$0x10260];
	_ =	sdelay $0x4  }
0xbe: {  	[tilespmem:v3+s28+$0x0] =	vst.idx.add.f32.msk $0xffff, v4  }
0xbf: {  	[tilespmem:v3+s29+$0x0] =	vst.idx.add.f32.msk $0xffff, v2  }
0xc0: {  	v3 =	vld [tilespmem:$0xF0];
	_ =	sdelay $0x2  }
0xc1: {  	v4 =	vld [tilespmem:$0x10270];
	_ =	sdelay $0x4  }
0xc2: {  	[tilespmem:v3+s28+$0x0] =	vst.idx.add.f32.msk $0xffff, v4  }
0xc3: {  	[tilespmem:v3+s29+$0x0] =	vst.idx.add.f32.msk $0xffff, v2  }
0xc4: {  	_ =	swait.ge [sflag:s30], $0x4000  }
0xc5: {  	[sflag:s30] =	ssyncset.done $0x0  }
0xc6: {  	[sflag:s30] =	ssyncadd.s32 $0xFFFFC000  }
0xc7: {  	_ =	swait.ge [sflag:s31], $0x4000  }
0xc8: {  	s1 =	simm.s32 $0x0;
	s2 =	simm.s32 $0x8240;
	[sflag:s31] =	ssyncset.done $0x0  }
0xc9: {  	s16 =	simm.s32 $0xC240;
	s21 =	simm.s32 $0x0;
	[sflag:s31] =	ssyncadd.s32 $0xFFFFC000  }
.LBB2_9:
0xca: {  	v3 =	vld [tilespmem:s2+$0xFFFFFFC0]  }
0xcb: {  	v4 =	vld [tilespmem:s16+$0xFFFFFFC0]  }
0xcc: {  	v5 =	vld [tilespmem:s2+$0xFFFFFFD0]  }
0xcd: {  	v6 =	vld [tilespmem:s16+$0xFFFFFFD0]  }
0xce: {  	v7 =	vld [tilespmem:s2+$0xFFFFFFE0]  }
0xcf: {  	v8 =	vld [tilespmem:s16+$0xFFFFFFE0]  }
0xd0: {  	v9 =	vld [tilespmem:s16+$0x30];
	v3 =	vsub.bf16 v3, v4  }
0xd1: {  	v11 =	vld [tilespmem:s16+$0x20]  }
0xd2: {  	v13 =	vld [tilespmem:s2+$0xFFFFFFF0];
	v5 =	vsub.bf16 v5, v6;
	v10 =	vunpack.i.u.bf16.f32 v3;
	v3 =	vunpack.i.l.bf16.f32 v3  }
0xd3: {  	v14 =	vld [tilespmem:s16+$0x10];
	v3 =	vmul.f32 v3, v3;
	v10 =	vmul.f32 v10, v10  }
0xd4: {  	v16 =	vld [tilespmem:s16+$0x0];
	v12 =	vunpack.i.l.bf16.f32 v5  }
0xd5: {  	s3 =	sadd.s32 $0x80, s2;
	v3 =	vadd.f32 v3, v10;
	v10 =	vmul.f32 v12, v12;
	v12 =	vld [tilespmem:s16+$0xFFFFFFF0]  }
0xd6: {  	v18 =	vld [tilespmem:s3+$0xFFFFFFC0];
	v7 =	vsub.bf16 v7, v8;
	v5 =	vunpack.i.u.bf16.f32 v5  }
0xd7: {  	v4 =	vld [tilespmem:s2+$0x30];
	v5 =	vmul.f32 v5, v5;
	v3 =	vadd.f32 v10, v3  }
0xd8: {  	v6 =	vld [tilespmem:s2+$0x20];
	v15 =	vunpack.i.l.bf16.f32 v7  }
0xd9: {  	v10 =	vld [tilespmem:s2+$0x0];
	v3 =	vadd.f32 v3, v5;
	v5 =	vmul.f32 v15, v15  }
0xda: {  	v8 =	vld [tilespmem:s2+$0x10];
	v7 =	vunpack.i.u.bf16.f32 v7;
	v12 =	vsub.bf16 v13, v12  }
0xdb: {  	s4 =	sadd.s32 $0x80, s16;
	v15 =	vld [tilespmem:s3+$0xFFFFFFE0];
	v3 =	vadd.f32 v5, v3;
	v5 =	vmul.f32 v7, v7  }
0xdc: {  	v13 =	vld [tilespmem:s4+$0xFFFFFFE0];
	v17 =	vunpack.i.l.bf16.f32 v12  }
0xdd: {  	v3 =	vadd.f32 v3, v5;
	v5 =	vmul.f32 v17, v17;
	v17 =	vld [tilespmem:s4+$0xFFFFFFC0]  }
0xde: {  	v7 =	vld [tilespmem:s3+$0xFFFFFFD0];
	v12 =	vunpack.i.u.bf16.f32 v12;
	v10 =	vsub.bf16 v10, v16  }
0xdf: {  	v9 =	vsub.bf16 v4, v9;
	v16 =	vld [tilespmem:s4+$0xFFFFFFD0];
	v3 =	vadd.f32 v5, v3;
	v5 =	vmul.f32 v12, v12  }
0xe0: {  	v8 =	vsub.bf16 v8, v14;
	v6 =	vsub.bf16 v6, v11;
	v4 =	vunpack.i.l.bf16.f32 v10  }
0xe1: {  	v4 =	vmul.f32 v4, v4;
	v11 =	vsub.bf16 v15, v13;
	v3 =	vadd.f32 v3, v5  }
0xe2: {  	v19 =	vld [tilespmem:s4+$0x30];
	v12 =	vunpack.i.l.bf16.f32 v6;
	v5 =	vunpack.i.u.bf16.f32 v10;
	v10 =	vsub.bf16 v18, v17  }
0xe3: {  	v20 =	vld [tilespmem:s4+$0x0];
	v3 =	vadd.f32 v4, v3;
	v4 =	vmul.f32 v5, v5;
	v5 =	vunpack.i.l.bf16.f32 v8  }
0xe4: {  	v15 =	vld [tilespmem:s3+$0xFFFFFFF0];
	v7 =	vsub.bf16 v7, v16;
	v16 =	vunpack.i.u.bf16.f32 v6;
	v13 =	vmul.f32 v5, v5  }
0xe5: {  	v6 =	vld [tilespmem:s3+$0x10];
	v14 =	vunpack.i.u.bf16.f32 v10;
	v10 =	vunpack.i.l.bf16.f32 v10;
	v3 =	vadd.f32 v3, v4  }
0xe6: {  	v18 =	vld [tilespmem:s3+$0x30];
	v8 =	vunpack.i.u.bf16.f32 v8;
	v10 =	vmul.f32 v10, v10;
	v14 =	vmul.f32 v14, v14  }
0xe7: {  	v8 =	vmul.f32 v8, v8;
	v5 =	vld [tilespmem:s4+$0x20];
	v3 =	vadd.f32 v13, v3;
	v13 =	vunpack.i.l.bf16.f32 v7  }
0xe8: {  	v12 =	vmul.f32 v12, v12;
	v10 =	vadd.f32 v10, v14;
	v14 =	vld [tilespmem:s4+$0xFFFFFFF0];
	v13 =	vmul.f32 v13, v13  }
0xe9: {  	v16 =	vmul.f32 v16, v16;
	v17 =	vunpack.i.u.bf16.f32 v7;
	v4 =	vld [tilespmem:s3+$0x20];
	v3 =	vadd.f32 v3, v8  }
0xea: {  	v7 =	vld [tilespmem:s4+$0x10];
	v8 =	vunpack.i.l.bf16.f32 v9;
	v10 =	vadd.f32 v13, v10;
	v13 =	vmul.f32 v17, v17  }
0xeb: {  	v17 =	vld [tilespmem:s3+$0x0];
	s3 =	sadd.s32 $0x80, s3;
	v3 =	vadd.f32 v12, v3;
	v12 =	vunpack.i.u.bf16.f32 v9;
	v9 =	vunpack.i.l.bf16.f32 v11  }
0xec: {  	s4 =	sadd.s32 $0x80, s4;
	v8 =	vmul.f32 v8, v8;
	v13 =	vadd.f32 v10, v13;
	v21 =	vmul.f32 v9, v9;
	v9 =	vld [tilespmem:s3+$0xFFFFFFE0]  }
0xed: {  	v11 =	vunpack.i.u.bf16.f32 v11;
	v14 =	vsub.bf16 v15, v14;
	v10 =	vld [tilespmem:s4+$0xFFFFFFE0];
	v3 =	vadd.f32 v3, v16  }
0xee: {  	v15 =	vmul.f32 v12, v12;
	v11 =	vmul.f32 v11, v11;
	v12 =	vld [tilespmem:s3+$0xFFFFFFD0];
	v16 =	vadd.f32 v21, v13  }
0xef: {  	v13 =	vld [tilespmem:s4+$0xFFFFFFD0];
	v8 =	vadd.f32 v8, v3  }
0xf0: {  	v22 =	vmov s1;
	v63 =	vunpack.i.l.bf16.f32 v14;
	v23 =	vadd.f32 v16, v11;
	v16 =	vld [tilespmem:s3+$0xFFFFFFC0]  }
0xf1: {  	v21 =	vmul.f32 v63, v63;
	v11 =	vsub.bf16 v17, v20;
	v17 =	vld [tilespmem:s4+$0xFFFFFFC0];
	v24 =	vadd.f32 v8, v15  }
0xf2: {  	vm0 =	veq.s32 v22, v1;
	v3 =	vimm.f32 $0.0e+00;
	v8 =	vunpack.i.u.bf16.f32 v14  }
0xf3: {  	s23 =	simm.s32 $0x1;
	s22 =	simm.s32 $0x2;
	s24 =	simm.s32 $0x3;
	v14 =	vadd.f32 v21, v23;
	v15 =	vmul.f32 v8, v8;
	v8 =	vsub.bf16 v18, v19;
	(xrf2) =	vadd.scan.msk.f32 $0xffff, v24  }
.LBB2_10:
0xf4: {  	p0 =	sne.s32 s24, $0xF;
	v18 =	vunpack.i.l.bf16.f32 v11;
	v6 =	vsub.bf16 v6, v7;
	v19 =	vsub.bf16 v4, v5  }
0xf5: {  	v20 =	vsub.bf16 v9, v10;
	v4 =	vadd.f32 v14, v15;
	v5 =	vmul.f32 v18, v18  }
0xf6: {  	v9 =	vsub.bf16 v12, v13;
	v10 =	vunpack.i.u.bf16.f32 v11;
	v7 =	vsub.bf16 v16, v17;
	v18 =	vld [tilespmem:s3+$0x30]  }
0xf7: {  	v10 =	vmul.f32 v10, v10;
	v13 =	vunpack.i.u.bf16.f32 v8;
	v21 =	vld [tilespmem:s4+$0x30];
	v11 =	vadd.f32 v5, v4  }
0xf8: {  	v8 =	vunpack.i.l.bf16.f32 v8;
	v12 =	vunpack.i.l.bf16.f32 v6;
	v14 =	vunpack.i.l.bf16.f32 v19;
	v4 =	vld [tilespmem:s3+$0x20]  }
0xf9: {  	v12 =	vmul.f32 v12, v12;
	v5 =	vld [tilespmem:s4+$0x20];
	v10 =	vadd.f32 v11, v10;
	v11 =	vunpack.i.u.bf16.f32 v6  }
0xfa: {  	v15 =	vunpack.i.u.bf16.f32 v7;
	v7 =	vunpack.i.l.bf16.f32 v7;
	v6 =	vld [tilespmem:s3+$0x10];
	v22 =	vmul.f32 v11, v11  }
0xfb: {  	v16 =	vmul.f32 v7, v7;
	v15 =	vmul.f32 v15, v15;
	v7 =	vld [tilespmem:s4+$0x10];
	v10 =	vadd.f32 v12, v10  }
0xfc: {  	v19 =	vunpack.i.u.bf16.f32 v19;
	v14 =	vmul.f32 v14, v14;
	v12 =	vunpack.i.l.bf16.f32 v9;
	v17 =	vld [tilespmem:s3+$0xFFFFFFF0]  }
0xfd: {  	v15 =	vadd.f32 v16, v15;
	v12 =	vmul.f32 v12, v12;
	v16 =	vld [tilespmem:s4+$0xFFFFFFF0];
	v10 =	vadd.f32 v10, v22;
	v11, _, _ =	vpop (xrf2)  }
0xfe: {  	v19 =	vmul.f32 v19, v19;
	v9 =	vunpack.i.u.bf16.f32 v9;
	v22 =	vld [tilespmem:s3+$0x0];
	v11 =	vbroadcast v11, $0xF  }
0xff: {  	v12 =	vadd.f32 v12, v15;
	v15 =	vmul.f32 v9, v9;
	s3 =	sadd.s32 $0x80, s3;
	v23 =	vld [tilespmem:s4+$0x0];
	v14 =	vadd.f32 v14, v10  }
0x100: {  	v24 =	vunpack.i.l.bf16.f32 v20;
	v8 =	vmul.f32 v8, v8;
	s4 =	sadd.s32 $0x80, s4;
	v9 =	vld [tilespmem:s3+$0xFFFFFFE0];
	v3 =	vsel vm0, v11, v3  }
0x101: {  	v11 =	vadd.f32 v12, v15;
	v15 =	vmul.f32 v24, v24;
	v10 =	vld [tilespmem:s4+$0xFFFFFFE0];
	v14 =	vadd.f32 v14, v19  }
0x102: {  	v24 =	vmul.f32 v13, v13;
	v19 =	vunpack.i.u.bf16.f32 v20;
	v12 =	vld [tilespmem:s3+$0xFFFFFFD0];
	v20 =	vsub.bf16 v17, v16  }
.Ltmp3:
0x103: {  	v11 =	vadd.f32 v15, v11;
	v15 =	vmul.f32 v19, v19;
	v13 =	vld [tilespmem:s4+$0xFFFFFFD0];
	v8 =	vadd.f32 v8, v14;
	(pc) =	sbr.rel @p0 .LBB2_10-.Ltmp3, $4  }
0x104: {  	v19 =	vmov s23;
	s23 =	smov.u32 s22;
	s22 =	smov.u32 s24;
	v16 =	vld [tilespmem:s3+$0xFFFFFFC0];
	v14 =	vunpack.i.l.bf16.f32 v20  }
0x105: {  	v15 =	vadd.f32 v11, v15;
	v17 =	vld [tilespmem:s4+$0xFFFFFFC0];
	v14 =	vmul.f32 v14, v14;
	v24 =	vadd.f32 v8, v24  }
0x106: {  	vm0 =	veq.s32 v19, v1;
	v11 =	vsub.bf16 v22, v23;
	v8 =	vunpack.i.u.bf16.f32 v20  }
0x107: {  	s24 =	sadd.s32 $0x1, s24;
	v14 =	vadd.f32 v14, v15;
	v15 =	vmul.f32 v8, v8;
	v8 =	vsub.bf16 v18, v21;
	(xrf2) =	vadd.scan.msk.f32 $0xffff, v24  }
0x108: {  	_ =	sdelay $0x1  }
0x109: {  	v16 =	vsub.bf16 v16, v17;
	_ =	sdelay $0x1  }
0x10a: {  	v12 =	vsub.bf16 v12, v13;
	v21 =	vunpack.i.u.bf16.f32 v16;
	v16 =	vunpack.i.l.bf16.f32 v16  }
0x10b: {  	v16 =	vmul.f32 v16, v16;
	v13 =	vmul.f32 v21, v21  }
0x10c: {  	v18 =	vld [tilespmem:s3+$0xFFFFFFF0];
	v22 =	vunpack.i.l.bf16.f32 v12  }
0x10d: {  	v24 =	vld [tilespmem:s4+$0xFFFFFFF0];
	v23 =	vmul.f32 v22, v22;
	v13 =	vadd.f32 v16, v13  }
0x10e: {  	v9 =	vsub.bf16 v9, v10;
	v25 =	vunpack.i.u.bf16.f32 v12  }
0x10f: {  	v10 =	vmul.f32 v25, v25;
	v26 =	vadd.f32 v23, v13  }
0x110: {  	v27 =	vld [tilespmem:s3+$0x0];
	v28 =	vunpack.i.l.bf16.f32 v9  }
0x111: {  	v19 =	vld [tilespmem:s4+$0x0];
	v29 =	vmul.f32 v28, v28;
	v10 =	vadd.f32 v26, v10  }
0x112: {  	v9 =	vunpack.i.u.bf16.f32 v9;
	v30 =	vsub.bf16 v18, v24  }
0x113: {  	v31 =	vunpack.i.l.bf16.f32 v11;
	v9 =	vmul.f32 v9, v9;
	v10 =	vadd.f32 v29, v10  }
0x114: {  	v6 =	vsub.bf16 v6, v7;
	v4 =	vsub.bf16 v4, v5;
	v32 =	vld [tilespmem:s3+$0x10];
	v33 =	vunpack.i.l.bf16.f32 v30  }
0x115: {  	v35 =	vld [tilespmem:s4+$0x10];
	v38 =	vunpack.i.u.bf16.f32 v11;
	v7 =	vmul.f32 v33, v33;
	v9 =	vadd.f32 v10, v9  }
0x116: {  	v34 =	vadd.f32 v14, v15;
	v37 =	vunpack.i.u.bf16.f32 v30;
	v13 =	vsub.bf16 v27, v19  }
0x117: {  	v36 =	vmul.f32 v31, v31;
	v39 =	vmul.f32 v37, v37;
	v7 =	vadd.f32 v7, v9  }
0x118: {  	v40 =	vld [tilespmem:s3+$0x20];
	v11 =	vmul.f32 v38, v38;
	v42 =	vunpack.i.l.bf16.f32 v6;
	v41 =	vunpack.i.l.bf16.f32 v13  }
0x119: {  	v43 =	vld [tilespmem:s4+$0x20];
	v45 =	vunpack.i.l.bf16.f32 v4;
	v44 =	vmul.f32 v41, v41;
	v7 =	vadd.f32 v7, v39  }
0x11a: {  	v5 =	vsub.bf16 v32, v35;
	v13 =	vunpack.i.u.bf16.f32 v13;
	v10 =	vadd.f32 v36, v34  }
0x11b: {  	v6 =	vunpack.i.u.bf16.f32 v6;
	v46 =	vmul.f32 v13, v13;
	v7 =	vadd.f32 v44, v7  }
0x11c: {  	v47 =	vld [tilespmem:s3+$0x30];
	v48 =	vmul.f32 v42, v42;
	v14 =	vunpack.i.l.bf16.f32 v5;
	v10 =	vadd.f32 v10, v11  }
0x11d: {  	v49 =	vld [tilespmem:s4+$0x30];
	v6 =	vmul.f32 v6, v6;
	v50 =	vmul.f32 v14, v14;
	v7 =	vadd.f32 v7, v46  }
0x11e: {  	v12 =	vsub.bf16 v40, v43;
	v5 =	vunpack.i.u.bf16.f32 v5;
	v10 =	vadd.f32 v48, v10  }
0x11f: {  	v4 =	vunpack.i.u.bf16.f32 v4;
	v5 =	vmul.f32 v5, v5;
	v7 =	vadd.f32 v50, v7  }
0x120: {  	v51 =	vmul.f32 v45, v45;
	v52 =	vunpack.i.l.bf16.f32 v12;
	v6 =	vadd.f32 v10, v6  }
0x121: {  	v4 =	vmul.f32 v4, v4;
	v10 =	vmul.f32 v52, v52;
	v5 =	vadd.f32 v7, v5  }
0x122: {  	v53 =	vsub.bf16 v47, v49;
	v54 =	vunpack.i.u.bf16.f32 v12;
	v6 =	vadd.f32 v51, v6  }
0x123: {  	v55 =	vunpack.i.l.bf16.f32 v8;
	v9 =	vmul.f32 v54, v54;
	v5 =	vadd.f32 v10, v5  }
0x124: {  	v56 =	vmul.f32 v55, v55;
	v57 =	vunpack.i.l.bf16.f32 v53;
	v4 =	vadd.f32 v6, v4  }
0x125: {  	v58 =	vunpack.i.u.bf16.f32 v8;
	v6 =	vmul.f32 v57, v57;
	v5 =	vadd.f32 v5, v9  }
0x126: {  	v8 =	vmul.f32 v58, v58;
	v4 =	vadd.f32 v56, v4;
	v7 =	vunpack.i.u.bf16.f32 v53  }
0x127: {  	v7 =	vmul.f32 v7, v7;
	v5 =	vadd.f32 v6, v5  }
0x128: {  	v4 =	vadd.f32 v4, v8  }
0x129: {  	v5 =	vadd.f32 v5, v7  }
0x12a: {  	(xrf2) =	vadd.scan.msk.f32 $0xffff, v4  }
0x12b: {  	(xrf2) =	vadd.scan.msk.f32 $0xffff, v5;
	_ =	sdelay $0x7  }
0x12c: {  	s24 =	sshll.u32 s21, $0x4;
	s21 =	sadd.s32 $0x1, s21;
	v59, _, _ =	vpop (xrf2)  }
0x12d: {  	p0 =	sne.s32 s21, $0x8;
	v4 =	vbroadcast v59, $0xF;
	v60, _, _ =	vpop (xrf2)  }
.Ltmp4:
0x12e: {  	v61 =	vmov s23;
	v63 =	vmov s22;
	v5 =	vbroadcast v60, $0xF;
	v62, _, _ =	vpop (xrf2);
	(pc) =	sbr.rel @p0 .LBB2_9-.Ltmp4, $4  }
0x12f: {  	vm14 =	veq.s32 v61, v1;
	v3 =	vsel vm0, v4, v3;
	v6 =	vbroadcast v62, $0xF  }
0x130: {  	vm15 =	veq.s32 v63, v1;
	v3 =	vsel vm14, v5, v3  }
0x131: {  	s3 =	sand.u32 $0x3FFFFFF0, s24;
	v3 =	vsel vm15, v6, v3  }
0x132: {  	s2 =	sadd.s32 $0x800, s2;
	s16 =	sadd.s32 $0x800, s16;
	[tilespmem:s3+$0x10200] =	vst v3  }
0x133: {  	v3 =	vld [tilespmem:$0x180];
	_ =	sdelay $0x2  }
0x134: {  	v4 =	vld [tilespmem:$0x10200];
	_ =	sdelay $0x4  }
0x135: {  	[tilespmem:v3+s28+$0x0] =	vst.idx.add.f32.msk $0xffff, v4  }
0x136: {  	[tilespmem:v3+s29+$0x0] =	vst.idx.add.f32.msk $0xffff, v2  }
0x137: {  	v3 =	vld [tilespmem:$0x190];
	_ =	sdelay $0x2  }
0x138: {  	v4 =	vld [tilespmem:$0x10210];
	_ =	sdelay $0x4  }
0x139: {  	[tilespmem:v3+s28+$0x0] =	vst.idx.add.f32.msk $0xffff, v4  }
0x13a: {  	[tilespmem:v3+s29+$0x0] =	vst.idx.add.f32.msk $0xffff, v2  }
0x13b: {  	v3 =	vld [tilespmem:$0x1A0];
	_ =	sdelay $0x2  }
0x13c: {  	v4 =	vld [tilespmem:$0x10220];
	_ =	sdelay $0x4  }
0x13d: {  	[tilespmem:v3+s28+$0x0] =	vst.idx.add.f32.msk $0xffff, v4  }
0x13e: {  	[tilespmem:v3+s29+$0x0] =	vst.idx.add.f32.msk $0xffff, v2  }
0x13f: {  	v3 =	vld [tilespmem:$0x1B0];
	_ =	sdelay $0x2  }
0x140: {  	v4 =	vld [tilespmem:$0x10230];
	_ =	sdelay $0x4  }
0x141: {  	[tilespmem:v3+s28+$0x0] =	vst.idx.add.f32.msk $0xffff, v4  }
0x142: {  	[tilespmem:v3+s29+$0x0] =	vst.idx.add.f32.msk $0xffff, v2  }
0x143: {  	v3 =	vld [tilespmem:$0x1C0];
	_ =	sdelay $0x2  }
0x144: {  	v4 =	vld [tilespmem:$0x10240];
	_ =	sdelay $0x4  }
0x145: {  	[tilespmem:v3+s28+$0x0] =	vst.idx.add.f32.msk $0xffff, v4  }
0x146: {  	[tilespmem:v3+s29+$0x0] =	vst.idx.add.f32.msk $0xffff, v2  }
0x147: {  	v3 =	vld [tilespmem:$0x1D0];
	_ =	sdelay $0x2  }
0x148: {  	v4 =	vld [tilespmem:$0x10250];
	_ =	sdelay $0x4  }
0x149: {  	[tilespmem:v3+s28+$0x0] =	vst.idx.add.f32.msk $0xffff, v4  }
0x14a: {  	[tilespmem:v3+s29+$0x0] =	vst.idx.add.f32.msk $0xffff, v2  }
0x14b: {  	v3 =	vld [tilespmem:$0x1E0];
	_ =	sdelay $0x2  }
0x14c: {  	v4 =	vld [tilespmem:$0x10260];
	_ =	sdelay $0x4  }
0x14d: {  	[tilespmem:v3+s28+$0x0] =	vst.idx.add.f32.msk $0xffff, v4  }
0x14e: {  	[tilespmem:v3+s29+$0x0] =	vst.idx.add.f32.msk $0xffff, v2  }
0x14f: {  	v3 =	vld [tilespmem:$0x1F0];
	_ =	sdelay $0x2  }
0x150: {  	s15 =	sadd.s32 $0x1, s15;
	v4 =	vld [tilespmem:$0x10270]  }
0x151: {  	p0 =	sne.s32 s15, $0x14  }
.Ltmp5:
0x152: {  	_ = 	snop;
	(pc) =	sbr.rel @p0 .LBB2_4-.Ltmp5, $3  }
0x153: {  	_ =	sdelay $0x1  }
0x154: {  	[tilespmem:v3+s28+$0x0] =	vst.idx.add.f32.msk $0xffff, v4  }
0x155: {  	s16 =	simm.s32 $0x0;
	[tilespmem:v3+s29+$0x0] =	vst.idx.add.f32.msk $0xffff, v2  }
0x156: {  	s15 =	simm.s32 $0x0  }
.LBB2_14:
0x157: {  	s1 =	sshll.u32 s15, $0x5  }
0x158: {  	s2 =	sadd.s32 s13, s1  }
0x159: {  	s1 =	sand.u32 $0x60, s1;
	s2 =	sand.u32 $0xFF80, s2  }
0x15a: {  	s3 =	rddreg [dreg:$0x4];
	s1 =	sor.u32 s1, s2  }
0x15b: {  	s2 =	sadd.s32 s3, s1  }
0x15c: {  	[tilespmem:s16], [sflag:$0x5] =	stream.linear.gather [hbm4b:s2+s16], $0x80, $0x38;
	[tilespmem:$0x15180] =	vst v63  }
0x15d: {  	_ =	swait.ge [sflag:s17], $0x80  }
0x15e: {  	[sflag:s17] =	ssyncset.done $0x0  }
0x15f: {  	s24 =	sadd.s32 s6, s1;
	[sflag:s17] =	ssyncadd.s32 $0xFFFFFF80  }
0x160: {  	[tilespmem:s18], [sflag:$0x5] =	stream.linear.gather [hbm4b:s24+s16], $0x80, $0x38;
	[tilespmem:$0x15180] =	vst v63  }
0x161: {  	_ =	swait.ge [sflag:s17], $0x80  }
0x162: {  	s14 =	sor.u32 $0x10, s1;
	[sflag:s17] =	ssyncset.done $0x0  }
0x163: {  	s4 =	sadd.s32 s3, s14;
	[sflag:s17] =	ssyncadd.s32 $0xFFFFFF80  }
0x164: {  	[tilespmem:s19], [sflag:$0x5] =	stream.linear.gather [hbm4b:s4+s16], $0x80, $0x38;
	[tilespmem:$0x15180] =	vst v63  }
0x165: {  	_ =	swait.ge [sflag:s17], $0x80  }
0x166: {  	[sflag:s17] =	ssyncset.done $0x0  }
0x167: {  	s5 =	sadd.s32 s6, s14;
	[sflag:s17] =	ssyncadd.s32 $0xFFFFFF80  }
0x168: {  	[tilespmem:s20], [sflag:$0x5] =	stream.linear.gather [hbm4b:s5+s16], $0x80, $0x38;
	[tilespmem:$0x15180] =	vst v63  }
0x169: {  	_ =	swait.ge [sflag:s17], $0x80  }
0x16a: {  	[sflag:s17] =	ssyncset.done $0x0  }
0x16b: {  	s21 =	simm.s32 $0x200;
	[sflag:s17] =	ssyncadd.s32 $0xFFFFFF80  }
0x16c: {  	[tilespmem:s21], [sflag:$0x1] =	stream.indirect.gather [hbm4b:s9+s18], $0x80, s16, s18, $0xb8;
	[tilespmem:$0x15180] =	vst v63  }
0x16d: {  	s22 =	simm.s32 $0x4200  }
0x16e: {  	[tilespmem:s22], [sflag:$0x2] =	stream.indirect.gather [hbm4b:s10+s18], $0x80, s18, s18, $0xb8;
	[tilespmem:$0x15180] =	vst v63  }
0x16f: {  	s23 =	simm.s32 $0x8200  }
0x170: {  	[tilespmem:s23], [sflag:$0x3] =	stream.indirect.gather [hbm4b:s9+s18], $0x80, s19, s18, $0xb8;
	[tilespmem:$0x15180] =	vst v63  }
0x171: {  	s24 =	simm.s32 $0xC200  }
0x172: {  	[tilespmem:s24], [sflag:$0x4] =	stream.indirect.gather [hbm4b:s10+s18], $0x80, s20, s18, $0xb8;
	[tilespmem:$0x15180] =	vst v63  }
0x173: {  	_ =	swait.ge [sflag:s25], $0x4000  }
0x174: {  	[sflag:s25] =	ssyncset.done $0x0  }
0x175: {  	[sflag:s25] =	ssyncadd.s32 $0xFFFFC000  }
0x176: {  	_ =	swait.ge [sflag:s26], $0x4000  }
0x177: {  	s2 =	simm.s32 $0x240;
	[sflag:s26] =	ssyncset.done $0x0  }
0x178: {  	s21 =	simm.s32 $0x4240;
	s22 =	simm.s32 $0x0;
	[sflag:s26] =	ssyncadd.s32 $0xFFFFC000  }
.LBB2_15:
0x179: {  	v3 =	vld [tilespmem:s2+$0xFFFFFFC0]  }
0x17a: {  	v4 =	vld [tilespmem:s21+$0xFFFFFFC0]  }
0x17b: {  	v5 =	vld [tilespmem:s2+$0xFFFFFFD0]  }
0x17c: {  	v6 =	vld [tilespmem:s21+$0xFFFFFFD0]  }
0x17d: {  	v7 =	vld [tilespmem:s2+$0xFFFFFFE0]  }
0x17e: {  	v8 =	vld [tilespmem:s21+$0xFFFFFFE0]  }
0x17f: {  	v9 =	vld [tilespmem:s21+$0x30];
	v3 =	vsub.bf16 v3, v4  }
0x180: {  	v11 =	vld [tilespmem:s21+$0x20]  }
0x181: {  	v13 =	vld [tilespmem:s2+$0xFFFFFFF0];
	v5 =	vsub.bf16 v5, v6;
	v10 =	vunpack.i.u.bf16.f32 v3;
	v3 =	vunpack.i.l.bf16.f32 v3  }
0x182: {  	v14 =	vld [tilespmem:s21+$0x10];
	v3 =	vmul.f32 v3, v3;
	v10 =	vmul.f32 v10, v10  }
0x183: {  	v16 =	vld [tilespmem:s21+$0x0];
	v12 =	vunpack.i.l.bf16.f32 v5  }
0x184: {  	s3 =	sadd.s32 $0x80, s2;
	v3 =	vadd.f32 v3, v10;
	v10 =	vmul.f32 v12, v12;
	v12 =	vld [tilespmem:s21+$0xFFFFFFF0]  }
0x185: {  	v18 =	vld [tilespmem:s3+$0xFFFFFFC0];
	v7 =	vsub.bf16 v7, v8;
	v5 =	vunpack.i.u.bf16.f32 v5  }
0x186: {  	v4 =	vld [tilespmem:s2+$0x30];
	v5 =	vmul.f32 v5, v5;
	v3 =	vadd.f32 v10, v3  }
0x187: {  	v6 =	vld [tilespmem:s2+$0x20];
	v15 =	vunpack.i.l.bf16.f32 v7  }
0x188: {  	v10 =	vld [tilespmem:s2+$0x0];
	v3 =	vadd.f32 v3, v5;
	v5 =	vmul.f32 v15, v15  }
0x189: {  	v8 =	vld [tilespmem:s2+$0x10];
	v7 =	vunpack.i.u.bf16.f32 v7;
	v12 =	vsub.bf16 v13, v12  }
0x18a: {  	s4 =	sadd.s32 $0x80, s21;
	v15 =	vld [tilespmem:s3+$0xFFFFFFE0];
	v3 =	vadd.f32 v5, v3;
	v5 =	vmul.f32 v7, v7  }
0x18b: {  	v13 =	vld [tilespmem:s4+$0xFFFFFFE0];
	v17 =	vunpack.i.l.bf16.f32 v12  }
0x18c: {  	v3 =	vadd.f32 v3, v5;
	v5 =	vmul.f32 v17, v17;
	v17 =	vld [tilespmem:s4+$0xFFFFFFC0]  }
0x18d: {  	v7 =	vld [tilespmem:s3+$0xFFFFFFD0];
	v12 =	vunpack.i.u.bf16.f32 v12;
	v10 =	vsub.bf16 v10, v16  }
0x18e: {  	v9 =	vsub.bf16 v4, v9;
	v16 =	vld [tilespmem:s4+$0xFFFFFFD0];
	v3 =	vadd.f32 v5, v3;
	v5 =	vmul.f32 v12, v12  }
0x18f: {  	v8 =	vsub.bf16 v8, v14;
	v6 =	vsub.bf16 v6, v11;
	v4 =	vunpack.i.l.bf16.f32 v10  }
0x190: {  	v4 =	vmul.f32 v4, v4;
	v11 =	vsub.bf16 v15, v13;
	v3 =	vadd.f32 v3, v5  }
0x191: {  	v19 =	vld [tilespmem:s4+$0x30];
	v12 =	vunpack.i.l.bf16.f32 v6;
	v5 =	vunpack.i.u.bf16.f32 v10;
	v10 =	vsub.bf16 v18, v17  }
0x192: {  	v20 =	vld [tilespmem:s4+$0x0];
	v3 =	vadd.f32 v4, v3;
	v4 =	vmul.f32 v5, v5;
	v5 =	vunpack.i.l.bf16.f32 v8  }
0x193: {  	v15 =	vld [tilespmem:s3+$0xFFFFFFF0];
	v7 =	vsub.bf16 v7, v16;
	v16 =	vunpack.i.u.bf16.f32 v6;
	v13 =	vmul.f32 v5, v5  }
0x194: {  	v6 =	vld [tilespmem:s3+$0x10];
	v14 =	vunpack.i.u.bf16.f32 v10;
	v10 =	vunpack.i.l.bf16.f32 v10;
	v3 =	vadd.f32 v3, v4  }
0x195: {  	v18 =	vld [tilespmem:s3+$0x30];
	v8 =	vunpack.i.u.bf16.f32 v8;
	v10 =	vmul.f32 v10, v10;
	v14 =	vmul.f32 v14, v14  }
0x196: {  	v8 =	vmul.f32 v8, v8;
	v5 =	vld [tilespmem:s4+$0x20];
	v3 =	vadd.f32 v13, v3;
	v13 =	vunpack.i.l.bf16.f32 v7  }
0x197: {  	v12 =	vmul.f32 v12, v12;
	v10 =	vadd.f32 v10, v14;
	v14 =	vld [tilespmem:s4+$0xFFFFFFF0];
	v13 =	vmul.f32 v13, v13  }
0x198: {  	v16 =	vmul.f32 v16, v16;
	v17 =	vunpack.i.u.bf16.f32 v7;
	v4 =	vld [tilespmem:s3+$0x20];
	v3 =	vadd.f32 v3, v8  }
0x199: {  	v7 =	vld [tilespmem:s4+$0x10];
	v8 =	vunpack.i.l.bf16.f32 v9;
	v10 =	vadd.f32 v13, v10;
	v13 =	vmul.f32 v17, v17  }
0x19a: {  	v17 =	vld [tilespmem:s3+$0x0];
	s3 =	sadd.s32 $0x80, s3;
	v3 =	vadd.f32 v12, v3;
	v12 =	vunpack.i.u.bf16.f32 v9;
	v9 =	vunpack.i.l.bf16.f32 v11  }
0x19b: {  	s4 =	sadd.s32 $0x80, s4;
	v8 =	vmul.f32 v8, v8;
	v13 =	vadd.f32 v10, v13;
	v21 =	vmul.f32 v9, v9;
	v9 =	vld [tilespmem:s3+$0xFFFFFFE0]  }
0x19c: {  	v11 =	vunpack.i.u.bf16.f32 v11;
	v14 =	vsub.bf16 v15, v14;
	v10 =	vld [tilespmem:s4+$0xFFFFFFE0];
	v3 =	vadd.f32 v3, v16  }
0x19d: {  	v15 =	vmul.f32 v12, v12;
	v11 =	vmul.f32 v11, v11;
	v12 =	vld [tilespmem:s3+$0xFFFFFFD0];
	v16 =	vadd.f32 v21, v13  }
0x19e: {  	s5 =	simm.s32 $0x0;
	v13 =	vld [tilespmem:s4+$0xFFFFFFD0];
	v8 =	vadd.f32 v8, v3  }
0x19f: {  	v22 =	vmov s5;
	v63 =	vunpack.i.l.bf16.f32 v14;
	v23 =	vadd.f32 v16, v11;
	v16 =	vld [tilespmem:s3+$0xFFFFFFC0]  }
0x1a0: {  	v21 =	vmul.f32 v63, v63;
	v11 =	vsub.bf16 v17, v20;
	v17 =	vld [tilespmem:s4+$0xFFFFFFC0];
	v24 =	vadd.f32 v8, v15  }
0x1a1: {  	vm0 =	veq.s32 v22, v1;
	v3 =	vimm.f32 $0.0e+00;
	v8 =	vunpack.i.u.bf16.f32 v14  }
0x1a2: {  	s24 =	simm.s32 $0x1;
	s23 =	simm.s32 $0x2;
	s5 =	simm.s32 $0x3;
	v14 =	vadd.f32 v21, v23;
	v15 =	vmul.f32 v8, v8;
	v8 =	vsub.bf16 v18, v19;
	(xrf2) =	vadd.scan.msk.f32 $0xffff, v24  }
.LBB2_16:
0x1a3: {  	p0 =	sne.s32 s5, $0xF;
	v18 =	vunpack.i.l.bf16.f32 v11;
	v6 =	vsub.bf16 v6, v7;
	v19 =	vsub.bf16 v4, v5  }
0x1a4: {  	v20 =	vsub.bf16 v9, v10;
	v4 =	vadd.f32 v14, v15;
	v5 =	vmul.f32 v18, v18  }
0x1a5: {  	v9 =	vsub.bf16 v12, v13;
	v10 =	vunpack.i.u.bf16.f32 v11;
	v7 =	vsub.bf16 v16, v17;
	v18 =	vld [tilespmem:s3+$0x30]  }
0x1a6: {  	v10 =	vmul.f32 v10, v10;
	v13 =	vunpack.i.u.bf16.f32 v8;
	v21 =	vld [tilespmem:s4+$0x30];
	v11 =	vadd.f32 v5, v4  }
0x1a7: {  	v8 =	vunpack.i.l.bf16.f32 v8;
	v12 =	vunpack.i.l.bf16.f32 v6;
	v14 =	vunpack.i.l.bf16.f32 v19;
	v4 =	vld [tilespmem:s3+$0x20]  }
0x1a8: {  	v12 =	vmul.f32 v12, v12;
	v5 =	vld [tilespmem:s4+$0x20];
	v10 =	vadd.f32 v11, v10;
	v11 =	vunpack.i.u.bf16.f32 v6  }
0x1a9: {  	v15 =	vunpack.i.u.bf16.f32 v7;
	v7 =	vunpack.i.l.bf16.f32 v7;
	v6 =	vld [tilespmem:s3+$0x10];
	v22 =	vmul.f32 v11, v11  }
0x1aa: {  	v16 =	vmul.f32 v7, v7;
	v15 =	vmul.f32 v15, v15;
	v7 =	vld [tilespmem:s4+$0x10];
	v10 =	vadd.f32 v12, v10  }
0x1ab: {  	v19 =	vunpack.i.u.bf16.f32 v19;
	v14 =	vmul.f32 v14, v14;
	v12 =	vunpack.i.l.bf16.f32 v9;
	v17 =	vld [tilespmem:s3+$0xFFFFFFF0]  }
0x1ac: {  	v15 =	vadd.f32 v16, v15;
	v12 =	vmul.f32 v12, v12;
	v16 =	vld [tilespmem:s4+$0xFFFFFFF0];
	v10 =	vadd.f32 v10, v22;
	v11, _, _ =	vpop (xrf2)  }
0x1ad: {  	v19 =	vmul.f32 v19, v19;
	v9 =	vunpack.i.u.bf16.f32 v9;
	v22 =	vld [tilespmem:s3+$0x0];
	v11 =	vbroadcast v11, $0xF  }
0x1ae: {  	v12 =	vadd.f32 v12, v15;
	v15 =	vmul.f32 v9, v9;
	s3 =	sadd.s32 $0x80, s3;
	v23 =	vld [tilespmem:s4+$0x0];
	v14 =	vadd.f32 v14, v10  }
0x1af: {  	v24 =	vunpack.i.l.bf16.f32 v20;
	v8 =	vmul.f32 v8, v8;
	s4 =	sadd.s32 $0x80, s4;
	v9 =	vld [tilespmem:s3+$0xFFFFFFE0];
	v3 =	vsel vm0, v11, v3  }
0x1b0: {  	v11 =	vadd.f32 v12, v15;
	v15 =	vmul.f32 v24, v24;
	v10 =	vld [tilespmem:s4+$0xFFFFFFE0];
	v14 =	vadd.f32 v14, v19  }
0x1b1: {  	v24 =	vmul.f32 v13, v13;
	v19 =	vunpack.i.u.bf16.f32 v20;
	v12 =	vld [tilespmem:s3+$0xFFFFFFD0];
	v20 =	vsub.bf16 v17, v16  }
.Ltmp6:
0x1b2: {  	v11 =	vadd.f32 v15, v11;
	v15 =	vmul.f32 v19, v19;
	v13 =	vld [tilespmem:s4+$0xFFFFFFD0];
	v8 =	vadd.f32 v8, v14;
	(pc) =	sbr.rel @p0 .LBB2_16-.Ltmp6, $4  }
0x1b3: {  	v19 =	vmov s24;
	s24 =	smov.u32 s23;
	s23 =	smov.u32 s5;
	v16 =	vld [tilespmem:s3+$0xFFFFFFC0];
	v14 =	vunpack.i.l.bf16.f32 v20  }
0x1b4: {  	v15 =	vadd.f32 v11, v15;
	v17 =	vld [tilespmem:s4+$0xFFFFFFC0];
	v14 =	vmul.f32 v14, v14;
	v24 =	vadd.f32 v8, v24  }
0x1b5: {  	vm0 =	veq.s32 v19, v1;
	v11 =	vsub.bf16 v22, v23;
	v8 =	vunpack.i.u.bf16.f32 v20  }
0x1b6: {  	s5 =	sadd.s32 $0x1, s5;
	v14 =	vadd.f32 v14, v15;
	v15 =	vmul.f32 v8, v8;
	v8 =	vsub.bf16 v18, v21;
	(xrf2) =	vadd.scan.msk.f32 $0xffff, v24  }
0x1b7: {  	_ =	sdelay $0x1  }
0x1b8: {  	v16 =	vsub.bf16 v16, v17;
	_ =	sdelay $0x1  }
0x1b9: {  	v12 =	vsub.bf16 v12, v13;
	v21 =	vunpack.i.u.bf16.f32 v16;
	v16 =	vunpack.i.l.bf16.f32 v16  }
0x1ba: {  	v16 =	vmul.f32 v16, v16;
	v13 =	vmul.f32 v21, v21  }
0x1bb: {  	v18 =	vld [tilespmem:s3+$0xFFFFFFF0];
	v22 =	vunpack.i.l.bf16.f32 v12  }
0x1bc: {  	v24 =	vld [tilespmem:s4+$0xFFFFFFF0];
	v23 =	vmul.f32 v22, v22;
	v13 =	vadd.f32 v16, v13  }
0x1bd: {  	v9 =	vsub.bf16 v9, v10;
	v25 =	vunpack.i.u.bf16.f32 v12  }
0x1be: {  	v10 =	vmul.f32 v25, v25;
	v26 =	vadd.f32 v23, v13  }
0x1bf: {  	v27 =	vld [tilespmem:s3+$0x0];
	v28 =	vunpack.i.l.bf16.f32 v9  }
0x1c0: {  	v19 =	vld [tilespmem:s4+$0x0];
	v29 =	vmul.f32 v28, v28;
	v10 =	vadd.f32 v26, v10  }
0x1c1: {  	v9 =	vunpack.i.u.bf16.f32 v9;
	v30 =	vsub.bf16 v18, v24  }
0x1c2: {  	v31 =	vunpack.i.l.bf16.f32 v11;
	v9 =	vmul.f32 v9, v9;
	v10 =	vadd.f32 v29, v10  }
0x1c3: {  	v6 =	vsub.bf16 v6, v7;
	v4 =	vsub.bf16 v4, v5;
	v32 =	vld [tilespmem:s3+$0x10];
	v33 =	vunpack.i.l.bf16.f32 v30  }
0x1c4: {  	v35 =	vld [tilespmem:s4+$0x10];
	v38 =	vunpack.i.u.bf16.f32 v11;
	v7 =	vmul.f32 v33, v33;
	v9 =	vadd.f32 v10, v9  }
0x1c5: {  	v34 =	vadd.f32 v14, v15;
	v37 =	vunpack.i.u.bf16.f32 v30;
	v13 =	vsub.bf16 v27, v19  }
0x1c6: {  	v36 =	vmul.f32 v31, v31;
	v39 =	vmul.f32 v37, v37;
	v7 =	vadd.f32 v7, v9  }
0x1c7: {  	v40 =	vld [tilespmem:s3+$0x20];
	v11 =	vmul.f32 v38, v38;
	v42 =	vunpack.i.l.bf16.f32 v6;
	v41 =	vunpack.i.l.bf16.f32 v13  }
0x1c8: {  	v43 =	vld [tilespmem:s4+$0x20];
	v45 =	vunpack.i.l.bf16.f32 v4;
	v44 =	vmul.f32 v41, v41;
	v7 =	vadd.f32 v7, v39  }
0x1c9: {  	v5 =	vsub.bf16 v32, v35;
	v13 =	vunpack.i.u.bf16.f32 v13;
	v10 =	vadd.f32 v36, v34  }
0x1ca: {  	v6 =	vunpack.i.u.bf16.f32 v6;
	v46 =	vmul.f32 v13, v13;
	v7 =	vadd.f32 v44, v7  }
0x1cb: {  	v47 =	vld [tilespmem:s3+$0x30];
	v48 =	vmul.f32 v42, v42;
	v14 =	vunpack.i.l.bf16.f32 v5;
	v10 =	vadd.f32 v10, v11  }
0x1cc: {  	v49 =	vld [tilespmem:s4+$0x30];
	v6 =	vmul.f32 v6, v6;
	v50 =	vmul.f32 v14, v14;
	v7 =	vadd.f32 v7, v46  }
0x1cd: {  	v12 =	vsub.bf16 v40, v43;
	v5 =	vunpack.i.u.bf16.f32 v5;
	v10 =	vadd.f32 v48, v10  }
0x1ce: {  	v4 =	vunpack.i.u.bf16.f32 v4;
	v5 =	vmul.f32 v5, v5;
	v7 =	vadd.f32 v50, v7  }
0x1cf: {  	v51 =	vmul.f32 v45, v45;
	v52 =	vunpack.i.l.bf16.f32 v12;
	v6 =	vadd.f32 v10, v6  }
0x1d0: {  	v4 =	vmul.f32 v4, v4;
	v10 =	vmul.f32 v52, v52;
	v5 =	vadd.f32 v7, v5  }
0x1d1: {  	v53 =	vsub.bf16 v47, v49;
	v54 =	vunpack.i.u.bf16.f32 v12;
	v6 =	vadd.f32 v51, v6  }
0x1d2: {  	v55 =	vunpack.i.l.bf16.f32 v8;
	v9 =	vmul.f32 v54, v54;
	v5 =	vadd.f32 v10, v5  }
0x1d3: {  	v56 =	vmul.f32 v55, v55;
	v57 =	vunpack.i.l.bf16.f32 v53;
	v4 =	vadd.f32 v6, v4  }
0x1d4: {  	v58 =	vunpack.i.u.bf16.f32 v8;
	v6 =	vmul.f32 v57, v57;
	v5 =	vadd.f32 v5, v9  }
0x1d5: {  	v8 =	vmul.f32 v58, v58;
	v4 =	vadd.f32 v56, v4;
	v7 =	vunpack.i.u.bf16.f32 v53  }
0x1d6: {  	v7 =	vmul.f32 v7, v7;
	v5 =	vadd.f32 v6, v5  }
0x1d7: {  	v4 =	vadd.f32 v4, v8  }
0x1d8: {  	v5 =	vadd.f32 v5, v7  }
0x1d9: {  	(xrf2) =	vadd.scan.msk.f32 $0xffff, v4  }
0x1da: {  	(xrf2) =	vadd.scan.msk.f32 $0xffff, v5;
	_ =	sdelay $0x7  }
0x1db: {  	v61 =	vmov s24;
	s24 =	sshll.u32 s22, $0x4;
	s22 =	sadd.s32 $0x1, s22;
	v59, _, _ =	vpop (xrf2)  }
0x1dc: {  	p0 =	sne.s32 s22, $0x8;
	v4 =	vbroadcast v59, $0xF;
	v60, _, _ =	vpop (xrf2)  }
.Ltmp7:
0x1dd: {  	v63 =	vmov s23;
	v5 =	vbroadcast v60, $0xF;
	v62, _, _ =	vpop (xrf2);
	(pc) =	sbr.rel @p0 .LBB2_15-.Ltmp7, $4  }
0x1de: {  	vm14 =	veq.s32 v61, v1;
	v3 =	vsel vm0, v4, v3;
	v6 =	vbroadcast v62, $0xF  }
0x1df: {  	vm15 =	veq.s32 v63, v1;
	v3 =	vsel vm14, v5, v3  }
0x1e0: {  	s3 =	sand.u32 $0x3FFFFFF0, s24;
	v3 =	vsel vm15, v6, v3  }
0x1e1: {  	s2 =	sadd.s32 $0x800, s2;
	s21 =	sadd.s32 $0x800, s21;
	[tilespmem:s3+$0x10200] =	vst v3  }
0x1e2: {  	s2 =	sadd.s32 s11, s1;
	s1 =	simm.s32 $0x0  }
0x1e3: {  	[hbm4b:s2+s1] =	stream.linear.scatter [tilespmem:s0], [sflag:$0x5], $0x80, $0x38;
	[tilespmem:$0x15180] =	vst v63  }
0x1e4: {  	_ =	swait.ge [sflag:s17], $0x80  }
0x1e5: {  	[sflag:s17] =	ssyncset.done $0x0  }
0x1e6: {  	[sflag:s17] =	ssyncadd.s32 $0xFFFFFF80  }
0x1e7: {  	_ =	swait.ge [sflag:s30], $0x4000  }
0x1e8: {  	[sflag:s30] =	ssyncset.done $0x0  }
0x1e9: {  	[sflag:s30] =	ssyncadd.s32 $0xFFFFC000  }
0x1ea: {  	_ =	swait.ge [sflag:s31], $0x4000  }
0x1eb: {  	s21 =	simm.s32 $0xC240;
	[sflag:s31] =	ssyncset.done $0x0  }
0x1ec: {  	s22 =	simm.s32 $0x0;
	s2 =	simm.s32 $0x8240;
	[sflag:s31] =	ssyncadd.s32 $0xFFFFC000  }
.LBB2_19:
0x1ed: {  	v3 =	vld [tilespmem:s2+$0xFFFFFFC0]  }
0x1ee: {  	v4 =	vld [tilespmem:s21+$0xFFFFFFC0]  }
0x1ef: {  	v5 =	vld [tilespmem:s2+$0xFFFFFFD0]  }
0x1f0: {  	v6 =	vld [tilespmem:s21+$0xFFFFFFD0]  }
0x1f1: {  	v7 =	vld [tilespmem:s2+$0xFFFFFFE0]  }
0x1f2: {  	v8 =	vld [tilespmem:s21+$0xFFFFFFE0]  }
0x1f3: {  	v9 =	vld [tilespmem:s21+$0x30];
	v3 =	vsub.bf16 v3, v4  }
0x1f4: {  	v11 =	vld [tilespmem:s21+$0x20]  }
0x1f5: {  	v13 =	vld [tilespmem:s2+$0xFFFFFFF0];
	v5 =	vsub.bf16 v5, v6;
	v10 =	vunpack.i.u.bf16.f32 v3;
	v3 =	vunpack.i.l.bf16.f32 v3  }
0x1f6: {  	v14 =	vld [tilespmem:s21+$0x10];
	v3 =	vmul.f32 v3, v3;
	v10 =	vmul.f32 v10, v10  }
0x1f7: {  	v16 =	vld [tilespmem:s21+$0x0];
	v12 =	vunpack.i.l.bf16.f32 v5  }
0x1f8: {  	s3 =	sadd.s32 $0x80, s2;
	v3 =	vadd.f32 v3, v10;
	v10 =	vmul.f32 v12, v12;
	v12 =	vld [tilespmem:s21+$0xFFFFFFF0]  }
0x1f9: {  	v18 =	vld [tilespmem:s3+$0xFFFFFFC0];
	v7 =	vsub.bf16 v7, v8;
	v5 =	vunpack.i.u.bf16.f32 v5  }
0x1fa: {  	v4 =	vld [tilespmem:s2+$0x30];
	v5 =	vmul.f32 v5, v5;
	v3 =	vadd.f32 v10, v3  }
0x1fb: {  	v6 =	vld [tilespmem:s2+$0x20];
	v15 =	vunpack.i.l.bf16.f32 v7  }
0x1fc: {  	v10 =	vld [tilespmem:s2+$0x0];
	v3 =	vadd.f32 v3, v5;
	v5 =	vmul.f32 v15, v15  }
0x1fd: {  	v8 =	vld [tilespmem:s2+$0x10];
	v7 =	vunpack.i.u.bf16.f32 v7;
	v12 =	vsub.bf16 v13, v12  }
0x1fe: {  	s4 =	sadd.s32 $0x80, s21;
	v15 =	vld [tilespmem:s3+$0xFFFFFFE0];
	v3 =	vadd.f32 v5, v3;
	v5 =	vmul.f32 v7, v7  }
0x1ff: {  	v13 =	vld [tilespmem:s4+$0xFFFFFFE0];
	v17 =	vunpack.i.l.bf16.f32 v12  }
0x200: {  	v3 =	vadd.f32 v3, v5;
	v5 =	vmul.f32 v17, v17;
	v17 =	vld [tilespmem:s4+$0xFFFFFFC0]  }
0x201: {  	v7 =	vld [tilespmem:s3+$0xFFFFFFD0];
	v12 =	vunpack.i.u.bf16.f32 v12;
	v10 =	vsub.bf16 v10, v16  }
0x202: {  	v9 =	vsub.bf16 v4, v9;
	v16 =	vld [tilespmem:s4+$0xFFFFFFD0];
	v3 =	vadd.f32 v5, v3;
	v5 =	vmul.f32 v12, v12  }
0x203: {  	v8 =	vsub.bf16 v8, v14;
	v6 =	vsub.bf16 v6, v11;
	v4 =	vunpack.i.l.bf16.f32 v10  }
0x204: {  	v4 =	vmul.f32 v4, v4;
	v11 =	vsub.bf16 v15, v13;
	v3 =	vadd.f32 v3, v5  }
0x205: {  	v19 =	vld [tilespmem:s4+$0x30];
	v12 =	vunpack.i.l.bf16.f32 v6;
	v5 =	vunpack.i.u.bf16.f32 v10;
	v10 =	vsub.bf16 v18, v17  }
0x206: {  	v20 =	vld [tilespmem:s4+$0x0];
	v3 =	vadd.f32 v4, v3;
	v4 =	vmul.f32 v5, v5;
	v5 =	vunpack.i.l.bf16.f32 v8  }
0x207: {  	v15 =	vld [tilespmem:s3+$0xFFFFFFF0];
	v7 =	vsub.bf16 v7, v16;
	v16 =	vunpack.i.u.bf16.f32 v6;
	v13 =	vmul.f32 v5, v5  }
0x208: {  	v6 =	vld [tilespmem:s3+$0x10];
	v14 =	vunpack.i.u.bf16.f32 v10;
	v10 =	vunpack.i.l.bf16.f32 v10;
	v3 =	vadd.f32 v3, v4  }
0x209: {  	v18 =	vld [tilespmem:s3+$0x30];
	v8 =	vunpack.i.u.bf16.f32 v8;
	v10 =	vmul.f32 v10, v10;
	v14 =	vmul.f32 v14, v14  }
0x20a: {  	v8 =	vmul.f32 v8, v8;
	v5 =	vld [tilespmem:s4+$0x20];
	v3 =	vadd.f32 v13, v3;
	v13 =	vunpack.i.l.bf16.f32 v7  }
0x20b: {  	v12 =	vmul.f32 v12, v12;
	v10 =	vadd.f32 v10, v14;
	v14 =	vld [tilespmem:s4+$0xFFFFFFF0];
	v13 =	vmul.f32 v13, v13  }
0x20c: {  	v16 =	vmul.f32 v16, v16;
	v17 =	vunpack.i.u.bf16.f32 v7;
	v4 =	vld [tilespmem:s3+$0x20];
	v3 =	vadd.f32 v3, v8  }
0x20d: {  	v7 =	vld [tilespmem:s4+$0x10];
	v8 =	vunpack.i.l.bf16.f32 v9;
	v10 =	vadd.f32 v13, v10;
	v13 =	vmul.f32 v17, v17  }
0x20e: {  	v17 =	vld [tilespmem:s3+$0x0];
	s3 =	sadd.s32 $0x80, s3;
	v3 =	vadd.f32 v12, v3;
	v12 =	vunpack.i.u.bf16.f32 v9;
	v9 =	vunpack.i.l.bf16.f32 v11  }
0x20f: {  	s4 =	sadd.s32 $0x80, s4;
	v8 =	vmul.f32 v8, v8;
	v13 =	vadd.f32 v10, v13;
	v21 =	vmul.f32 v9, v9;
	v9 =	vld [tilespmem:s3+$0xFFFFFFE0]  }
0x210: {  	v11 =	vunpack.i.u.bf16.f32 v11;
	v14 =	vsub.bf16 v15, v14;
	v10 =	vld [tilespmem:s4+$0xFFFFFFE0];
	v3 =	vadd.f32 v3, v16  }
0x211: {  	v15 =	vmul.f32 v12, v12;
	v11 =	vmul.f32 v11, v11;
	v12 =	vld [tilespmem:s3+$0xFFFFFFD0];
	v16 =	vadd.f32 v21, v13  }
0x212: {  	v13 =	vld [tilespmem:s4+$0xFFFFFFD0];
	v8 =	vadd.f32 v8, v3  }
0x213: {  	v22 =	vmov s1;
	v63 =	vunpack.i.l.bf16.f32 v14;
	v23 =	vadd.f32 v16, v11;
	v16 =	vld [tilespmem:s3+$0xFFFFFFC0]  }
0x214: {  	v21 =	vmul.f32 v63, v63;
	v11 =	vsub.bf16 v17, v20;
	v17 =	vld [tilespmem:s4+$0xFFFFFFC0];
	v24 =	vadd.f32 v8, v15  }
0x215: {  	vm0 =	veq.s32 v22, v1;
	v3 =	vimm.f32 $0.0e+00;
	v8 =	vunpack.i.u.bf16.f32 v14  }
0x216: {  	s24 =	simm.s32 $0x1;
	s23 =	simm.s32 $0x2;
	s5 =	simm.s32 $0x3;
	v14 =	vadd.f32 v21, v23;
	v15 =	vmul.f32 v8, v8;
	v8 =	vsub.bf16 v18, v19;
	(xrf2) =	vadd.scan.msk.f32 $0xffff, v24  }
.LBB2_20:
0x217: {  	p0 =	sne.s32 s5, $0xF;
	v18 =	vunpack.i.l.bf16.f32 v11;
	v6 =	vsub.bf16 v6, v7;
	v19 =	vsub.bf16 v4, v5  }
0x218: {  	v20 =	vsub.bf16 v9, v10;
	v4 =	vadd.f32 v14, v15;
	v5 =	vmul.f32 v18, v18  }
0x219: {  	v9 =	vsub.bf16 v12, v13;
	v10 =	vunpack.i.u.bf16.f32 v11;
	v7 =	vsub.bf16 v16, v17;
	v18 =	vld [tilespmem:s3+$0x30]  }
0x21a: {  	v10 =	vmul.f32 v10, v10;
	v13 =	vunpack.i.u.bf16.f32 v8;
	v21 =	vld [tilespmem:s4+$0x30];
	v11 =	vadd.f32 v5, v4  }
0x21b: {  	v8 =	vunpack.i.l.bf16.f32 v8;
	v12 =	vunpack.i.l.bf16.f32 v6;
	v14 =	vunpack.i.l.bf16.f32 v19;
	v4 =	vld [tilespmem:s3+$0x20]  }
0x21c: {  	v12 =	vmul.f32 v12, v12;
	v5 =	vld [tilespmem:s4+$0x20];
	v10 =	vadd.f32 v11, v10;
	v11 =	vunpack.i.u.bf16.f32 v6  }
0x21d: {  	v15 =	vunpack.i.u.bf16.f32 v7;
	v7 =	vunpack.i.l.bf16.f32 v7;
	v6 =	vld [tilespmem:s3+$0x10];
	v22 =	vmul.f32 v11, v11  }
0x21e: {  	v16 =	vmul.f32 v7, v7;
	v15 =	vmul.f32 v15, v15;
	v7 =	vld [tilespmem:s4+$0x10];
	v10 =	vadd.f32 v12, v10  }
0x21f: {  	v19 =	vunpack.i.u.bf16.f32 v19;
	v14 =	vmul.f32 v14, v14;
	v12 =	vunpack.i.l.bf16.f32 v9;
	v17 =	vld [tilespmem:s3+$0xFFFFFFF0]  }
0x220: {  	v15 =	vadd.f32 v16, v15;
	v12 =	vmul.f32 v12, v12;
	v16 =	vld [tilespmem:s4+$0xFFFFFFF0];
	v10 =	vadd.f32 v10, v22;
	v11, _, _ =	vpop (xrf2)  }
0x221: {  	v19 =	vmul.f32 v19, v19;
	v9 =	vunpack.i.u.bf16.f32 v9;
	v22 =	vld [tilespmem:s3+$0x0];
	v11 =	vbroadcast v11, $0xF  }
0x222: {  	v12 =	vadd.f32 v12, v15;
	v15 =	vmul.f32 v9, v9;
	s3 =	sadd.s32 $0x80, s3;
	v23 =	vld [tilespmem:s4+$0x0];
	v14 =	vadd.f32 v14, v10  }
0x223: {  	v24 =	vunpack.i.l.bf16.f32 v20;
	v8 =	vmul.f32 v8, v8;
	s4 =	sadd.s32 $0x80, s4;
	v9 =	vld [tilespmem:s3+$0xFFFFFFE0];
	v3 =	vsel vm0, v11, v3  }
0x224: {  	v11 =	vadd.f32 v12, v15;
	v15 =	vmul.f32 v24, v24;
	v10 =	vld [tilespmem:s4+$0xFFFFFFE0];
	v14 =	vadd.f32 v14, v19  }
0x225: {  	v24 =	vmul.f32 v13, v13;
	v19 =	vunpack.i.u.bf16.f32 v20;
	v12 =	vld [tilespmem:s3+$0xFFFFFFD0];
	v20 =	vsub.bf16 v17, v16  }
.Ltmp8:
0x226: {  	v11 =	vadd.f32 v15, v11;
	v15 =	vmul.f32 v19, v19;
	v13 =	vld [tilespmem:s4+$0xFFFFFFD0];
	v8 =	vadd.f32 v8, v14;
	(pc) =	sbr.rel @p0 .LBB2_20-.Ltmp8, $4  }
0x227: {  	v19 =	vmov s24;
	s24 =	smov.u32 s23;
	s23 =	smov.u32 s5;
	v16 =	vld [tilespmem:s3+$0xFFFFFFC0];
	v14 =	vunpack.i.l.bf16.f32 v20  }
0x228: {  	v15 =	vadd.f32 v11, v15;
	v17 =	vld [tilespmem:s4+$0xFFFFFFC0];
	v14 =	vmul.f32 v14, v14;
	v24 =	vadd.f32 v8, v24  }
0x229: {  	vm0 =	veq.s32 v19, v1;
	v11 =	vsub.bf16 v22, v23;
	v8 =	vunpack.i.u.bf16.f32 v20  }
0x22a: {  	s5 =	sadd.s32 $0x1, s5;
	v14 =	vadd.f32 v14, v15;
	v15 =	vmul.f32 v8, v8;
	v8 =	vsub.bf16 v18, v21;
	(xrf2) =	vadd.scan.msk.f32 $0xffff, v24  }
0x22b: {  	_ =	sdelay $0x1  }
0x22c: {  	v16 =	vsub.bf16 v16, v17;
	_ =	sdelay $0x1  }
0x22d: {  	v12 =	vsub.bf16 v12, v13;
	v21 =	vunpack.i.u.bf16.f32 v16;
	v16 =	vunpack.i.l.bf16.f32 v16  }
0x22e: {  	v16 =	vmul.f32 v16, v16;
	v13 =	vmul.f32 v21, v21  }
0x22f: {  	v18 =	vld [tilespmem:s3+$0xFFFFFFF0];
	v22 =	vunpack.i.l.bf16.f32 v12  }
0x230: {  	v24 =	vld [tilespmem:s4+$0xFFFFFFF0];
	v23 =	vmul.f32 v22, v22;
	v13 =	vadd.f32 v16, v13  }
0x231: {  	v9 =	vsub.bf16 v9, v10;
	v25 =	vunpack.i.u.bf16.f32 v12  }
0x232: {  	v10 =	vmul.f32 v25, v25;
	v26 =	vadd.f32 v23, v13  }
0x233: {  	v27 =	vld [tilespmem:s3+$0x0];
	v28 =	vunpack.i.l.bf16.f32 v9  }
0x234: {  	v19 =	vld [tilespmem:s4+$0x0];
	v29 =	vmul.f32 v28, v28;
	v10 =	vadd.f32 v26, v10  }
0x235: {  	v9 =	vunpack.i.u.bf16.f32 v9;
	v30 =	vsub.bf16 v18, v24  }
0x236: {  	v31 =	vunpack.i.l.bf16.f32 v11;
	v9 =	vmul.f32 v9, v9;
	v10 =	vadd.f32 v29, v10  }
0x237: {  	v6 =	vsub.bf16 v6, v7;
	v4 =	vsub.bf16 v4, v5;
	v32 =	vld [tilespmem:s3+$0x10];
	v33 =	vunpack.i.l.bf16.f32 v30  }
0x238: {  	v35 =	vld [tilespmem:s4+$0x10];
	v38 =	vunpack.i.u.bf16.f32 v11;
	v7 =	vmul.f32 v33, v33;
	v9 =	vadd.f32 v10, v9  }
0x239: {  	v34 =	vadd.f32 v14, v15;
	v37 =	vunpack.i.u.bf16.f32 v30;
	v13 =	vsub.bf16 v27, v19  }
0x23a: {  	v36 =	vmul.f32 v31, v31;
	v39 =	vmul.f32 v37, v37;
	v7 =	vadd.f32 v7, v9  }
0x23b: {  	v40 =	vld [tilespmem:s3+$0x20];
	v11 =	vmul.f32 v38, v38;
	v42 =	vunpack.i.l.bf16.f32 v6;
	v41 =	vunpack.i.l.bf16.f32 v13  }
0x23c: {  	v43 =	vld [tilespmem:s4+$0x20];
	v45 =	vunpack.i.l.bf16.f32 v4;
	v44 =	vmul.f32 v41, v41;
	v7 =	vadd.f32 v7, v39  }
0x23d: {  	v5 =	vsub.bf16 v32, v35;
	v13 =	vunpack.i.u.bf16.f32 v13;
	v10 =	vadd.f32 v36, v34  }
0x23e: {  	v6 =	vunpack.i.u.bf16.f32 v6;
	v46 =	vmul.f32 v13, v13;
	v7 =	vadd.f32 v44, v7  }
0x23f: {  	v47 =	vld [tilespmem:s3+$0x30];
	v48 =	vmul.f32 v42, v42;
	v14 =	vunpack.i.l.bf16.f32 v5;
	v10 =	vadd.f32 v10, v11  }
0x240: {  	v49 =	vld [tilespmem:s4+$0x30];
	v6 =	vmul.f32 v6, v6;
	v50 =	vmul.f32 v14, v14;
	v7 =	vadd.f32 v7, v46  }
0x241: {  	v12 =	vsub.bf16 v40, v43;
	v5 =	vunpack.i.u.bf16.f32 v5;
	v10 =	vadd.f32 v48, v10  }
0x242: {  	v4 =	vunpack.i.u.bf16.f32 v4;
	v5 =	vmul.f32 v5, v5;
	v7 =	vadd.f32 v50, v7  }
0x243: {  	v51 =	vmul.f32 v45, v45;
	v52 =	vunpack.i.l.bf16.f32 v12;
	v6 =	vadd.f32 v10, v6  }
0x244: {  	v4 =	vmul.f32 v4, v4;
	v10 =	vmul.f32 v52, v52;
	v5 =	vadd.f32 v7, v5  }
0x245: {  	v53 =	vsub.bf16 v47, v49;
	v54 =	vunpack.i.u.bf16.f32 v12;
	v6 =	vadd.f32 v51, v6  }
0x246: {  	v55 =	vunpack.i.l.bf16.f32 v8;
	v9 =	vmul.f32 v54, v54;
	v5 =	vadd.f32 v10, v5  }
0x247: {  	v56 =	vmul.f32 v55, v55;
	v57 =	vunpack.i.l.bf16.f32 v53;
	v4 =	vadd.f32 v6, v4  }
0x248: {  	v58 =	vunpack.i.u.bf16.f32 v8;
	v6 =	vmul.f32 v57, v57;
	v5 =	vadd.f32 v5, v9  }
0x249: {  	v8 =	vmul.f32 v58, v58;
	v4 =	vadd.f32 v56, v4;
	v7 =	vunpack.i.u.bf16.f32 v53  }
0x24a: {  	v7 =	vmul.f32 v7, v7;
	v5 =	vadd.f32 v6, v5  }
0x24b: {  	v4 =	vadd.f32 v4, v8  }
0x24c: {  	v5 =	vadd.f32 v5, v7  }
0x24d: {  	(xrf2) =	vadd.scan.msk.f32 $0xffff, v4  }
0x24e: {  	(xrf2) =	vadd.scan.msk.f32 $0xffff, v5;
	_ =	sdelay $0x7  }
0x24f: {  	v61 =	vmov s24;
	s24 =	sshll.u32 s22, $0x4;
	s22 =	sadd.s32 $0x1, s22;
	v59, _, _ =	vpop (xrf2)  }
0x250: {  	p0 =	sne.s32 s22, $0x8;
	v4 =	vbroadcast v59, $0xF;
	v60, _, _ =	vpop (xrf2)  }
.Ltmp9:
0x251: {  	v63 =	vmov s23;
	v5 =	vbroadcast v60, $0xF;
	v62, _, _ =	vpop (xrf2);
	(pc) =	sbr.rel @p0 .LBB2_19-.Ltmp9, $4  }
0x252: {  	vm14 =	veq.s32 v61, v1;
	v3 =	vsel vm0, v4, v3;
	v6 =	vbroadcast v62, $0xF  }
0x253: {  	vm15 =	veq.s32 v63, v1;
	v3 =	vsel vm14, v5, v3  }
0x254: {  	s3 =	sand.u32 $0x3FFFFFF0, s24;
	v3 =	vsel vm15, v6, v3  }
0x255: {  	s2 =	sadd.s32 $0x800, s2;
	s21 =	sadd.s32 $0x800, s21;
	[tilespmem:s3+$0x10200] =	vst v3  }
0x256: {  	s15 =	sadd.s32 $0x1, s15  }
0x257: {  	p0 =	sne.s32 s15, $0x14  }
.Ltmp10:
0x258: {  	s1 =	sadd.s32 s11, s14;
	s14 =	simm.s32 $0x0;
	(pc) =	sbr.rel @p0 .LBB2_14-.Ltmp10, $4  }
0x259: {  	[hbm4b:s1+s14] =	stream.linear.scatter [tilespmem:s0], [sflag:$0x5], $0x80, $0x38;
	[tilespmem:$0x15180] =	vst v63  }
0x25a: {  	_ =	swait.ge [sflag:s17], $0x80  }
0x25b: {  	[sflag:s17] =	ssyncset.done $0x0  }
0x25c: {  	[sflag:s17] =	ssyncadd.s32 $0xFFFFFF80  }
0x25d: {  	s15 =	simm.s32 $0x0  }
.LBB2_24:
0x25e: {  	s1 =	sshll.u32 s15, $0x5  }
0x25f: {  	s2 =	sadd.s32 s13, s1  }
0x260: {  	s1 =	sand.u32 $0x60, s1;
	s2 =	sand.u32 $0xFF80, s2  }
0x261: {  	s1 =	sor.u32 s1, s2  }
0x262: {  	s2 =	sadd.s32 s7, s1  }
0x263: {  	[tilespmem:s14], [sflag:$0x5] =	stream.linear.gather [hbm4b:s2+s14], $0x80, $0x38;
	[tilespmem:$0x15180] =	vst v63  }
0x264: {  	_ =	swait.ge [sflag:s17], $0x80  }
0x265: {  	[sflag:s17] =	ssyncset.done $0x0  }
0x266: {  	s3 =	sadd.s32 s8, s1;
	[sflag:s17] =	ssyncadd.s32 $0xFFFFFF80  }
0x267: {  	[tilespmem:s18], [sflag:$0x5] =	stream.linear.gather [hbm4b:s3+s14], $0x80, $0x38;
	[tilespmem:$0x15180] =	vst v63  }
0x268: {  	_ =	swait.ge [sflag:s17], $0x80  }
0x269: {  	s16 =	sor.u32 $0x10, s1;
	[sflag:s17] =	ssyncset.done $0x0  }
0x26a: {  	s4 =	sadd.s32 s7, s16;
	[sflag:s17] =	ssyncadd.s32 $0xFFFFFF80  }
0x26b: {  	[tilespmem:s19], [sflag:$0x5] =	stream.linear.gather [hbm4b:s4+s14], $0x80, $0x38;
	[tilespmem:$0x15180] =	vst v63  }
0x26c: {  	_ =	swait.ge [sflag:s17], $0x80  }
0x26d: {  	[sflag:s17] =	ssyncset.done $0x0  }
0x26e: {  	s5 =	sadd.s32 s8, s16;
	[sflag:s17] =	ssyncadd.s32 $0xFFFFFF80  }
0x26f: {  	[tilespmem:s20], [sflag:$0x5] =	stream.linear.gather [hbm4b:s5+s14], $0x80, $0x38;
	[tilespmem:$0x15180] =	vst v63  }
0x270: {  	_ =	swait.ge [sflag:s17], $0x80  }
0x271: {  	[sflag:s17] =	ssyncset.done $0x0  }
0x272: {  	s21 =	simm.s32 $0x200;
	[sflag:s17] =	ssyncadd.s32 $0xFFFFFF80  }
0x273: {  	[tilespmem:s21], [sflag:$0x1] =	stream.indirect.gather [hbm4b:s10+s18], $0x80, s14, s18, $0xb8;
	[tilespmem:$0x15180] =	vst v63  }
0x274: {  	s22 =	simm.s32 $0x4200  }
0x275: {  	[tilespmem:s22], [sflag:$0x2] =	stream.indirect.gather [hbm4b:s10+s18], $0x80, s18, s18, $0xb8;
	[tilespmem:$0x15180] =	vst v63  }
0x276: {  	s23 =	simm.s32 $0x8200  }
0x277: {  	[tilespmem:s23], [sflag:$0x3] =	stream.indirect.gather [hbm4b:s10+s18], $0x80, s19, s18, $0xb8;
	[tilespmem:$0x15180] =	vst v63  }
0x278: {  	s24 =	simm.s32 $0xC200  }
0x279: {  	[tilespmem:s24], [sflag:$0x4] =	stream.indirect.gather [hbm4b:s10+s18], $0x80, s20, s18, $0xb8;
	[tilespmem:$0x15180] =	vst v63  }
0x27a: {  	_ =	swait.ge [sflag:s25], $0x4000  }
0x27b: {  	[sflag:s25] =	ssyncset.done $0x0  }
0x27c: {  	[sflag:s25] =	ssyncadd.s32 $0xFFFFC000  }
0x27d: {  	_ =	swait.ge [sflag:s26], $0x4000  }
0x27e: {  	s2 =	simm.s32 $0x240;
	[sflag:s26] =	ssyncset.done $0x0  }
0x27f: {  	s21 =	simm.s32 $0x4240;
	s22 =	simm.s32 $0x0;
	[sflag:s26] =	ssyncadd.s32 $0xFFFFC000  }
.LBB2_25:
0x280: {  	v3 =	vld [tilespmem:s2+$0xFFFFFFC0]  }
0x281: {  	v4 =	vld [tilespmem:s21+$0xFFFFFFC0]  }
0x282: {  	v5 =	vld [tilespmem:s2+$0xFFFFFFD0]  }
0x283: {  	v6 =	vld [tilespmem:s21+$0xFFFFFFD0]  }
0x284: {  	v7 =	vld [tilespmem:s2+$0xFFFFFFE0]  }
0x285: {  	v8 =	vld [tilespmem:s21+$0xFFFFFFE0]  }
0x286: {  	v9 =	vld [tilespmem:s21+$0x30];
	v3 =	vsub.bf16 v3, v4  }
0x287: {  	v11 =	vld [tilespmem:s21+$0x20]  }
0x288: {  	v13 =	vld [tilespmem:s2+$0xFFFFFFF0];
	v5 =	vsub.bf16 v5, v6;
	v10 =	vunpack.i.u.bf16.f32 v3;
	v3 =	vunpack.i.l.bf16.f32 v3  }
0x289: {  	v14 =	vld [tilespmem:s21+$0x10];
	v3 =	vmul.f32 v3, v3;
	v10 =	vmul.f32 v10, v10  }
0x28a: {  	v16 =	vld [tilespmem:s21+$0x0];
	v12 =	vunpack.i.l.bf16.f32 v5  }
0x28b: {  	s3 =	sadd.s32 $0x80, s2;
	v3 =	vadd.f32 v3, v10;
	v10 =	vmul.f32 v12, v12;
	v12 =	vld [tilespmem:s21+$0xFFFFFFF0]  }
0x28c: {  	v18 =	vld [tilespmem:s3+$0xFFFFFFC0];
	v7 =	vsub.bf16 v7, v8;
	v5 =	vunpack.i.u.bf16.f32 v5  }
0x28d: {  	v4 =	vld [tilespmem:s2+$0x30];
	v5 =	vmul.f32 v5, v5;
	v3 =	vadd.f32 v10, v3  }
0x28e: {  	v6 =	vld [tilespmem:s2+$0x20];
	v15 =	vunpack.i.l.bf16.f32 v7  }
0x28f: {  	v10 =	vld [tilespmem:s2+$0x0];
	v3 =	vadd.f32 v3, v5;
	v5 =	vmul.f32 v15, v15  }
0x290: {  	v8 =	vld [tilespmem:s2+$0x10];
	v7 =	vunpack.i.u.bf16.f32 v7;
	v12 =	vsub.bf16 v13, v12  }
0x291: {  	s4 =	sadd.s32 $0x80, s21;
	v15 =	vld [tilespmem:s3+$0xFFFFFFE0];
	v3 =	vadd.f32 v5, v3;
	v5 =	vmul.f32 v7, v7  }
0x292: {  	v13 =	vld [tilespmem:s4+$0xFFFFFFE0];
	v17 =	vunpack.i.l.bf16.f32 v12  }
0x293: {  	v3 =	vadd.f32 v3, v5;
	v5 =	vmul.f32 v17, v17;
	v17 =	vld [tilespmem:s4+$0xFFFFFFC0]  }
0x294: {  	v7 =	vld [tilespmem:s3+$0xFFFFFFD0];
	v12 =	vunpack.i.u.bf16.f32 v12;
	v10 =	vsub.bf16 v10, v16  }
0x295: {  	v9 =	vsub.bf16 v4, v9;
	v16 =	vld [tilespmem:s4+$0xFFFFFFD0];
	v3 =	vadd.f32 v5, v3;
	v5 =	vmul.f32 v12, v12  }
0x296: {  	v8 =	vsub.bf16 v8, v14;
	v6 =	vsub.bf16 v6, v11;
	v4 =	vunpack.i.l.bf16.f32 v10  }
0x297: {  	v4 =	vmul.f32 v4, v4;
	v11 =	vsub.bf16 v15, v13;
	v3 =	vadd.f32 v3, v5  }
0x298: {  	v19 =	vld [tilespmem:s4+$0x30];
	v12 =	vunpack.i.l.bf16.f32 v6;
	v5 =	vunpack.i.u.bf16.f32 v10;
	v10 =	vsub.bf16 v18, v17  }
0x299: {  	v20 =	vld [tilespmem:s4+$0x0];
	v3 =	vadd.f32 v4, v3;
	v4 =	vmul.f32 v5, v5;
	v5 =	vunpack.i.l.bf16.f32 v8  }
0x29a: {  	v15 =	vld [tilespmem:s3+$0xFFFFFFF0];
	v7 =	vsub.bf16 v7, v16;
	v16 =	vunpack.i.u.bf16.f32 v6;
	v13 =	vmul.f32 v5, v5  }
0x29b: {  	v6 =	vld [tilespmem:s3+$0x10];
	v14 =	vunpack.i.u.bf16.f32 v10;
	v10 =	vunpack.i.l.bf16.f32 v10;
	v3 =	vadd.f32 v3, v4  }
0x29c: {  	v18 =	vld [tilespmem:s3+$0x30];
	v8 =	vunpack.i.u.bf16.f32 v8;
	v10 =	vmul.f32 v10, v10;
	v14 =	vmul.f32 v14, v14  }
0x29d: {  	v8 =	vmul.f32 v8, v8;
	v5 =	vld [tilespmem:s4+$0x20];
	v3 =	vadd.f32 v13, v3;
	v13 =	vunpack.i.l.bf16.f32 v7  }
0x29e: {  	v12 =	vmul.f32 v12, v12;
	v10 =	vadd.f32 v10, v14;
	v14 =	vld [tilespmem:s4+$0xFFFFFFF0];
	v13 =	vmul.f32 v13, v13  }
0x29f: {  	v16 =	vmul.f32 v16, v16;
	v17 =	vunpack.i.u.bf16.f32 v7;
	v4 =	vld [tilespmem:s3+$0x20];
	v3 =	vadd.f32 v3, v8  }
0x2a0: {  	v7 =	vld [tilespmem:s4+$0x10];
	v8 =	vunpack.i.l.bf16.f32 v9;
	v10 =	vadd.f32 v13, v10;
	v13 =	vmul.f32 v17, v17  }
0x2a1: {  	v17 =	vld [tilespmem:s3+$0x0];
	s3 =	sadd.s32 $0x80, s3;
	v3 =	vadd.f32 v12, v3;
	v12 =	vunpack.i.u.bf16.f32 v9;
	v9 =	vunpack.i.l.bf16.f32 v11  }
0x2a2: {  	s4 =	sadd.s32 $0x80, s4;
	v8 =	vmul.f32 v8, v8;
	v13 =	vadd.f32 v10, v13;
	v21 =	vmul.f32 v9, v9;
	v9 =	vld [tilespmem:s3+$0xFFFFFFE0]  }
0x2a3: {  	v11 =	vunpack.i.u.bf16.f32 v11;
	v14 =	vsub.bf16 v15, v14;
	v10 =	vld [tilespmem:s4+$0xFFFFFFE0];
	v3 =	vadd.f32 v3, v16  }
0x2a4: {  	v15 =	vmul.f32 v12, v12;
	v11 =	vmul.f32 v11, v11;
	v12 =	vld [tilespmem:s3+$0xFFFFFFD0];
	v16 =	vadd.f32 v21, v13  }
0x2a5: {  	s5 =	simm.s32 $0x0;
	v13 =	vld [tilespmem:s4+$0xFFFFFFD0];
	v8 =	vadd.f32 v8, v3  }
0x2a6: {  	v22 =	vmov s5;
	v63 =	vunpack.i.l.bf16.f32 v14;
	v23 =	vadd.f32 v16, v11;
	v16 =	vld [tilespmem:s3+$0xFFFFFFC0]  }
0x2a7: {  	v21 =	vmul.f32 v63, v63;
	v11 =	vsub.bf16 v17, v20;
	v17 =	vld [tilespmem:s4+$0xFFFFFFC0];
	v24 =	vadd.f32 v8, v15  }
0x2a8: {  	vm0 =	veq.s32 v22, v1;
	v3 =	vimm.f32 $0.0e+00;
	v8 =	vunpack.i.u.bf16.f32 v14  }
0x2a9: {  	s24 =	simm.s32 $0x1;
	s23 =	simm.s32 $0x2;
	s5 =	simm.s32 $0x3;
	v14 =	vadd.f32 v21, v23;
	v15 =	vmul.f32 v8, v8;
	v8 =	vsub.bf16 v18, v19;
	(xrf2) =	vadd.scan.msk.f32 $0xffff, v24  }
.LBB2_26:
0x2aa: {  	p0 =	sne.s32 s5, $0xF;
	v18 =	vunpack.i.l.bf16.f32 v11;
	v6 =	vsub.bf16 v6, v7;
	v19 =	vsub.bf16 v4, v5  }
0x2ab: {  	v20 =	vsub.bf16 v9, v10;
	v4 =	vadd.f32 v14, v15;
	v5 =	vmul.f32 v18, v18  }
0x2ac: {  	v9 =	vsub.bf16 v12, v13;
	v10 =	vunpack.i.u.bf16.f32 v11;
	v7 =	vsub.bf16 v16, v17;
	v18 =	vld [tilespmem:s3+$0x30]  }
0x2ad: {  	v10 =	vmul.f32 v10, v10;
	v13 =	vunpack.i.u.bf16.f32 v8;
	v21 =	vld [tilespmem:s4+$0x30];
	v11 =	vadd.f32 v5, v4  }
0x2ae: {  	v8 =	vunpack.i.l.bf16.f32 v8;
	v12 =	vunpack.i.l.bf16.f32 v6;
	v14 =	vunpack.i.l.bf16.f32 v19;
	v4 =	vld [tilespmem:s3+$0x20]  }
0x2af: {  	v12 =	vmul.f32 v12, v12;
	v5 =	vld [tilespmem:s4+$0x20];
	v10 =	vadd.f32 v11, v10;
	v11 =	vunpack.i.u.bf16.f32 v6  }
0x2b0: {  	v15 =	vunpack.i.u.bf16.f32 v7;
	v7 =	vunpack.i.l.bf16.f32 v7;
	v6 =	vld [tilespmem:s3+$0x10];
	v22 =	vmul.f32 v11, v11  }
0x2b1: {  	v16 =	vmul.f32 v7, v7;
	v15 =	vmul.f32 v15, v15;
	v7 =	vld [tilespmem:s4+$0x10];
	v10 =	vadd.f32 v12, v10  }
0x2b2: {  	v19 =	vunpack.i.u.bf16.f32 v19;
	v14 =	vmul.f32 v14, v14;
	v12 =	vunpack.i.l.bf16.f32 v9;
	v17 =	vld [tilespmem:s3+$0xFFFFFFF0]  }
0x2b3: {  	v15 =	vadd.f32 v16, v15;
	v12 =	vmul.f32 v12, v12;
	v16 =	vld [tilespmem:s4+$0xFFFFFFF0];
	v10 =	vadd.f32 v10, v22;
	v11, _, _ =	vpop (xrf2)  }
0x2b4: {  	v19 =	vmul.f32 v19, v19;
	v9 =	vunpack.i.u.bf16.f32 v9;
	v22 =	vld [tilespmem:s3+$0x0];
	v11 =	vbroadcast v11, $0xF  }
0x2b5: {  	v12 =	vadd.f32 v12, v15;
	v15 =	vmul.f32 v9, v9;
	s3 =	sadd.s32 $0x80, s3;
	v23 =	vld [tilespmem:s4+$0x0];
	v14 =	vadd.f32 v14, v10  }
0x2b6: {  	v24 =	vunpack.i.l.bf16.f32 v20;
	v8 =	vmul.f32 v8, v8;
	s4 =	sadd.s32 $0x80, s4;
	v9 =	vld [tilespmem:s3+$0xFFFFFFE0];
	v3 =	vsel vm0, v11, v3  }
0x2b7: {  	v11 =	vadd.f32 v12, v15;
	v15 =	vmul.f32 v24, v24;
	v10 =	vld [tilespmem:s4+$0xFFFFFFE0];
	v14 =	vadd.f32 v14, v19  }
0x2b8: {  	v24 =	vmul.f32 v13, v13;
	v19 =	vunpack.i.u.bf16.f32 v20;
	v12 =	vld [tilespmem:s3+$0xFFFFFFD0];
	v20 =	vsub.bf16 v17, v16  }
.Ltmp11:
0x2b9: {  	v11 =	vadd.f32 v15, v11;
	v15 =	vmul.f32 v19, v19;
	v13 =	vld [tilespmem:s4+$0xFFFFFFD0];
	v8 =	vadd.f32 v8, v14;
	(pc) =	sbr.rel @p0 .LBB2_26-.Ltmp11, $4  }
0x2ba: {  	v19 =	vmov s24;
	s24 =	smov.u32 s23;
	s23 =	smov.u32 s5;
	v16 =	vld [tilespmem:s3+$0xFFFFFFC0];
	v14 =	vunpack.i.l.bf16.f32 v20  }
0x2bb: {  	v15 =	vadd.f32 v11, v15;
	v17 =	vld [tilespmem:s4+$0xFFFFFFC0];
	v14 =	vmul.f32 v14, v14;
	v24 =	vadd.f32 v8, v24  }
0x2bc: {  	vm0 =	veq.s32 v19, v1;
	v11 =	vsub.bf16 v22, v23;
	v8 =	vunpack.i.u.bf16.f32 v20  }
0x2bd: {  	s5 =	sadd.s32 $0x1, s5;
	v14 =	vadd.f32 v14, v15;
	v15 =	vmul.f32 v8, v8;
	v8 =	vsub.bf16 v18, v21;
	(xrf2) =	vadd.scan.msk.f32 $0xffff, v24  }
0x2be: {  	_ =	sdelay $0x1  }
0x2bf: {  	v16 =	vsub.bf16 v16, v17;
	_ =	sdelay $0x1  }
0x2c0: {  	v12 =	vsub.bf16 v12, v13;
	v21 =	vunpack.i.u.bf16.f32 v16;
	v16 =	vunpack.i.l.bf16.f32 v16  }
0x2c1: {  	v16 =	vmul.f32 v16, v16;
	v13 =	vmul.f32 v21, v21  }
0x2c2: {  	v18 =	vld [tilespmem:s3+$0xFFFFFFF0];
	v22 =	vunpack.i.l.bf16.f32 v12  }
0x2c3: {  	v24 =	vld [tilespmem:s4+$0xFFFFFFF0];
	v23 =	vmul.f32 v22, v22;
	v13 =	vadd.f32 v16, v13  }
0x2c4: {  	v9 =	vsub.bf16 v9, v10;
	v25 =	vunpack.i.u.bf16.f32 v12  }
0x2c5: {  	v10 =	vmul.f32 v25, v25;
	v26 =	vadd.f32 v23, v13  }
0x2c6: {  	v27 =	vld [tilespmem:s3+$0x0];
	v28 =	vunpack.i.l.bf16.f32 v9  }
0x2c7: {  	v19 =	vld [tilespmem:s4+$0x0];
	v29 =	vmul.f32 v28, v28;
	v10 =	vadd.f32 v26, v10  }
0x2c8: {  	v9 =	vunpack.i.u.bf16.f32 v9;
	v30 =	vsub.bf16 v18, v24  }
0x2c9: {  	v31 =	vunpack.i.l.bf16.f32 v11;
	v9 =	vmul.f32 v9, v9;
	v10 =	vadd.f32 v29, v10  }
0x2ca: {  	v6 =	vsub.bf16 v6, v7;
	v4 =	vsub.bf16 v4, v5;
	v32 =	vld [tilespmem:s3+$0x10];
	v33 =	vunpack.i.l.bf16.f32 v30  }
0x2cb: {  	v35 =	vld [tilespmem:s4+$0x10];
	v38 =	vunpack.i.u.bf16.f32 v11;
	v7 =	vmul.f32 v33, v33;
	v9 =	vadd.f32 v10, v9  }
0x2cc: {  	v34 =	vadd.f32 v14, v15;
	v37 =	vunpack.i.u.bf16.f32 v30;
	v13 =	vsub.bf16 v27, v19  }
0x2cd: {  	v36 =	vmul.f32 v31, v31;
	v39 =	vmul.f32 v37, v37;
	v7 =	vadd.f32 v7, v9  }
0x2ce: {  	v40 =	vld [tilespmem:s3+$0x20];
	v11 =	vmul.f32 v38, v38;
	v42 =	vunpack.i.l.bf16.f32 v6;
	v41 =	vunpack.i.l.bf16.f32 v13  }
0x2cf: {  	v43 =	vld [tilespmem:s4+$0x20];
	v45 =	vunpack.i.l.bf16.f32 v4;
	v44 =	vmul.f32 v41, v41;
	v7 =	vadd.f32 v7, v39  }
0x2d0: {  	v5 =	vsub.bf16 v32, v35;
	v13 =	vunpack.i.u.bf16.f32 v13;
	v10 =	vadd.f32 v36, v34  }
0x2d1: {  	v6 =	vunpack.i.u.bf16.f32 v6;
	v46 =	vmul.f32 v13, v13;
	v7 =	vadd.f32 v44, v7  }
0x2d2: {  	v47 =	vld [tilespmem:s3+$0x30];
	v48 =	vmul.f32 v42, v42;
	v14 =	vunpack.i.l.bf16.f32 v5;
	v10 =	vadd.f32 v10, v11  }
0x2d3: {  	v49 =	vld [tilespmem:s4+$0x30];
	v6 =	vmul.f32 v6, v6;
	v50 =	vmul.f32 v14, v14;
	v7 =	vadd.f32 v7, v46  }
0x2d4: {  	v12 =	vsub.bf16 v40, v43;
	v5 =	vunpack.i.u.bf16.f32 v5;
	v10 =	vadd.f32 v48, v10  }
0x2d5: {  	v4 =	vunpack.i.u.bf16.f32 v4;
	v5 =	vmul.f32 v5, v5;
	v7 =	vadd.f32 v50, v7  }
0x2d6: {  	v51 =	vmul.f32 v45, v45;
	v52 =	vunpack.i.l.bf16.f32 v12;
	v6 =	vadd.f32 v10, v6  }
0x2d7: {  	v4 =	vmul.f32 v4, v4;
	v10 =	vmul.f32 v52, v52;
	v5 =	vadd.f32 v7, v5  }
0x2d8: {  	v53 =	vsub.bf16 v47, v49;
	v54 =	vunpack.i.u.bf16.f32 v12;
	v6 =	vadd.f32 v51, v6  }
0x2d9: {  	v55 =	vunpack.i.l.bf16.f32 v8;
	v9 =	vmul.f32 v54, v54;
	v5 =	vadd.f32 v10, v5  }
0x2da: {  	v56 =	vmul.f32 v55, v55;
	v57 =	vunpack.i.l.bf16.f32 v53;
	v4 =	vadd.f32 v6, v4  }
0x2db: {  	v58 =	vunpack.i.u.bf16.f32 v8;
	v6 =	vmul.f32 v57, v57;
	v5 =	vadd.f32 v5, v9  }
0x2dc: {  	v8 =	vmul.f32 v58, v58;
	v4 =	vadd.f32 v56, v4;
	v7 =	vunpack.i.u.bf16.f32 v53  }
0x2dd: {  	v7 =	vmul.f32 v7, v7;
	v5 =	vadd.f32 v6, v5  }
0x2de: {  	v4 =	vadd.f32 v4, v8  }
0x2df: {  	v5 =	vadd.f32 v5, v7  }
0x2e0: {  	(xrf2) =	vadd.scan.msk.f32 $0xffff, v4  }
0x2e1: {  	(xrf2) =	vadd.scan.msk.f32 $0xffff, v5;
	_ =	sdelay $0x7  }
0x2e2: {  	v61 =	vmov s24;
	s24 =	sshll.u32 s22, $0x4;
	s22 =	sadd.s32 $0x1, s22;
	v59, _, _ =	vpop (xrf2)  }
0x2e3: {  	p0 =	sne.s32 s22, $0x8;
	v4 =	vbroadcast v59, $0xF;
	v60, _, _ =	vpop (xrf2)  }
.Ltmp12:
0x2e4: {  	v63 =	vmov s23;
	v5 =	vbroadcast v60, $0xF;
	v62, _, _ =	vpop (xrf2);
	(pc) =	sbr.rel @p0 .LBB2_25-.Ltmp12, $4  }
0x2e5: {  	vm14 =	veq.s32 v61, v1;
	v3 =	vsel vm0, v4, v3;
	v6 =	vbroadcast v62, $0xF  }
0x2e6: {  	vm15 =	veq.s32 v63, v1;
	v3 =	vsel vm14, v5, v3  }
0x2e7: {  	s3 =	sand.u32 $0x3FFFFFF0, s24;
	v3 =	vsel vm15, v6, v3  }
0x2e8: {  	s2 =	sadd.s32 $0x800, s2;
	s21 =	sadd.s32 $0x800, s21;
	[tilespmem:s3+$0x10200] =	vst v3  }
0x2e9: {  	s2 =	sadd.s32 s12, s1;
	s1 =	simm.s32 $0x0  }
0x2ea: {  	[hbm4b:s2+s1] =	stream.linear.scatter [tilespmem:s0], [sflag:$0x5], $0x80, $0x38;
	[tilespmem:$0x15180] =	vst v63  }
0x2eb: {  	_ =	swait.ge [sflag:s17], $0x80  }
0x2ec: {  	[sflag:s17] =	ssyncset.done $0x0  }
0x2ed: {  	[sflag:s17] =	ssyncadd.s32 $0xFFFFFF80  }
0x2ee: {  	_ =	swait.ge [sflag:s30], $0x4000  }
0x2ef: {  	[sflag:s30] =	ssyncset.done $0x0  }
0x2f0: {  	[sflag:s30] =	ssyncadd.s32 $0xFFFFC000  }
0x2f1: {  	_ =	swait.ge [sflag:s31], $0x4000  }
0x2f2: {  	s21 =	simm.s32 $0xC240;
	[sflag:s31] =	ssyncset.done $0x0  }
0x2f3: {  	s22 =	simm.s32 $0x0;
	s2 =	simm.s32 $0x8240;
	[sflag:s31] =	ssyncadd.s32 $0xFFFFC000  }
.LBB2_29:
0x2f4: {  	v3 =	vld [tilespmem:s2+$0xFFFFFFC0]  }
0x2f5: {  	v4 =	vld [tilespmem:s21+$0xFFFFFFC0]  }
0x2f6: {  	v5 =	vld [tilespmem:s2+$0xFFFFFFD0]  }
0x2f7: {  	v6 =	vld [tilespmem:s21+$0xFFFFFFD0]  }
0x2f8: {  	v7 =	vld [tilespmem:s2+$0xFFFFFFE0]  }
0x2f9: {  	v8 =	vld [tilespmem:s21+$0xFFFFFFE0]  }
0x2fa: {  	v9 =	vld [tilespmem:s21+$0x30];
	v3 =	vsub.bf16 v3, v4  }
0x2fb: {  	v11 =	vld [tilespmem:s21+$0x20]  }
0x2fc: {  	v13 =	vld [tilespmem:s2+$0xFFFFFFF0];
	v5 =	vsub.bf16 v5, v6;
	v10 =	vunpack.i.u.bf16.f32 v3;
	v3 =	vunpack.i.l.bf16.f32 v3  }
0x2fd: {  	v14 =	vld [tilespmem:s21+$0x10];
	v3 =	vmul.f32 v3, v3;
	v10 =	vmul.f32 v10, v10  }
0x2fe: {  	v16 =	vld [tilespmem:s21+$0x0];
	v12 =	vunpack.i.l.bf16.f32 v5  }
0x2ff: {  	s3 =	sadd.s32 $0x80, s2;
	v3 =	vadd.f32 v3, v10;
	v10 =	vmul.f32 v12, v12;
	v12 =	vld [tilespmem:s21+$0xFFFFFFF0]  }
0x300: {  	v18 =	vld [tilespmem:s3+$0xFFFFFFC0];
	v7 =	vsub.bf16 v7, v8;
	v5 =	vunpack.i.u.bf16.f32 v5  }
0x301: {  	v4 =	vld [tilespmem:s2+$0x30];
	v5 =	vmul.f32 v5, v5;
	v3 =	vadd.f32 v10, v3  }
0x302: {  	v6 =	vld [tilespmem:s2+$0x20];
	v15 =	vunpack.i.l.bf16.f32 v7  }
0x303: {  	v10 =	vld [tilespmem:s2+$0x0];
	v3 =	vadd.f32 v3, v5;
	v5 =	vmul.f32 v15, v15  }
0x304: {  	v8 =	vld [tilespmem:s2+$0x10];
	v7 =	vunpack.i.u.bf16.f32 v7;
	v12 =	vsub.bf16 v13, v12  }
0x305: {  	s4 =	sadd.s32 $0x80, s21;
	v15 =	vld [tilespmem:s3+$0xFFFFFFE0];
	v3 =	vadd.f32 v5, v3;
	v5 =	vmul.f32 v7, v7  }
0x306: {  	v13 =	vld [tilespmem:s4+$0xFFFFFFE0];
	v17 =	vunpack.i.l.bf16.f32 v12  }
0x307: {  	v3 =	vadd.f32 v3, v5;
	v5 =	vmul.f32 v17, v17;
	v17 =	vld [tilespmem:s4+$0xFFFFFFC0]  }
0x308: {  	v7 =	vld [tilespmem:s3+$0xFFFFFFD0];
	v12 =	vunpack.i.u.bf16.f32 v12;
	v10 =	vsub.bf16 v10, v16  }
0x309: {  	v9 =	vsub.bf16 v4, v9;
	v16 =	vld [tilespmem:s4+$0xFFFFFFD0];
	v3 =	vadd.f32 v5, v3;
	v5 =	vmul.f32 v12, v12  }
0x30a: {  	v8 =	vsub.bf16 v8, v14;
	v6 =	vsub.bf16 v6, v11;
	v4 =	vunpack.i.l.bf16.f32 v10  }
0x30b: {  	v4 =	vmul.f32 v4, v4;
	v11 =	vsub.bf16 v15, v13;
	v3 =	vadd.f32 v3, v5  }
0x30c: {  	v19 =	vld [tilespmem:s4+$0x30];
	v12 =	vunpack.i.l.bf16.f32 v6;
	v5 =	vunpack.i.u.bf16.f32 v10;
	v10 =	vsub.bf16 v18, v17  }
0x30d: {  	v20 =	vld [tilespmem:s4+$0x0];
	v3 =	vadd.f32 v4, v3;
	v4 =	vmul.f32 v5, v5;
	v5 =	vunpack.i.l.bf16.f32 v8  }
0x30e: {  	v15 =	vld [tilespmem:s3+$0xFFFFFFF0];
	v7 =	vsub.bf16 v7, v16;
	v16 =	vunpack.i.u.bf16.f32 v6;
	v13 =	vmul.f32 v5, v5  }
0x30f: {  	v6 =	vld [tilespmem:s3+$0x10];
	v14 =	vunpack.i.u.bf16.f32 v10;
	v10 =	vunpack.i.l.bf16.f32 v10;
	v3 =	vadd.f32 v3, v4  }
0x310: {  	v18 =	vld [tilespmem:s3+$0x30];
	v8 =	vunpack.i.u.bf16.f32 v8;
	v10 =	vmul.f32 v10, v10;
	v14 =	vmul.f32 v14, v14  }
0x311: {  	v8 =	vmul.f32 v8, v8;
	v5 =	vld [tilespmem:s4+$0x20];
	v3 =	vadd.f32 v13, v3;
	v13 =	vunpack.i.l.bf16.f32 v7  }
0x312: {  	v12 =	vmul.f32 v12, v12;
	v10 =	vadd.f32 v10, v14;
	v14 =	vld [tilespmem:s4+$0xFFFFFFF0];
	v13 =	vmul.f32 v13, v13  }
0x313: {  	v16 =	vmul.f32 v16, v16;
	v17 =	vunpack.i.u.bf16.f32 v7;
	v4 =	vld [tilespmem:s3+$0x20];
	v3 =	vadd.f32 v3, v8  }
0x314: {  	v7 =	vld [tilespmem:s4+$0x10];
	v8 =	vunpack.i.l.bf16.f32 v9;
	v10 =	vadd.f32 v13, v10;
	v13 =	vmul.f32 v17, v17  }
0x315: {  	v17 =	vld [tilespmem:s3+$0x0];
	s3 =	sadd.s32 $0x80, s3;
	v3 =	vadd.f32 v12, v3;
	v12 =	vunpack.i.u.bf16.f32 v9;
	v9 =	vunpack.i.l.bf16.f32 v11  }
0x316: {  	s4 =	sadd.s32 $0x80, s4;
	v8 =	vmul.f32 v8, v8;
	v13 =	vadd.f32 v10, v13;
	v21 =	vmul.f32 v9, v9;
	v9 =	vld [tilespmem:s3+$0xFFFFFFE0]  }
0x317: {  	v11 =	vunpack.i.u.bf16.f32 v11;
	v14 =	vsub.bf16 v15, v14;
	v10 =	vld [tilespmem:s4+$0xFFFFFFE0];
	v3 =	vadd.f32 v3, v16  }
0x318: {  	v15 =	vmul.f32 v12, v12;
	v11 =	vmul.f32 v11, v11;
	v12 =	vld [tilespmem:s3+$0xFFFFFFD0];
	v16 =	vadd.f32 v21, v13  }
0x319: {  	v13 =	vld [tilespmem:s4+$0xFFFFFFD0];
	v8 =	vadd.f32 v8, v3  }
0x31a: {  	v22 =	vmov s1;
	v63 =	vunpack.i.l.bf16.f32 v14;
	v23 =	vadd.f32 v16, v11;
	v16 =	vld [tilespmem:s3+$0xFFFFFFC0]  }
0x31b: {  	v21 =	vmul.f32 v63, v63;
	v11 =	vsub.bf16 v17, v20;
	v17 =	vld [tilespmem:s4+$0xFFFFFFC0];
	v24 =	vadd.f32 v8, v15  }
0x31c: {  	vm0 =	veq.s32 v22, v1;
	v3 =	vimm.f32 $0.0e+00;
	v8 =	vunpack.i.u.bf16.f32 v14  }
0x31d: {  	s24 =	simm.s32 $0x1;
	s23 =	simm.s32 $0x2;
	s5 =	simm.s32 $0x3;
	v14 =	vadd.f32 v21, v23;
	v15 =	vmul.f32 v8, v8;
	v8 =	vsub.bf16 v18, v19;
	(xrf2) =	vadd.scan.msk.f32 $0xffff, v24  }
.LBB2_30:
0x31e: {  	p0 =	sne.s32 s5, $0xF;
	v18 =	vunpack.i.l.bf16.f32 v11;
	v6 =	vsub.bf16 v6, v7;
	v19 =	vsub.bf16 v4, v5  }
0x31f: {  	v20 =	vsub.bf16 v9, v10;
	v4 =	vadd.f32 v14, v15;
	v5 =	vmul.f32 v18, v18  }
0x320: {  	v9 =	vsub.bf16 v12, v13;
	v10 =	vunpack.i.u.bf16.f32 v11;
	v7 =	vsub.bf16 v16, v17;
	v18 =	vld [tilespmem:s3+$0x30]  }
0x321: {  	v10 =	vmul.f32 v10, v10;
	v13 =	vunpack.i.u.bf16.f32 v8;
	v21 =	vld [tilespmem:s4+$0x30];
	v11 =	vadd.f32 v5, v4  }
0x322: {  	v8 =	vunpack.i.l.bf16.f32 v8;
	v12 =	vunpack.i.l.bf16.f32 v6;
	v14 =	vunpack.i.l.bf16.f32 v19;
	v4 =	vld [tilespmem:s3+$0x20]  }
0x323: {  	v12 =	vmul.f32 v12, v12;
	v5 =	vld [tilespmem:s4+$0x20];
	v10 =	vadd.f32 v11, v10;
	v11 =	vunpack.i.u.bf16.f32 v6  }
0x324: {  	v15 =	vunpack.i.u.bf16.f32 v7;
	v7 =	vunpack.i.l.bf16.f32 v7;
	v6 =	vld [tilespmem:s3+$0x10];
	v22 =	vmul.f32 v11, v11  }
0x325: {  	v16 =	vmul.f32 v7, v7;
	v15 =	vmul.f32 v15, v15;
	v7 =	vld [tilespmem:s4+$0x10];
	v10 =	vadd.f32 v12, v10  }
0x326: {  	v19 =	vunpack.i.u.bf16.f32 v19;
	v14 =	vmul.f32 v14, v14;
	v12 =	vunpack.i.l.bf16.f32 v9;
	v17 =	vld [tilespmem:s3+$0xFFFFFFF0]  }
0x327: {  	v15 =	vadd.f32 v16, v15;
	v12 =	vmul.f32 v12, v12;
	v16 =	vld [tilespmem:s4+$0xFFFFFFF0];
	v10 =	vadd.f32 v10, v22;
	v11, _, _ =	vpop (xrf2)  }
0x328: {  	v19 =	vmul.f32 v19, v19;
	v9 =	vunpack.i.u.bf16.f32 v9;
	v22 =	vld [tilespmem:s3+$0x0];
	v11 =	vbroadcast v11, $0xF  }
0x329: {  	v12 =	vadd.f32 v12, v15;
	v15 =	vmul.f32 v9, v9;
	s3 =	sadd.s32 $0x80, s3;
	v23 =	vld [tilespmem:s4+$0x0];
	v14 =	vadd.f32 v14, v10  }
0x32a: {  	v24 =	vunpack.i.l.bf16.f32 v20;
	v8 =	vmul.f32 v8, v8;
	s4 =	sadd.s32 $0x80, s4;
	v9 =	vld [tilespmem:s3+$0xFFFFFFE0];
	v3 =	vsel vm0, v11, v3  }
0x32b: {  	v11 =	vadd.f32 v12, v15;
	v15 =	vmul.f32 v24, v24;
	v10 =	vld [tilespmem:s4+$0xFFFFFFE0];
	v14 =	vadd.f32 v14, v19  }
0x32c: {  	v24 =	vmul.f32 v13, v13;
	v19 =	vunpack.i.u.bf16.f32 v20;
	v12 =	vld [tilespmem:s3+$0xFFFFFFD0];
	v20 =	vsub.bf16 v17, v16  }
.Ltmp13:
0x32d: {  	v11 =	vadd.f32 v15, v11;
	v15 =	vmul.f32 v19, v19;
	v13 =	vld [tilespmem:s4+$0xFFFFFFD0];
	v8 =	vadd.f32 v8, v14;
	(pc) =	sbr.rel @p0 .LBB2_30-.Ltmp13, $4  }
0x32e: {  	v19 =	vmov s24;
	s24 =	smov.u32 s23;
	s23 =	smov.u32 s5;
	v16 =	vld [tilespmem:s3+$0xFFFFFFC0];
	v14 =	vunpack.i.l.bf16.f32 v20  }
0x32f: {  	v15 =	vadd.f32 v11, v15;
	v17 =	vld [tilespmem:s4+$0xFFFFFFC0];
	v14 =	vmul.f32 v14, v14;
	v24 =	vadd.f32 v8, v24  }
0x330: {  	vm0 =	veq.s32 v19, v1;
	v11 =	vsub.bf16 v22, v23;
	v8 =	vunpack.i.u.bf16.f32 v20  }
0x331: {  	s5 =	sadd.s32 $0x1, s5;
	v14 =	vadd.f32 v14, v15;
	v15 =	vmul.f32 v8, v8;
	v8 =	vsub.bf16 v18, v21;
	(xrf2) =	vadd.scan.msk.f32 $0xffff, v24  }
0x332: {  	_ =	sdelay $0x1  }
0x333: {  	v16 =	vsub.bf16 v16, v17;
	_ =	sdelay $0x1  }
0x334: {  	v12 =	vsub.bf16 v12, v13;
	v21 =	vunpack.i.u.bf16.f32 v16;
	v16 =	vunpack.i.l.bf16.f32 v16  }
0x335: {  	v16 =	vmul.f32 v16, v16;
	v13 =	vmul.f32 v21, v21  }
0x336: {  	v18 =	vld [tilespmem:s3+$0xFFFFFFF0];
	v22 =	vunpack.i.l.bf16.f32 v12  }
0x337: {  	v24 =	vld [tilespmem:s4+$0xFFFFFFF0];
	v23 =	vmul.f32 v22, v22;
	v13 =	vadd.f32 v16, v13  }
0x338: {  	v9 =	vsub.bf16 v9, v10;
	v25 =	vunpack.i.u.bf16.f32 v12  }
0x339: {  	v10 =	vmul.f32 v25, v25;
	v26 =	vadd.f32 v23, v13  }
0x33a: {  	v27 =	vld [tilespmem:s3+$0x0];
	v28 =	vunpack.i.l.bf16.f32 v9  }
0x33b: {  	v19 =	vld [tilespmem:s4+$0x0];
	v29 =	vmul.f32 v28, v28;
	v10 =	vadd.f32 v26, v10  }
0x33c: {  	v9 =	vunpack.i.u.bf16.f32 v9;
	v30 =	vsub.bf16 v18, v24  }
0x33d: {  	v31 =	vunpack.i.l.bf16.f32 v11;
	v9 =	vmul.f32 v9, v9;
	v10 =	vadd.f32 v29, v10  }
0x33e: {  	v6 =	vsub.bf16 v6, v7;
	v4 =	vsub.bf16 v4, v5;
	v32 =	vld [tilespmem:s3+$0x10];
	v33 =	vunpack.i.l.bf16.f32 v30  }
0x33f: {  	v35 =	vld [tilespmem:s4+$0x10];
	v38 =	vunpack.i.u.bf16.f32 v11;
	v7 =	vmul.f32 v33, v33;
	v9 =	vadd.f32 v10, v9  }
0x340: {  	v34 =	vadd.f32 v14, v15;
	v37 =	vunpack.i.u.bf16.f32 v30;
	v13 =	vsub.bf16 v27, v19  }
0x341: {  	v36 =	vmul.f32 v31, v31;
	v39 =	vmul.f32 v37, v37;
	v7 =	vadd.f32 v7, v9  }
0x342: {  	v40 =	vld [tilespmem:s3+$0x20];
	v11 =	vmul.f32 v38, v38;
	v42 =	vunpack.i.l.bf16.f32 v6;
	v41 =	vunpack.i.l.bf16.f32 v13  }
0x343: {  	v43 =	vld [tilespmem:s4+$0x20];
	v45 =	vunpack.i.l.bf16.f32 v4;
	v44 =	vmul.f32 v41, v41;
	v7 =	vadd.f32 v7, v39  }
0x344: {  	v5 =	vsub.bf16 v32, v35;
	v13 =	vunpack.i.u.bf16.f32 v13;
	v10 =	vadd.f32 v36, v34  }
0x345: {  	v6 =	vunpack.i.u.bf16.f32 v6;
	v46 =	vmul.f32 v13, v13;
	v7 =	vadd.f32 v44, v7  }
0x346: {  	v47 =	vld [tilespmem:s3+$0x30];
	v48 =	vmul.f32 v42, v42;
	v14 =	vunpack.i.l.bf16.f32 v5;
	v10 =	vadd.f32 v10, v11  }
0x347: {  	v49 =	vld [tilespmem:s4+$0x30];
	v6 =	vmul.f32 v6, v6;
	v50 =	vmul.f32 v14, v14;
	v7 =	vadd.f32 v7, v46  }
0x348: {  	v12 =	vsub.bf16 v40, v43;
	v5 =	vunpack.i.u.bf16.f32 v5;
	v10 =	vadd.f32 v48, v10  }
0x349: {  	v4 =	vunpack.i.u.bf16.f32 v4;
	v5 =	vmul.f32 v5, v5;
	v7 =	vadd.f32 v50, v7  }
0x34a: {  	v51 =	vmul.f32 v45, v45;
	v52 =	vunpack.i.l.bf16.f32 v12;
	v6 =	vadd.f32 v10, v6  }
0x34b: {  	v4 =	vmul.f32 v4, v4;
	v10 =	vmul.f32 v52, v52;
	v5 =	vadd.f32 v7, v5  }
0x34c: {  	v53 =	vsub.bf16 v47, v49;
	v54 =	vunpack.i.u.bf16.f32 v12;
	v6 =	vadd.f32 v51, v6  }
0x34d: {  	v55 =	vunpack.i.l.bf16.f32 v8;
	v9 =	vmul.f32 v54, v54;
	v5 =	vadd.f32 v10, v5  }
0x34e: {  	v56 =	vmul.f32 v55, v55;
	v57 =	vunpack.i.l.bf16.f32 v53;
	v4 =	vadd.f32 v6, v4  }
0x34f: {  	v58 =	vunpack.i.u.bf16.f32 v8;
	v6 =	vmul.f32 v57, v57;
	v5 =	vadd.f32 v5, v9  }
0x350: {  	v8 =	vmul.f32 v58, v58;
	v4 =	vadd.f32 v56, v4;
	v7 =	vunpack.i.u.bf16.f32 v53  }
0x351: {  	v7 =	vmul.f32 v7, v7;
	v5 =	vadd.f32 v6, v5  }
0x352: {  	v4 =	vadd.f32 v4, v8  }
0x353: {  	v5 =	vadd.f32 v5, v7  }
0x354: {  	(xrf2) =	vadd.scan.msk.f32 $0xffff, v4  }
0x355: {  	(xrf2) =	vadd.scan.msk.f32 $0xffff, v5;
	_ =	sdelay $0x7  }
0x356: {  	v61 =	vmov s24;
	s24 =	sshll.u32 s22, $0x4;
	s22 =	sadd.s32 $0x1, s22;
	v59, _, _ =	vpop (xrf2)  }
0x357: {  	p0 =	sne.s32 s22, $0x8;
	v4 =	vbroadcast v59, $0xF;
	v60, _, _ =	vpop (xrf2)  }
.Ltmp14:
0x358: {  	v63 =	vmov s23;
	v5 =	vbroadcast v60, $0xF;
	v62, _, _ =	vpop (xrf2);
	(pc) =	sbr.rel @p0 .LBB2_29-.Ltmp14, $4  }
0x359: {  	vm14 =	veq.s32 v61, v1;
	v3 =	vsel vm0, v4, v3;
	v6 =	vbroadcast v62, $0xF  }
0x35a: {  	vm15 =	veq.s32 v63, v1;
	v3 =	vsel vm14, v5, v3  }
0x35b: {  	s3 =	sand.u32 $0x3FFFFFF0, s24;
	v3 =	vsel vm15, v6, v3  }
0x35c: {  	s2 =	sadd.s32 $0x800, s2;
	s21 =	sadd.s32 $0x800, s21;
	[tilespmem:s3+$0x10200] =	vst v3  }
0x35d: {  	s15 =	sadd.s32 $0x1, s15  }
0x35e: {  	p0 =	sne.s32 s15, $0x14  }
.Ltmp15:
0x35f: {  	s1 =	sadd.s32 s12, s16;
	s2 =	simm.s32 $0x0;
	(pc) =	sbr.rel @p0 .LBB2_24-.Ltmp15, $4  }
0x360: {  	[hbm4b:s1+s2] =	stream.linear.scatter [tilespmem:s0], [sflag:$0x5], $0x80, $0x38;
	[tilespmem:$0x15180] =	vst v63  }
0x361: {  	_ =	swait.ge [sflag:s17], $0x80  }
0x362: {  	[sflag:s17] =	ssyncset.done $0x0  }
0x363: {  	[sflag:s17] =	ssyncadd.s32 $0xFFFFFF80  }
0x364: {  	s1 =	rddreg [dreg:$0x5];
	s2 =	simm.s32 $0x400  }
0x365: {  	[hbm4b:s1+s18] =	stream.strided.scatter [tilespmem:s28], [sflag:$0x5], $0x2780, s2, s18, $0x38;
	[tilespmem:$0x15180] =	vst v63  }
0x366: {  	_ =	swait.ge [sflag:s17], $0x2780  }
0x367: {  	[sflag:s17] =	ssyncset.done $0x0  }
0x368: {  	s22 =	rddreg [dreg:$0x6];
	[sflag:s17] =	ssyncadd.s32 $0xFFFFD880  }
0x369: {  	[hbm4b:s22+s18] =	stream.strided.scatter [tilespmem:s29], [sflag:$0x5], $0x2780, s2, s18, $0x38;
	[tilespmem:$0x15180] =	vst v63  }
0x36a: {  	_ =	swait.ge [sflag:s17], $0x2780  }
0x36b: {  	s23 =	rddreg [dreg:$0x8]  }
0x36c: {  	s24 =	rddreg [dreg:$0x7];
	s2 =	sadd.s32 $0x1, s23  }
0x36d: {  	p0 =	sne.s32 s2, s24  }
.Ltmp16:
0x36e: {  	_ = 	snop;
	(pc) =	sbr.rel @p0 .LBB2_1-.Ltmp16, $3  }
0x36f: {  	_ =	sdelay $0x1  }
0x370: {  	[sflag:s17] =	ssyncset.done $0x0  }
0x371: {  	s5 =	rddreg [dreg:$0x2];
	[sflag:s17] =	ssyncadd.s32 $0xFFFFD880  }
0x372: {  	_ =	sfence.sel $0x180000  }
0x373: {  	[bflag:$0x0] =	sbarrier.arrive $0xFFFF  }
0x374: {  	_ =	strace $0x90000047  }
0x375: {  	s0 =	stileid.u32;
	[bflag:$0x2] =	sbarrier.arrive $0xFFFF  }
0x376: {  	p0 =	sne.s32 s0, $0x0;
	s0 =	rddreg [dreg:$0x1]  }
0x377: {  	s0 =	sadd.s32 @!p0 $0x100000, s0  }
0x378: {  	[sflag:s0] =	ssyncadd.tile.s32 @!p0 $0x1;
	_ =	shalt  }
.Lfunc_end2:
_tile_overlayer_lowered:
.L_overlay_start_2:
0x379: {  	(tag) =	ssettag $0x2  }
0x37a: {  	s0 =	rddreg [dreg:$0x0];
	s2 =	stileid.u32  }
0x37b: {  	s1 =	rddreg [dreg:$0x1];
	p0 =	sne.s32 s2, $0x0  }
0x37c: {  	s3 =	rddreg [dreg:$0x2];
	[bflag:$0x3] =	sbarrier.arrive $0xFFFF;
	s2 =	simm.s32 @!p0 $0x1C05  }
0x37d: {  	[timem:s3], [sflag:s2] =	dma.local @!p0 [hbm:s0], s1  }
0x37e: {  	s0 =	simm.s32 @!p0 $0x5  }
0x37f: {  	_ =	swait.ge @!p0 [sflag:s0], s1  }
0x380: {  	s1 =	ssub.s32 @!p0 $0x0, s1;
	[sflag:s0] =	ssyncset.done @!p0 $0x0  }
0x381: {  	[sflag:s0] =	ssyncadd.s32 @!p0 s1  }
0x382: {  	[bflag:$0x3] =	sbarrier.arrive $0xFFFF  }
0x383: {  	_ =	shalt  }

</sc_bundles>
